<compile_context>
chip_gen: v7x
topology: tpu7x:2x2x1
jax: 0.10.2.dev20260603
libtpu: 0.0.44.dev20260713+nightly
codegen_flags: <defaults>
</compile_context>

<pallas_src>
import jax
import jax.numpy as jnp
from jax import lax
from jax.experimental import pallas as pl
from jax.experimental.pallas import tpu as pltpu
from jax.experimental.pallas import tpu_sc as plsc

N = 10000
NV = N // 16
TOPK = 32
KOUT = 17
NC, NS = 2, 16
NW = NC * NS
BLK_OUT = 8 * KOUT
UPD = 8
CAPA = 5120
CAPBUF = CAPA + 192

_NEG = float("-inf")


def _sortd(k, i):
    return plsc.sort_key_val(k, i, descending=True)


def _sorta(k, i):
    return plsc.sort_key_val(k, i, descending=False)


def _halver(a_k, a_i, b_k, b_i):
    m = a_k >= b_k
    d_k = jnp.where(m, a_k, b_k)
    d_i = jnp.where(m, a_i, b_i)
    e_k = jnp.where(m, b_k, a_k)
    e_i = jnp.where(m, b_i, a_i)
    return d_k, d_i, e_k, e_i


def _topk32_chain(cval, cidx, off):
    cval[pl.ds(off, 16)] = jnp.full((16,), _NEG, jnp.float32)
    nv = (off + 15) // 16

    def body(s, carry):
        hk, hv, lk, lv = carry
        vk = cval[pl.ds(s * 16, 16)]
        vi = cidx[pl.ds(s * 16, 16)]
        vasc_k, vasc_i = _sorta(vk, vi)
        c_k, c_i, _, _ = _halver(lk, lv, vasc_k, vasc_i)
        ca_k, ca_i = _sorta(c_k, c_i)
        d_k, d_i, e_k, e_i = _halver(hk, hv, ca_k, ca_i)
        hk, hv = _sortd(d_k, d_i)
        lk, lv = _sortd(e_k, e_i)
        return hk, hv, lk, lv

    init = (jnp.full((16,), _NEG, jnp.float32), jnp.zeros((16,), jnp.int32),
            jnp.full((16,), _NEG, jnp.float32), jnp.zeros((16,), jnp.int32))
    return lax.fori_loop(0, nv, body, init)


_IMAX = 2147483647


def _topk32_exact(cval, cidx, off):
    nv = (off + 15) // 16
    iota = lax.iota(jnp.int32, 16)
    neg16 = jnp.full((16,), _NEG, jnp.float32)
    imax16 = jnp.full((16,), _IMAX, jnp.int32)

    def ext(n, carry):
        hi_k, hi_i, lo_k, lo_i = carry

        def p1(s, c):
            bv, bi = c
            v = cval[pl.ds(s * 16, 16)]
            iv = cidx[pl.ds(s * 16, 16)]
            better = (v > bv) | ((v == bv) & (iv < bi))
            return jnp.where(better, v, bv), jnp.where(better, iv, bi)

        bv, bi = lax.fori_loop(0, nv, p1, (neg16, imax16))
        vb = lax.broadcast_in_dim(jnp.max(bv), (16,), ())
        ii = jnp.where(bv == vb, bi, imax16)
        ib = lax.broadcast_in_dim(jnp.min(ii), (16,), ())

        def p2(s, c):
            v = cval[pl.ds(s * 16, 16)]
            iv = cidx[pl.ds(s * 16, 16)]
            hit = (v == vb) & (iv == ib)
            cval[pl.ds(s * 16, 16)] = jnp.where(hit, neg16, v)
            return c

        lax.fori_loop(0, nv, p2, jnp.int32(0))

        lane = iota == (n % 16)

        def upd_hi(hk, hv, lk, lv):
            return jnp.where(lane, vb, hk), jnp.where(lane, ib, hv), lk, lv

        def upd_lo(hk, hv, lk, lv):
            return hk, hv, jnp.where(lane, vb, lk), jnp.where(lane, ib, lv)

        return lax.cond(n < 16, upd_hi, upd_lo, hi_k, hi_i, lo_k, lo_i)

    init = (neg16, jnp.zeros((16,), jnp.int32),
            neg16, jnp.zeros((16,), jnp.int32))
    return lax.fori_loop(0, TOPK, ext, init)


def _body(x_ref, rows_ref, cols_ref, vals_ref,
          rowbuf, cval, cidx, sbv, sbi, stg_r, stg_c, stg_v, sem):
    wid = lax.axis_index("s") * NC + lax.axis_index("c")
    nblk_w = 40 - (wid >= 2).astype(jnp.int32)
    ns = 8 * nblk_w

    iota = lax.iota(jnp.int32, 16)
    lane0 = iota == 0
    sel16 = jnp.maximum(0, 2 * iota - 1)
    neg16 = jnp.full((16,), _NEG, jnp.float32)

    def row_of(s):
        return 8 * (wid + NW * (s // 8)) + (s % 8)

    def fetch(s, half):
        pltpu.async_copy(
            x_ref.at[pl.ds(row_of(s) * N, N)],
            rowbuf.at[pl.ds(half * N, N)],
            sem,
        )

    def wait_fetch():
        pltpu.make_async_copy(
            x_ref.at[pl.ds(0, N)], rowbuf.at[pl.ds(0, N)], sem
        ).wait()

    fetch(jnp.int32(0), jnp.int32(0))
    fetch(jnp.int32(1), jnp.int32(1))

    def filt8(rbase, base16, m1, m2, tvec, offv, count):
        vs = [rowbuf[pl.ds(rbase + base16 + 16 * u, 16)] for u in range(count)]
        msks = [v >= tvec for v in vs]
        cnts = [plsc.all_reduce_population_count(m) for m in msks]
        advs = [jnp.where(c > 0, 16, 0) for c in cnts]
        for v in vs:
            nm1 = jnp.maximum(m1, v)
            m2 = jnp.maximum(m2, jnp.minimum(m1, v))
            m1 = nm1
        offs = []
        for a in advs:
            offs.append(offv)
            offv = offv + a
        offv = jnp.minimum(offv, CAPA)
        for u in range(count):
            plsc.store_scatter(cval, [offs[u] + iota], vs[u])
            plsc.store_scatter(cidx, [offs[u] + iota], iota + (base16 + 16 * u))
        return m1, m2, offv

    def compact(nvs4, tvec):
        def cbody(it, offm1):
            s = it * 64
            vs = [cval[pl.ds(s + 16 * u, 16)] for u in range(4)]
            ivs = [cidx[pl.ds(s + 16 * u, 16)] for u in range(4)]
            msks = [v >= tvec for v in vs]
            poss = [plsc.cumsum(m.astype(jnp.int32)) for m in msks]
            cnts = [plsc.all_reduce_population_count(m) for m in msks]
            for u in range(4):
                idx = jnp.minimum(offm1 + poss[u], CAPA - 16)
                plsc.store_scatter(cval, [idx], vs[u], mask=msks[u])
                plsc.store_scatter(cidx, [idx], ivs[u], mask=msks[u])
                offm1 = offm1 + cnts[u]
            return offm1

        offm1 = lax.fori_loop(0, nvs4, cbody, jnp.full((16,), -1, jnp.int32))
        return jnp.minimum(jnp.max(offm1) + 1, CAPA - 16)

    def process_row(s):
        half = (s % 3) * N
        def fbody(it, carry):
            m1, m2, tpend, offv = carry
            tvec = tpend
            m1, m2, offv = filt8(half, it * (UPD * 16), m1, m2, tvec, offv, UPD)
            tpend = lax.broadcast_in_dim(jnp.min(m2), (16,), ())
            return m1, m2, tpend, offv

        carry = (neg16, neg16, neg16, jnp.zeros((16,), jnp.int32))
        m1, m2, tvec, offv = lax.fori_loop(0, NV // UPD, fbody, carry)
        m1, m2, offv = filt8(half, (NV - 1) * 16, m1, m2, tvec, offv, 1)
        nvs = jnp.max(offv) // 16
        tfin = lax.broadcast_in_dim(jnp.min(m2), (16,), ())
        for u in range(3):
            cval[pl.ds(nvs * 16 + 16 * u, 16)] = neg16
        off = compact((nvs + 3) // 4, tfin)

        hi_k, hi_i, lo_k, lo_i = _topk32_chain(cval, cidx, off)

        nv = (off + 15) // 16
        v32 = lax.broadcast_in_dim(jnp.min(lo_k), (16,), ())

        def cge(s, c):
            v = cval[pl.ds(s * 16, 16)]
            return c + plsc.all_reduce_population_count(v >= v32)

        cnt_ge = lax.fori_loop(0, nv, cge, jnp.zeros((16,), jnp.int32))
        sbv[pl.ds(0, 16)] = hi_k
        sbv[pl.ds(16, 16)] = lo_k
        e1 = plsc.load_gather(sbv, [iota]) == plsc.load_gather(sbv, [iota + 1])
        e2 = (plsc.load_gather(sbv, [iota + 16])
              == plsc.load_gather(sbv, [jnp.minimum(iota + 17, 31)]))
        eqc = plsc.all_reduce_population_count(e1 | (e2 & (iota < 15)))
        tied = (jnp.max(cnt_ge) != 32) | (jnp.max(eqc) > 0)

        hi_k, hi_i, lo_k, lo_i = lax.cond(
            tied,
            lambda: _topk32_exact(cval, cidx, off),
            lambda: (hi_k, hi_i, lo_k, lo_i),
        )

        sbv[pl.ds(0, 16)] = hi_k
        sbv[pl.ds(16, 16)] = lo_k
        sbi[pl.ds(0, 16)] = hi_i
        sbi[pl.ds(16, 16)] = lo_i
        q = s % 8
        qo = q * KOUT
        stg_v[pl.ds(qo, 16)] = plsc.load_gather(sbv, [sel16])
        stg_c[pl.ds(qo, 16)] = plsc.load_gather(sbi, [sel16])
        pos31 = lax.broadcast_in_dim(jnp.int32(31), (16,), ())
        last_pos = lax.broadcast_in_dim(qo + 16, (16,), ())
        plsc.store_scatter(stg_v, [last_pos], plsc.load_gather(sbv, [pos31]),
                           mask=lane0)
        plsc.store_scatter(stg_c, [last_pos], plsc.load_gather(sbi, [pos31]),
                           mask=lane0)
        row_id = row_of(s)
        stg_r[pl.ds(qo, 16)] = lax.broadcast_in_dim(row_id, (16,), ())
        plsc.store_scatter(stg_r, [last_pos],
                           lax.broadcast_in_dim(row_id, (16,), ()), mask=lane0)

    def sbody(s, carry):
        wait_fetch()

        @pl.when(s + 2 < ns)
        def _():
            fetch(s + 2, (s + 2) % 3)

        process_row(s)

        @pl.when(s % 8 == 7)
        def _():
            b = wid + NW * (s // 8)
            o = b * BLK_OUT
            pltpu.sync_copy(stg_r, rows_ref.at[pl.ds(o, BLK_OUT)])
            pltpu.sync_copy(stg_c, cols_ref.at[pl.ds(o, BLK_OUT)])
            pltpu.sync_copy(stg_v, vals_ref.at[pl.ds(o, BLK_OUT)])

        return carry

    lax.fori_loop(0, ns, sbody, jnp.int32(0))


def kernel(inputs):
    x1d = jnp.reshape(inputs, (-1,))
    mesh = plsc.VectorSubcoreMesh(
        core_axis_name="c", subcore_axis_name="s", num_cores=NC, num_subcores=NS
    )
    kern = pl.kernel(
        _body,
        out_type=(
            jax.ShapeDtypeStruct((N * KOUT,), jnp.int32),
            jax.ShapeDtypeStruct((N * KOUT,), jnp.int32),
            jax.ShapeDtypeStruct((N * KOUT,), jnp.float32),
        ),
        mesh=mesh,
        compiler_params=pltpu.CompilerParams(needs_layout_passes=False),
        scratch_types=[
            pltpu.VMEM((3 * N,), jnp.float32),
            pltpu.VMEM((CAPBUF,), jnp.float32),
            pltpu.VMEM((CAPBUF,), jnp.int32),
            pltpu.VMEM((TOPK,), jnp.float32),
            pltpu.VMEM((TOPK,), jnp.int32),
            pltpu.VMEM((BLK_OUT,), jnp.int32),
            pltpu.VMEM((BLK_OUT,), jnp.int32),
            pltpu.VMEM((BLK_OUT,), jnp.float32),
            pltpu.SemaphoreType.DMA,
        ],
    )
    rows, cols, values = kern(x1d)
    return rows, cols, values

# --- scband reference (transcript-rebuilt; emitter-appended) ---
"""Pipeline reference for scband-dilated-top-k-22428319220265 (READ-ONLY COPY).

The authoritative reference and input builder live on the scoring server;
editing this copy changes nothing except your own understanding.
"""

import jax, jax.numpy as jnp
import numpy as np

N = 10000
K = 16
D = 2

def setup_inputs(seed: int = 0) -> dict:
    key = jax.random.key(seed)
    inputs = jax.random.normal(key, (N, N), dtype=jnp.float32)
    return {"inputs": inputs}

def reference(inputs):
    similarities = inputs
    top_k = K * D if K != 1 else K + 1
    vals, inds = jax.lax.top_k(similarities, top_k)
    # non-random dilation: indices [0, 1, 1+d, 1+2d, ...]
    dilation_indices = jnp.concatenate([jnp.array([0], dtype=jnp.int32), jnp.arange(1, top_k, D, dtype=jnp.int32)], axis=0)
    vals = jnp.take(vals, dilation_indices, axis=-1)
    inds = jnp.take(inds, dilation_indices, axis=-1)
    values = jnp.reshape(vals, (-1,))
    cols = jnp.reshape(inds, (-1,))
    rows = jnp.repeat(jnp.arange(0, N, dtype=jnp.int32), K + 1)
    return rows, cols, values

if __name__ == "__main__":
    import jax
    _d = setup_inputs()
    print(jax.jit(kernel)(*tuple(_d.values())))

</pallas_src>

<mosaic_0001>
#map = affine_map<(d0, d1) -> (0)>
module attributes {stable_mosaic.version = 14 : i64} {
  func.func @_body(%arg0: i32, %arg1: i32, %arg2: memref<100000000xf32, #tpu.memory_space<hbm>>, %arg3: memref<170000xi32, #tpu.memory_space<hbm>>, %arg4: memref<170000xi32, #tpu.memory_space<hbm>>, %arg5: memref<170000xf32, #tpu.memory_space<hbm>>, %arg6: memref<30000xf32, #tpu.memory_space<vmem>>, %arg7: memref<5312xf32, #tpu.memory_space<vmem>>, %arg8: memref<5312xi32, #tpu.memory_space<vmem>>, %arg9: memref<32xf32, #tpu.memory_space<vmem>>, %arg10: memref<32xi32, #tpu.memory_space<vmem>>, %arg11: memref<136xi32, #tpu.memory_space<vmem>>, %arg12: memref<136xi32, #tpu.memory_space<vmem>>, %arg13: memref<136xf32, #tpu.memory_space<vmem>>, %arg14: memref<!tpu.dma_semaphore, #tpu.memory_space<semaphore_mem>>) attributes {dimension_semantics = [#tpu.dimension_semantics<core_parallel>, #tpu.dimension_semantics<subcore_parallel>], iteration_bounds = array<i64: 2, 16>, scalar_prefetch = 0 : i64, scratch_operands = 9 : i64, tpu.core_type = #tpu.core_type<sc_vector_subcore>, window_params = [{transform_indices = #map}, {transform_indices = #map}, {transform_indices = #map}, {transform_indices = #map}]} {
    %mul3A = arith.constant 2 : i32
    %mul3A_0 = arith.muli %arg1, %mul3A : i32
    %add3A = arith.addi %mul3A_0, %arg0 : i32
    %ge3A = arith.constant 2 : i32
    %ge3A_1 = arith.cmpi sge, %add3A, %ge3A : i32
    %convert_element_type3A = arith.extui %ge3A_1 : i1 to i32
    %sub3A = arith.constant 40 : i32
    %sub3A_2 = arith.subi %sub3A, %convert_element_type3A : i32
    %mul3A_3 = arith.constant 8 : i32
    %mul3A_4 = arith.muli %mul3A_3, %sub3A_2 : i32
    %iota3A = tpu.iota {dimensions = array<i32: 0>} : vector<16xi32>
    %eq3A = arith.constant 0 : i32
    %eq3A_5 = vector.broadcast %eq3A : i32 to vector<16xi32>
    %eq3A_6 = arith.cmpi eq, %iota3A, %eq3A_5 : vector<16xi32>
    %mul3A_7 = arith.constant 2 : i32
    %mul3A_8 = vector.broadcast %mul3A_7 : i32 to vector<16xi32>
    %mul3A_9 = arith.muli %mul3A_8, %iota3A : vector<16xi32>
    %sub3A_10 = arith.constant 1 : i32
    %sub3A_11 = vector.broadcast %sub3A_10 : i32 to vector<16xi32>
    %sub3A_12 = arith.subi %mul3A_9, %sub3A_11 : vector<16xi32>
    %max3A = arith.constant 0 : i32
    %max3A_13 = vector.broadcast %max3A : i32 to vector<16xi32>
    %max3A_14 = arith.maxsi %max3A_13, %sub3A_12 : vector<16xi32>
    %broadcast_in_dim3A = arith.constant 0xFF800000 : f32
    %broadcast_in_dim3A_15 = vector.broadcast %broadcast_in_dim3A : f32 to vector<16xf32>
    %jit3A = arith.constant 0 : i32
    %jit3A_16 = arith.constant 8 : i32
    %div3A = arith.divsi %jit3A, %jit3A_16 : i32
    %sign3A = arith.constant 0 : i32
    %sign3A_17 = arith.cmpi sgt, %jit3A, %sign3A : i32
    %sign3A_18 = arith.extui %sign3A_17 : i1 to i32
    %sign3A_19 = arith.constant 0 : i32
    %sign3A_20 = arith.cmpi slt, %jit3A, %sign3A_19 : i32
    %sign3A_21 = arith.extui %sign3A_20 : i1 to i32
    %sign3A_22 = arith.subi %sign3A_18, %sign3A_21 : i32
    %sign3A_23 = arith.constant 0 : i32
    %sign3A_24 = arith.cmpi sgt, %jit3A_16, %sign3A_23 : i32
    %sign3A_25 = arith.extui %sign3A_24 : i1 to i32
    %sign3A_26 = arith.constant 0 : i32
    %sign3A_27 = arith.cmpi slt, %jit3A_16, %sign3A_26 : i32
    %sign3A_28 = arith.extui %sign3A_27 : i1 to i32
    %sign3A_29 = arith.subi %sign3A_25, %sign3A_28 : i32
    %ne3A = arith.cmpi ne, %sign3A_22, %sign3A_29 : i32
    %rem3A = arith.remsi %jit3A, %jit3A_16 : i32
    %ne3A_30 = arith.constant 0 : i32
    %ne3A_31 = arith.cmpi ne, %rem3A, %ne3A_30 : i32
    %and3A = arith.andi %ne3A, %ne3A_31 : i1
    %sub3A_32 = arith.constant 1 : i32
    %sub3A_33 = arith.subi %div3A, %sub3A_32 : i32
    %select_n3A = arith.select %and3A, %sub3A_33, %div3A : i32
    %mul3A_34 = arith.constant 32 : i32
    %mul3A_35 = arith.muli %mul3A_34, %select_n3A : i32
    %add3A_36 = arith.addi %add3A, %mul3A_35 : i32
    %mul3A_37 = arith.constant 8 : i32
    %mul3A_38 = arith.muli %mul3A_37, %add3A_36 : i32
    %jit3A_39 = arith.constant 0 : i32
    %jit3A_40 = arith.constant 8 : i32
    %eq3A_41 = arith.constant 0 : i32
    %eq3A_42 = arith.cmpi eq, %jit3A_40, %eq3A_41 : i32
    %jit3A_43 = arith.constant 1 : i32
    %select_n3A_44 = arith.select %eq3A_42, %jit3A_43, %jit3A_40 : i32
    %rem3A_45 = arith.remsi %jit3A_39, %select_n3A_44 : i32
    %ne3A_46 = arith.constant 0 : i32
    %ne3A_47 = arith.cmpi ne, %rem3A_45, %ne3A_46 : i32
    %lt3A = arith.constant 0 : i32
    %lt3A_48 = arith.cmpi slt, %rem3A_45, %lt3A : i32
    %lt3A_49 = arith.constant 0 : i32
    %lt3A_50 = arith.cmpi slt, %select_n3A_44, %lt3A_49 : i32
    %ne3A_51 = arith.xori %lt3A_48, %lt3A_50 : i1
    %and3A_52 = arith.andi %ne3A_51, %ne3A_47 : i1
    %add3A_53 = arith.addi %rem3A_45, %select_n3A_44 : i32
    %select_n3A_54 = arith.select %and3A_52, %add3A_53, %rem3A_45 : i32
    %add3A_55 = arith.addi %mul3A_38, %select_n3A_54 : i32
    %mul3A_56 = arith.constant 10000 : i32
    %mul3A_57 = arith.muli %add3A_55, %mul3A_56 : i32
    %mul3A_58 = arith.constant 0 : i32
    %mul3A_59 = arith.constant 10000 : i32
    %mul3A_60 = arith.muli %mul3A_58, %mul3A_59 : i32
    %dma_start3A = tpu.memref_slice %arg6[%mul3A_60] : memref<30000xf32, #tpu.memory_space<vmem>> -> memref<10000xf32, #tpu.memory_space<vmem>>
    %dma_start3A_61 = tpu.memref_slice %arg2[%mul3A_57] : memref<100000000xf32, #tpu.memory_space<hbm>> -> memref<10000xf32, #tpu.memory_space<hbm>>
    %dma_start3A_62 = tpu.memref_slice %arg6[%mul3A_60] : memref<30000xf32, #tpu.memory_space<vmem>> -> memref<10000xf32, #tpu.memory_space<vmem>>
    %dma_start3A_63 = tpu.memref_slice %arg2[%mul3A_57] : memref<100000000xf32, #tpu.memory_space<hbm>> -> memref<10000xf32, #tpu.memory_space<hbm>>
    tpu.enqueue_dma source(%dma_start3A_63 : memref<10000xf32, #tpu.memory_space<hbm>>) target(%dma_start3A_62 : memref<10000xf32, #tpu.memory_space<vmem>>) target_semaphore(%arg14 : memref<!tpu.dma_semaphore, #tpu.memory_space<semaphore_mem>>)
    %jit3A_64 = arith.constant 1 : i32
    %jit3A_65 = arith.constant 8 : i32
    %div3A_66 = arith.divsi %jit3A_64, %jit3A_65 : i32
    %sign3A_67 = arith.constant 0 : i32
    %sign3A_68 = arith.cmpi sgt, %jit3A_64, %sign3A_67 : i32
    %sign3A_69 = arith.extui %sign3A_68 : i1 to i32
    %sign3A_70 = arith.constant 0 : i32
    %sign3A_71 = arith.cmpi slt, %jit3A_64, %sign3A_70 : i32
    %sign3A_72 = arith.extui %sign3A_71 : i1 to i32
    %sign3A_73 = arith.subi %sign3A_69, %sign3A_72 : i32
    %sign3A_74 = arith.constant 0 : i32
    %sign3A_75 = arith.cmpi sgt, %jit3A_65, %sign3A_74 : i32
    %sign3A_76 = arith.extui %sign3A_75 : i1 to i32
    %sign3A_77 = arith.constant 0 : i32
    %sign3A_78 = arith.cmpi slt, %jit3A_65, %sign3A_77 : i32
    %sign3A_79 = arith.extui %sign3A_78 : i1 to i32
    %sign3A_80 = arith.subi %sign3A_76, %sign3A_79 : i32
    %ne3A_81 = arith.cmpi ne, %sign3A_73, %sign3A_80 : i32
    %rem3A_82 = arith.remsi %jit3A_64, %jit3A_65 : i32
    %ne3A_83 = arith.constant 0 : i32
    %ne3A_84 = arith.cmpi ne, %rem3A_82, %ne3A_83 : i32
    %and3A_85 = arith.andi %ne3A_81, %ne3A_84 : i1
    %sub3A_86 = arith.constant 1 : i32
    %sub3A_87 = arith.subi %div3A_66, %sub3A_86 : i32
    %select_n3A_88 = arith.select %and3A_85, %sub3A_87, %div3A_66 : i32
    %mul3A_89 = arith.constant 32 : i32
    %mul3A_90 = arith.muli %mul3A_89, %select_n3A_88 : i32
    %add3A_91 = arith.addi %add3A, %mul3A_90 : i32
    %mul3A_92 = arith.constant 8 : i32
    %mul3A_93 = arith.muli %mul3A_92, %add3A_91 : i32
    %jit3A_94 = arith.constant 1 : i32
    %jit3A_95 = arith.constant 8 : i32
    %eq3A_96 = arith.constant 0 : i32
    %eq3A_97 = arith.cmpi eq, %jit3A_95, %eq3A_96 : i32
    %jit3A_98 = arith.constant 1 : i32
    %select_n3A_99 = arith.select %eq3A_97, %jit3A_98, %jit3A_95 : i32
    %rem3A_100 = arith.remsi %jit3A_94, %select_n3A_99 : i32
    %ne3A_101 = arith.constant 0 : i32
    %ne3A_102 = arith.cmpi ne, %rem3A_100, %ne3A_101 : i32
    %lt3A_103 = arith.constant 0 : i32
    %lt3A_104 = arith.cmpi slt, %rem3A_100, %lt3A_103 : i32
    %lt3A_105 = arith.constant 0 : i32
    %lt3A_106 = arith.cmpi slt, %select_n3A_99, %lt3A_105 : i32
    %ne3A_107 = arith.xori %lt3A_104, %lt3A_106 : i1
    %and3A_108 = arith.andi %ne3A_107, %ne3A_102 : i1
    %add3A_109 = arith.addi %rem3A_100, %select_n3A_99 : i32
    %select_n3A_110 = arith.select %and3A_108, %add3A_109, %rem3A_100 : i32
    %add3A_111 = arith.addi %mul3A_93, %select_n3A_110 : i32
    %mul3A_112 = arith.constant 10000 : i32
    %mul3A_113 = arith.muli %add3A_111, %mul3A_112 : i32
    %mul3A_114 = arith.constant 1 : i32
    %mul3A_115 = arith.constant 10000 : i32
    %mul3A_116 = arith.muli %mul3A_114, %mul3A_115 : i32
    %dma_start3A_117 = tpu.memref_slice %arg6[%mul3A_116] : memref<30000xf32, #tpu.memory_space<vmem>> -> memref<10000xf32, #tpu.memory_space<vmem>>
    %dma_start3A_118 = tpu.memref_slice %arg2[%mul3A_113] : memref<100000000xf32, #tpu.memory_space<hbm>> -> memref<10000xf32, #tpu.memory_space<hbm>>
    %dma_start3A_119 = tpu.memref_slice %arg6[%mul3A_116] : memref<30000xf32, #tpu.memory_space<vmem>> -> memref<10000xf32, #tpu.memory_space<vmem>>
    %dma_start3A_120 = tpu.memref_slice %arg2[%mul3A_113] : memref<100000000xf32, #tpu.memory_space<hbm>> -> memref<10000xf32, #tpu.memory_space<hbm>>
    tpu.enqueue_dma source(%dma_start3A_120 : memref<10000xf32, #tpu.memory_space<hbm>>) target(%dma_start3A_119 : memref<10000xf32, #tpu.memory_space<vmem>>) target_semaphore(%arg14 : memref<!tpu.dma_semaphore, #tpu.memory_space<semaphore_mem>>)
    %while3A = arith.constant 0 : i32
    %while3A_121 = arith.constant 0 : i32
    %while3A_122 = arith.subi %mul3A_4, %while3A_121 : i32
    %while3A_123 = arith.addi %while3A_121, %while3A_122 : i32
    %while3A_124 = arith.constant 1 : i32
    %while3A_125 = arith.divsi %while3A_122, %while3A_124 : i32
    %while3A_126 = arith.muli %while3A_125, %while3A_124 : i32
    %while3A_127 = arith.addi %while3A_121, %while3A_126 : i32
    %while3A_128 = arith.constant 1 : i32
    scf.for %while3A_130 = %while3A_121 to %while3A_127 step %while3A_128  : i32 {
      %dma_wait3A = arith.constant 0 : i32
      %dma_wait3A_131 = tpu.memref_slice %arg6[%dma_wait3A] : memref<30000xf32, #tpu.memory_space<vmem>> -> memref<10000xf32, #tpu.memory_space<vmem>>
      %dma_wait3A_132 = arith.constant 0 : i32
      %dma_wait3A_133 = tpu.memref_slice %arg2[%dma_wait3A_132] : memref<100000000xf32, #tpu.memory_space<hbm>> -> memref<10000xf32, #tpu.memory_space<hbm>>
      %dma_wait3A_134 = arith.constant 0 : i32
      %dma_wait3A_135 = tpu.memref_slice %arg6[%dma_wait3A_134] : memref<30000xf32, #tpu.memory_space<vmem>> -> memref<10000xf32, #tpu.memory_space<vmem>>
      %dma_wait3A_136 = arith.constant 0 : i32
      %dma_wait3A_137 = tpu.memref_slice %arg2[%dma_wait3A_136] : memref<100000000xf32, #tpu.memory_space<hbm>> -> memref<10000xf32, #tpu.memory_space<hbm>>
      tpu.wait_dma2 semaphore(%arg14 : memref<!tpu.dma_semaphore, #tpu.memory_space<semaphore_mem>>) src(%dma_wait3A_137 : memref<10000xf32, #tpu.memory_space<hbm>>) dst(%dma_wait3A_135 : memref<10000xf32, #tpu.memory_space<vmem>>)
      %add3A_138 = arith.constant 2 : i32
      %add3A_139 = arith.addi %while3A_130, %add3A_138 : i32
      %lt3A_140 = arith.cmpi slt, %add3A_139, %mul3A_4 : i32
      %convert_element_type3A_141 = arith.extui %lt3A_140 : i1 to i32
      %cond3A = arith.constant 0 : i32
      %cond3A_142 = arith.cmpi ne, %convert_element_type3A_141, %cond3A : i32
      scf.if %cond3A_142 {
        %add3A_549 = arith.constant 2 : i32
        %add3A_550 = arith.addi %while3A_130, %add3A_549 : i32
        %add3A_551 = arith.constant 2 : i32
        %add3A_552 = arith.addi %while3A_130, %add3A_551 : i32
        %jit3A_553 = arith.constant 3 : i32
        %eq3A_554 = arith.constant 0 : i32
        %eq3A_555 = arith.cmpi eq, %jit3A_553, %eq3A_554 : i32
        %jit3A_556 = arith.constant 1 : i32
        %select_n3A_557 = arith.select %eq3A_555, %jit3A_556, %jit3A_553 : i32
        %rem3A_558 = arith.remsi %add3A_552, %select_n3A_557 : i32
        %ne3A_559 = arith.constant 0 : i32
        %ne3A_560 = arith.cmpi ne, %rem3A_558, %ne3A_559 : i32
        %lt3A_561 = arith.constant 0 : i32
        %lt3A_562 = arith.cmpi slt, %rem3A_558, %lt3A_561 : i32
        %lt3A_563 = arith.constant 0 : i32
        %lt3A_564 = arith.cmpi slt, %select_n3A_557, %lt3A_563 : i32
        %ne3A_565 = arith.xori %lt3A_562, %lt3A_564 : i1
        %and3A_566 = arith.andi %ne3A_565, %ne3A_560 : i1
        %add3A_567 = arith.addi %rem3A_558, %select_n3A_557 : i32
        %select_n3A_568 = arith.select %and3A_566, %add3A_567, %rem3A_558 : i32
        %jit3A_569 = arith.constant 8 : i32
        %div3A_570 = arith.divsi %add3A_550, %jit3A_569 : i32
        %sign3A_571 = arith.constant 0 : i32
        %sign3A_572 = arith.cmpi sgt, %add3A_550, %sign3A_571 : i32
        %sign3A_573 = arith.extui %sign3A_572 : i1 to i32
        %sign3A_574 = arith.constant 0 : i32
        %sign3A_575 = arith.cmpi slt, %add3A_550, %sign3A_574 : i32
        %sign3A_576 = arith.extui %sign3A_575 : i1 to i32
        %sign3A_577 = arith.subi %sign3A_573, %sign3A_576 : i32
        %sign3A_578 = arith.constant 0 : i32
        %sign3A_579 = arith.cmpi sgt, %jit3A_569, %sign3A_578 : i32
        %sign3A_580 = arith.extui %sign3A_579 : i1 to i32
        %sign3A_581 = arith.constant 0 : i32
        %sign3A_582 = arith.cmpi slt, %jit3A_569, %sign3A_581 : i32
        %sign3A_583 = arith.extui %sign3A_582 : i1 to i32
        %sign3A_584 = arith.subi %sign3A_580, %sign3A_583 : i32
        %ne3A_585 = arith.cmpi ne, %sign3A_577, %sign3A_584 : i32
        %rem3A_586 = arith.remsi %add3A_550, %jit3A_569 : i32
        %ne3A_587 = arith.constant 0 : i32
        %ne3A_588 = arith.cmpi ne, %rem3A_586, %ne3A_587 : i32
        %and3A_589 = arith.andi %ne3A_585, %ne3A_588 : i1
        %sub3A_590 = arith.constant 1 : i32
        %sub3A_591 = arith.subi %div3A_570, %sub3A_590 : i32
        %select_n3A_592 = arith.select %and3A_589, %sub3A_591, %div3A_570 : i32
        %mul3A_593 = arith.constant 32 : i32
        %mul3A_594 = arith.muli %mul3A_593, %select_n3A_592 : i32
        %add3A_595 = arith.addi %add3A, %mul3A_594 : i32
        %mul3A_596 = arith.constant 8 : i32
        %mul3A_597 = arith.muli %mul3A_596, %add3A_595 : i32
        %jit3A_598 = arith.constant 8 : i32
        %eq3A_599 = arith.constant 0 : i32
        %eq3A_600 = arith.cmpi eq, %jit3A_598, %eq3A_599 : i32
        %jit3A_601 = arith.constant 1 : i32
        %select_n3A_602 = arith.select %eq3A_600, %jit3A_601, %jit3A_598 : i32
        %rem3A_603 = arith.remsi %add3A_550, %select_n3A_602 : i32
        %ne3A_604 = arith.constant 0 : i32
        %ne3A_605 = arith.cmpi ne, %rem3A_603, %ne3A_604 : i32
        %lt3A_606 = arith.constant 0 : i32
        %lt3A_607 = arith.cmpi slt, %rem3A_603, %lt3A_606 : i32
        %lt3A_608 = arith.constant 0 : i32
        %lt3A_609 = arith.cmpi slt, %select_n3A_602, %lt3A_608 : i32
        %ne3A_610 = arith.xori %lt3A_607, %lt3A_609 : i1
        %and3A_611 = arith.andi %ne3A_610, %ne3A_605 : i1
        %add3A_612 = arith.addi %rem3A_603, %select_n3A_602 : i32
        %select_n3A_613 = arith.select %and3A_611, %add3A_612, %rem3A_603 : i32
        %add3A_614 = arith.addi %mul3A_597, %select_n3A_613 : i32
        %mul3A_615 = arith.constant 10000 : i32
        %mul3A_616 = arith.muli %add3A_614, %mul3A_615 : i32
        %mul3A_617 = arith.constant 10000 : i32
        %mul3A_618 = arith.muli %select_n3A_568, %mul3A_617 : i32
        %dma_start3A_619 = tpu.memref_slice %arg6[%mul3A_618] : memref<30000xf32, #tpu.memory_space<vmem>> -> memref<10000xf32, #tpu.memory_space<vmem>>
        %dma_start3A_620 = tpu.memref_slice %arg2[%mul3A_616] : memref<100000000xf32, #tpu.memory_space<hbm>> -> memref<10000xf32, #tpu.memory_space<hbm>>
        %dma_start3A_621 = tpu.memref_slice %arg6[%mul3A_618] : memref<30000xf32, #tpu.memory_space<vmem>> -> memref<10000xf32, #tpu.memory_space<vmem>>
        %dma_start3A_622 = tpu.memref_slice %arg2[%mul3A_616] : memref<100000000xf32, #tpu.memory_space<hbm>> -> memref<10000xf32, #tpu.memory_space<hbm>>
        tpu.enqueue_dma source(%dma_start3A_622 : memref<10000xf32, #tpu.memory_space<hbm>>) target(%dma_start3A_621 : memref<10000xf32, #tpu.memory_space<vmem>>) target_semaphore(%arg14 : memref<!tpu.dma_semaphore, #tpu.memory_space<semaphore_mem>>)
      } else {
      }
      %jit3A_143 = arith.constant 3 : i32
      %eq3A_144 = arith.constant 0 : i32
      %eq3A_145 = arith.cmpi eq, %jit3A_143, %eq3A_144 : i32
      %jit3A_146 = arith.constant 1 : i32
      %select_n3A_147 = arith.select %eq3A_145, %jit3A_146, %jit3A_143 : i32
      %rem3A_148 = arith.remsi %while3A_130, %select_n3A_147 : i32
      %ne3A_149 = arith.constant 0 : i32
      %ne3A_150 = arith.cmpi ne, %rem3A_148, %ne3A_149 : i32
      %lt3A_151 = arith.constant 0 : i32
      %lt3A_152 = arith.cmpi slt, %rem3A_148, %lt3A_151 : i32
      %lt3A_153 = arith.constant 0 : i32
      %lt3A_154 = arith.cmpi slt, %select_n3A_147, %lt3A_153 : i32
      %ne3A_155 = arith.xori %lt3A_152, %lt3A_154 : i1
      %and3A_156 = arith.andi %ne3A_155, %ne3A_150 : i1
      %add3A_157 = arith.addi %rem3A_148, %select_n3A_147 : i32
      %select_n3A_158 = arith.select %and3A_156, %add3A_157, %rem3A_148 : i32
      %mul3A_159 = arith.constant 10000 : i32
      %mul3A_160 = arith.muli %select_n3A_158, %mul3A_159 : i32
      %broadcast_in_dim3A_161 = arith.constant 0 : i32
      %broadcast_in_dim3A_162 = vector.broadcast %broadcast_in_dim3A_161 : i32 to vector<16xi32>
      %scan3A = arith.constant 0 : i32
      %scan3A_163 = arith.constant 78 : i32
      %scan3A_164 = arith.addi %scan3A, %scan3A_163 : i32
      %scan3A_165 = arith.constant 1 : i32
      %scan3A_166:4 = scf.for %scan3A_549 = %scan3A to %scan3A_164 step %scan3A_165 iter_args(%scan3A_550 = %broadcast_in_dim3A_15, %scan3A_551 = %broadcast_in_dim3A_15, %scan3A_552 = %broadcast_in_dim3A_15, %scan3A_553 = %broadcast_in_dim3A_162) -> (vector<16xf32>, vector<16xf32>, vector<16xf32>, vector<16xi32>)  : i32 {
        %mul3A_554 = arith.constant 128 : i32
        %mul3A_555 = arith.muli %scan3A_549, %mul3A_554 : i32
        %add3A_556 = arith.addi %mul3A_160, %mul3A_555 : i32
        %add3A_557 = arith.constant 0 : i32
        %add3A_558 = arith.addi %add3A_556, %add3A_557 : i32
        %get3A_559 = arith.index_cast %add3A_558 : i32 to index
        %get3A_560 = tpu.vector_load %arg6[%get3A_559] {strides = array<i32>} : memref<30000xf32, #tpu.memory_space<vmem>>, vector<16xf32>,
        %add3A_561 = arith.addi %mul3A_160, %mul3A_555 : i32
        %add3A_562 = arith.constant 16 : i32
        %add3A_563 = arith.addi %add3A_561, %add3A_562 : i32
        %get3A_564 = arith.index_cast %add3A_563 : i32 to index
        %get3A_565 = tpu.vector_load %arg6[%get3A_564] {strides = array<i32>} : memref<30000xf32, #tpu.memory_space<vmem>>, vector<16xf32>,
        %add3A_566 = arith.addi %mul3A_160, %mul3A_555 : i32
        %add3A_567 = arith.constant 32 : i32
        %add3A_568 = arith.addi %add3A_566, %add3A_567 : i32
        %get3A_569 = arith.index_cast %add3A_568 : i32 to index
        %get3A_570 = tpu.vector_load %arg6[%get3A_569] {strides = array<i32>} : memref<30000xf32, #tpu.memory_space<vmem>>, vector<16xf32>,
        %add3A_571 = arith.addi %mul3A_160, %mul3A_555 : i32
        %add3A_572 = arith.constant 48 : i32
        %add3A_573 = arith.addi %add3A_571, %add3A_572 : i32
        %get3A_574 = arith.index_cast %add3A_573 : i32 to index
        %get3A_575 = tpu.vector_load %arg6[%get3A_574] {strides = array<i32>} : memref<30000xf32, #tpu.memory_space<vmem>>, vector<16xf32>,
        %add3A_576 = arith.addi %mul3A_160, %mul3A_555 : i32
        %add3A_577 = arith.constant 64 : i32
        %add3A_578 = arith.addi %add3A_576, %add3A_577 : i32
        %get3A_579 = arith.index_cast %add3A_578 : i32 to index
        %get3A_580 = tpu.vector_load %arg6[%get3A_579] {strides = array<i32>} : memref<30000xf32, #tpu.memory_space<vmem>>, vector<16xf32>,
        %add3A_581 = arith.addi %mul3A_160, %mul3A_555 : i32
        %add3A_582 = arith.constant 80 : i32
        %add3A_583 = arith.addi %add3A_581, %add3A_582 : i32
        %get3A_584 = arith.index_cast %add3A_583 : i32 to index
        %get3A_585 = tpu.vector_load %arg6[%get3A_584] {strides = array<i32>} : memref<30000xf32, #tpu.memory_space<vmem>>, vector<16xf32>,
        %add3A_586 = arith.addi %mul3A_160, %mul3A_555 : i32
        %add3A_587 = arith.constant 96 : i32
        %add3A_588 = arith.addi %add3A_586, %add3A_587 : i32
        %get3A_589 = arith.index_cast %add3A_588 : i32 to index
        %get3A_590 = tpu.vector_load %arg6[%get3A_589] {strides = array<i32>} : memref<30000xf32, #tpu.memory_space<vmem>>, vector<16xf32>,
        %add3A_591 = arith.addi %mul3A_160, %mul3A_555 : i32
        %add3A_592 = arith.constant 112 : i32
        %add3A_593 = arith.addi %add3A_591, %add3A_592 : i32
        %get3A_594 = arith.index_cast %add3A_593 : i32 to index
        %get3A_595 = tpu.vector_load %arg6[%get3A_594] {strides = array<i32>} : memref<30000xf32, #tpu.memory_space<vmem>>, vector<16xf32>,
        %ge3A_596 = arith.cmpf oge, %get3A_560, %scan3A_552 : vector<16xf32>
        %ge3A_597 = arith.cmpf oge, %get3A_565, %scan3A_552 : vector<16xf32>
        %ge3A_598 = arith.cmpf oge, %get3A_570, %scan3A_552 : vector<16xf32>
        %ge3A_599 = arith.cmpf oge, %get3A_575, %scan3A_552 : vector<16xf32>
        %ge3A_600 = arith.cmpf oge, %get3A_580, %scan3A_552 : vector<16xf32>
        %ge3A_601 = arith.cmpf oge, %get3A_585, %scan3A_552 : vector<16xf32>
        %ge3A_602 = arith.cmpf oge, %get3A_590, %scan3A_552 : vector<16xf32>
        %ge3A_603 = arith.cmpf oge, %get3A_595, %scan3A_552 : vector<16xf32>
        %all_reduce_population_count3A_604 = tpu.all_reduce %ge3A_596 {dim = 0 : i64, kind = #tpu.reduction_kind<sum>} : vector<16xi1> -> vector<16xi32>
        %all_reduce_population_count3A_605 = tpu.all_reduce %ge3A_597 {dim = 0 : i64, kind = #tpu.reduction_kind<sum>} : vector<16xi1> -> vector<16xi32>
        %all_reduce_population_count3A_606 = tpu.all_reduce %ge3A_598 {dim = 0 : i64, kind = #tpu.reduction_kind<sum>} : vector<16xi1> -> vector<16xi32>
        %all_reduce_population_count3A_607 = tpu.all_reduce %ge3A_599 {dim = 0 : i64, kind = #tpu.reduction_kind<sum>} : vector<16xi1> -> vector<16xi32>
        %all_reduce_population_count3A_608 = tpu.all_reduce %ge3A_600 {dim = 0 : i64, kind = #tpu.reduction_kind<sum>} : vector<16xi1> -> vector<16xi32>
        %all_reduce_population_count3A_609 = tpu.all_reduce %ge3A_601 {dim = 0 : i64, kind = #tpu.reduction_kind<sum>} : vector<16xi1> -> vector<16xi32>
        %all_reduce_population_count3A_610 = tpu.all_reduce %ge3A_602 {dim = 0 : i64, kind = #tpu.reduction_kind<sum>} : vector<16xi1> -> vector<16xi32>
        %all_reduce_population_count3A_611 = tpu.all_reduce %ge3A_603 {dim = 0 : i64, kind = #tpu.reduction_kind<sum>} : vector<16xi1> -> vector<16xi32>
        %gt3A_612 = arith.constant 0 : i32
        %gt3A_613 = vector.broadcast %gt3A_612 : i32 to vector<16xi32>
        %gt3A_614 = arith.cmpi sgt, %all_reduce_population_count3A_604, %gt3A_613 : vector<16xi32>
        %jit3A_615 = arith.constant 16 : i32
        %jit3A_616 = arith.constant 0 : i32
        %broadcast_in_dim3A_617 = vector.broadcast %jit3A_615 : i32 to vector<16xi32>
        %broadcast_in_dim3A_618 = vector.broadcast %jit3A_616 : i32 to vector<16xi32>
        %select_n3A_619 = arith.select %gt3A_614, %broadcast_in_dim3A_617, %broadcast_in_dim3A_618 : vector<16xi1>, vector<16xi32>
        %gt3A_620 = arith.constant 0 : i32
        %gt3A_621 = vector.broadcast %gt3A_620 : i32 to vector<16xi32>
        %gt3A_622 = arith.cmpi sgt, %all_reduce_population_count3A_605, %gt3A_621 : vector<16xi32>
        %jit3A_623 = arith.constant 16 : i32
        %jit3A_624 = arith.constant 0 : i32
        %broadcast_in_dim3A_625 = vector.broadcast %jit3A_623 : i32 to vector<16xi32>
        %broadcast_in_dim3A_626 = vector.broadcast %jit3A_624 : i32 to vector<16xi32>
        %select_n3A_627 = arith.select %gt3A_622, %broadcast_in_dim3A_625, %broadcast_in_dim3A_626 : vector<16xi1>, vector<16xi32>
        %gt3A_628 = arith.constant 0 : i32
        %gt3A_629 = vector.broadcast %gt3A_628 : i32 to vector<16xi32>
        %gt3A_630 = arith.cmpi sgt, %all_reduce_population_count3A_606, %gt3A_629 : vector<16xi32>
        %jit3A_631 = arith.constant 16 : i32
        %jit3A_632 = arith.constant 0 : i32
        %broadcast_in_dim3A_633 = vector.broadcast %jit3A_631 : i32 to vector<16xi32>
        %broadcast_in_dim3A_634 = vector.broadcast %jit3A_632 : i32 to vector<16xi32>
        %select_n3A_635 = arith.select %gt3A_630, %broadcast_in_dim3A_633, %broadcast_in_dim3A_634 : vector<16xi1>, vector<16xi32>
        %gt3A_636 = arith.constant 0 : i32
        %gt3A_637 = vector.broadcast %gt3A_636 : i32 to vector<16xi32>
        %gt3A_638 = arith.cmpi sgt, %all_reduce_population_count3A_607, %gt3A_637 : vector<16xi32>
        %jit3A_639 = arith.constant 16 : i32
        %jit3A_640 = arith.constant 0 : i32
        %broadcast_in_dim3A_641 = vector.broadcast %jit3A_639 : i32 to vector<16xi32>
        %broadcast_in_dim3A_642 = vector.broadcast %jit3A_640 : i32 to vector<16xi32>
        %select_n3A_643 = arith.select %gt3A_638, %broadcast_in_dim3A_641, %broadcast_in_dim3A_642 : vector<16xi1>, vector<16xi32>
        %gt3A_644 = arith.constant 0 : i32
        %gt3A_645 = vector.broadcast %gt3A_644 : i32 to vector<16xi32>
        %gt3A_646 = arith.cmpi sgt, %all_reduce_population_count3A_608, %gt3A_645 : vector<16xi32>
        %jit3A_647 = arith.constant 16 : i32
        %jit3A_648 = arith.constant 0 : i32
        %broadcast_in_dim3A_649 = vector.broadcast %jit3A_647 : i32 to vector<16xi32>
        %broadcast_in_dim3A_650 = vector.broadcast %jit3A_648 : i32 to vector<16xi32>
        %select_n3A_651 = arith.select %gt3A_646, %broadcast_in_dim3A_649, %broadcast_in_dim3A_650 : vector<16xi1>, vector<16xi32>
        %gt3A_652 = arith.constant 0 : i32
        %gt3A_653 = vector.broadcast %gt3A_652 : i32 to vector<16xi32>
        %gt3A_654 = arith.cmpi sgt, %all_reduce_population_count3A_609, %gt3A_653 : vector<16xi32>
        %jit3A_655 = arith.constant 16 : i32
        %jit3A_656 = arith.constant 0 : i32
        %broadcast_in_dim3A_657 = vector.broadcast %jit3A_655 : i32 to vector<16xi32>
        %broadcast_in_dim3A_658 = vector.broadcast %jit3A_656 : i32 to vector<16xi32>
        %select_n3A_659 = arith.select %gt3A_654, %broadcast_in_dim3A_657, %broadcast_in_dim3A_658 : vector<16xi1>, vector<16xi32>
        %gt3A_660 = arith.constant 0 : i32
        %gt3A_661 = vector.broadcast %gt3A_660 : i32 to vector<16xi32>
        %gt3A_662 = arith.cmpi sgt, %all_reduce_population_count3A_610, %gt3A_661 : vector<16xi32>
        %jit3A_663 = arith.constant 16 : i32
        %jit3A_664 = arith.constant 0 : i32
        %broadcast_in_dim3A_665 = vector.broadcast %jit3A_663 : i32 to vector<16xi32>
        %broadcast_in_dim3A_666 = vector.broadcast %jit3A_664 : i32 to vector<16xi32>
        %select_n3A_667 = arith.select %gt3A_662, %broadcast_in_dim3A_665, %broadcast_in_dim3A_666 : vector<16xi1>, vector<16xi32>
        %gt3A_668 = arith.constant 0 : i32
        %gt3A_669 = vector.broadcast %gt3A_668 : i32 to vector<16xi32>
        %gt3A_670 = arith.cmpi sgt, %all_reduce_population_count3A_611, %gt3A_669 : vector<16xi32>
        %jit3A_671 = arith.constant 16 : i32
        %jit3A_672 = arith.constant 0 : i32
        %broadcast_in_dim3A_673 = vector.broadcast %jit3A_671 : i32 to vector<16xi32>
        %broadcast_in_dim3A_674 = vector.broadcast %jit3A_672 : i32 to vector<16xi32>
        %select_n3A_675 = arith.select %gt3A_670, %broadcast_in_dim3A_673, %broadcast_in_dim3A_674 : vector<16xi1>, vector<16xi32>
        %max3A_676 = arith.maximumf %scan3A_550, %get3A_560 : vector<16xf32>
        %min3A_677 = arith.minimumf %scan3A_550, %get3A_560 : vector<16xf32>
        %max3A_678 = arith.maximumf %scan3A_551, %min3A_677 : vector<16xf32>
        %max3A_679 = arith.maximumf %max3A_676, %get3A_565 : vector<16xf32>
        %min3A_680 = arith.minimumf %max3A_676, %get3A_565 : vector<16xf32>
        %max3A_681 = arith.maximumf %max3A_678, %min3A_680 : vector<16xf32>
        %max3A_682 = arith.maximumf %max3A_679, %get3A_570 : vector<16xf32>
        %min3A_683 = arith.minimumf %max3A_679, %get3A_570 : vector<16xf32>
        %max3A_684 = arith.maximumf %max3A_681, %min3A_683 : vector<16xf32>
        %max3A_685 = arith.maximumf %max3A_682, %get3A_575 : vector<16xf32>
        %min3A_686 = arith.minimumf %max3A_682, %get3A_575 : vector<16xf32>
        %max3A_687 = arith.maximumf %max3A_684, %min3A_686 : vector<16xf32>
        %max3A_688 = arith.maximumf %max3A_685, %get3A_580 : vector<16xf32>
        %min3A_689 = arith.minimumf %max3A_685, %get3A_580 : vector<16xf32>
        %max3A_690 = arith.maximumf %max3A_687, %min3A_689 : vector<16xf32>
        %max3A_691 = arith.maximumf %max3A_688, %get3A_585 : vector<16xf32>
        %min3A_692 = arith.minimumf %max3A_688, %get3A_585 : vector<16xf32>
        %max3A_693 = arith.maximumf %max3A_690, %min3A_692 : vector<16xf32>
        %max3A_694 = arith.maximumf %max3A_691, %get3A_590 : vector<16xf32>
        %min3A_695 = arith.minimumf %max3A_691, %get3A_590 : vector<16xf32>
        %max3A_696 = arith.maximumf %max3A_693, %min3A_695 : vector<16xf32>
        %max3A_697 = arith.maximumf %max3A_694, %get3A_595 : vector<16xf32>
        %min3A_698 = arith.minimumf %max3A_694, %get3A_595 : vector<16xf32>
        %max3A_699 = arith.maximumf %max3A_696, %min3A_698 : vector<16xf32>
        %add3A_700 = arith.addi %scan3A_553, %select_n3A_619 : vector<16xi32>
        %add3A_701 = arith.addi %add3A_700, %select_n3A_627 : vector<16xi32>
        %add3A_702 = arith.addi %add3A_701, %select_n3A_635 : vector<16xi32>
        %add3A_703 = arith.addi %add3A_702, %select_n3A_643 : vector<16xi32>
        %add3A_704 = arith.addi %add3A_703, %select_n3A_651 : vector<16xi32>
        %add3A_705 = arith.addi %add3A_704, %select_n3A_659 : vector<16xi32>
        %add3A_706 = arith.addi %add3A_705, %select_n3A_667 : vector<16xi32>
        %add3A_707 = arith.addi %add3A_706, %select_n3A_675 : vector<16xi32>
        %min3A_708 = arith.constant 5120 : i32
        %min3A_709 = vector.broadcast %min3A_708 : i32 to vector<16xi32>
        %min3A_710 = arith.minsi %add3A_707, %min3A_709 : vector<16xi32>
        %add3A_711 = arith.addi %scan3A_553, %iota3A : vector<16xi32>
        tpu.vector_store_idx %arg7[%add3A_711], %get3A_560 : memref<5312xf32, #tpu.memory_space<vmem>>[vector<16xi32>], vector<16xf32>,
        %add3A_712 = arith.addi %scan3A_553, %iota3A : vector<16xi32>
        %add3A_713 = arith.constant 0 : i32
        %add3A_714 = arith.addi %mul3A_555, %add3A_713 : i32
        %add3A_715 = vector.broadcast %add3A_714 : i32 to vector<16xi32>
        %add3A_716 = arith.addi %iota3A, %add3A_715 : vector<16xi32>
        tpu.vector_store_idx %arg8[%add3A_712], %add3A_716 : memref<5312xi32, #tpu.memory_space<vmem>>[vector<16xi32>], vector<16xi32>,
        %add3A_717 = arith.addi %add3A_700, %iota3A : vector<16xi32>
        tpu.vector_store_idx %arg7[%add3A_717], %get3A_565 : memref<5312xf32, #tpu.memory_space<vmem>>[vector<16xi32>], vector<16xf32>,
        %add3A_718 = arith.addi %add3A_700, %iota3A : vector<16xi32>
        %add3A_719 = arith.constant 16 : i32
        %add3A_720 = arith.addi %mul3A_555, %add3A_719 : i32
        %add3A_721 = vector.broadcast %add3A_720 : i32 to vector<16xi32>
        %add3A_722 = arith.addi %iota3A, %add3A_721 : vector<16xi32>
        tpu.vector_store_idx %arg8[%add3A_718], %add3A_722 : memref<5312xi32, #tpu.memory_space<vmem>>[vector<16xi32>], vector<16xi32>,
        %add3A_723 = arith.addi %add3A_701, %iota3A : vector<16xi32>
        tpu.vector_store_idx %arg7[%add3A_723], %get3A_570 : memref<5312xf32, #tpu.memory_space<vmem>>[vector<16xi32>], vector<16xf32>,
        %add3A_724 = arith.addi %add3A_701, %iota3A : vector<16xi32>
        %add3A_725 = arith.constant 32 : i32
        %add3A_726 = arith.addi %mul3A_555, %add3A_725 : i32
        %add3A_727 = vector.broadcast %add3A_726 : i32 to vector<16xi32>
        %add3A_728 = arith.addi %iota3A, %add3A_727 : vector<16xi32>
        tpu.vector_store_idx %arg8[%add3A_724], %add3A_728 : memref<5312xi32, #tpu.memory_space<vmem>>[vector<16xi32>], vector<16xi32>,
        %add3A_729 = arith.addi %add3A_702, %iota3A : vector<16xi32>
        tpu.vector_store_idx %arg7[%add3A_729], %get3A_575 : memref<5312xf32, #tpu.memory_space<vmem>>[vector<16xi32>], vector<16xf32>,
        %add3A_730 = arith.addi %add3A_702, %iota3A : vector<16xi32>
        %add3A_731 = arith.constant 48 : i32
        %add3A_732 = arith.addi %mul3A_555, %add3A_731 : i32
        %add3A_733 = vector.broadcast %add3A_732 : i32 to vector<16xi32>
        %add3A_734 = arith.addi %iota3A, %add3A_733 : vector<16xi32>
        tpu.vector_store_idx %arg8[%add3A_730], %add3A_734 : memref<5312xi32, #tpu.memory_space<vmem>>[vector<16xi32>], vector<16xi32>,
        %add3A_735 = arith.addi %add3A_703, %iota3A : vector<16xi32>
        tpu.vector_store_idx %arg7[%add3A_735], %get3A_580 : memref<5312xf32, #tpu.memory_space<vmem>>[vector<16xi32>], vector<16xf32>,
        %add3A_736 = arith.addi %add3A_703, %iota3A : vector<16xi32>
        %add3A_737 = arith.constant 64 : i32
        %add3A_738 = arith.addi %mul3A_555, %add3A_737 : i32
        %add3A_739 = vector.broadcast %add3A_738 : i32 to vector<16xi32>
        %add3A_740 = arith.addi %iota3A, %add3A_739 : vector<16xi32>
        tpu.vector_store_idx %arg8[%add3A_736], %add3A_740 : memref<5312xi32, #tpu.memory_space<vmem>>[vector<16xi32>], vector<16xi32>,
        %add3A_741 = arith.addi %add3A_704, %iota3A : vector<16xi32>
        tpu.vector_store_idx %arg7[%add3A_741], %get3A_585 : memref<5312xf32, #tpu.memory_space<vmem>>[vector<16xi32>], vector<16xf32>,
        %add3A_742 = arith.addi %add3A_704, %iota3A : vector<16xi32>
        %add3A_743 = arith.constant 80 : i32
        %add3A_744 = arith.addi %mul3A_555, %add3A_743 : i32
        %add3A_745 = vector.broadcast %add3A_744 : i32 to vector<16xi32>
        %add3A_746 = arith.addi %iota3A, %add3A_745 : vector<16xi32>
        tpu.vector_store_idx %arg8[%add3A_742], %add3A_746 : memref<5312xi32, #tpu.memory_space<vmem>>[vector<16xi32>], vector<16xi32>,
        %add3A_747 = arith.addi %add3A_705, %iota3A : vector<16xi32>
        tpu.vector_store_idx %arg7[%add3A_747], %get3A_590 : memref<5312xf32, #tpu.memory_space<vmem>>[vector<16xi32>], vector<16xf32>,
        %add3A_748 = arith.addi %add3A_705, %iota3A : vector<16xi32>
        %add3A_749 = arith.constant 96 : i32
        %add3A_750 = arith.addi %mul3A_555, %add3A_749 : i32
        %add3A_751 = vector.broadcast %add3A_750 : i32 to vector<16xi32>
        %add3A_752 = arith.addi %iota3A, %add3A_751 : vector<16xi32>
        tpu.vector_store_idx %arg8[%add3A_748], %add3A_752 : memref<5312xi32, #tpu.memory_space<vmem>>[vector<16xi32>], vector<16xi32>,
        %add3A_753 = arith.addi %add3A_706, %iota3A : vector<16xi32>
        tpu.vector_store_idx %arg7[%add3A_753], %get3A_595 : memref<5312xf32, #tpu.memory_space<vmem>>[vector<16xi32>], vector<16xf32>,
        %add3A_754 = arith.addi %add3A_706, %iota3A : vector<16xi32>
        %add3A_755 = arith.constant 112 : i32
        %add3A_756 = arith.addi %mul3A_555, %add3A_755 : i32
        %add3A_757 = vector.broadcast %add3A_756 : i32 to vector<16xi32>
        %add3A_758 = arith.addi %iota3A, %add3A_757 : vector<16xi32>
        tpu.vector_store_idx %arg8[%add3A_754], %add3A_758 : memref<5312xi32, #tpu.memory_space<vmem>>[vector<16xi32>], vector<16xi32>,
        %reduce_min3A_759 = arith.constant true
        %reduce_min3A_760 = vector.broadcast %reduce_min3A_759 : i1 to vector<16xi1>
        %reduce_min3A_761 = tpu.scan <min>, %max3A_699 masked %reduce_min3A_760 : vector<16xf32>, vector<16xi1> -> vector<16xf32>
        %reduce_min3A_762 = vector.extract %reduce_min3A_761[15] : f32 from vector<16xf32>
        %broadcast_in_dim3A_763 = vector.broadcast %reduce_min3A_762 : f32 to vector<16xf32>
        scf.yield %max3A_697, %max3A_699, %broadcast_in_dim3A_763, %min3A_710 : vector<16xf32>, vector<16xf32>, vector<16xf32>, vector<16xi32>
      }
      %scan3A_167 = arith.constant 78 : i32
      %add3A_168 = arith.constant 9984 : i32
      %add3A_169 = arith.addi %mul3A_160, %add3A_168 : i32
      %add3A_170 = arith.constant 0 : i32
      %add3A_171 = arith.addi %add3A_169, %add3A_170 : i32
      %get3A = arith.index_cast %add3A_171 : i32 to index
      %get3A_172 = tpu.vector_load %arg6[%get3A] {strides = array<i32>} : memref<30000xf32, #tpu.memory_space<vmem>>, vector<16xf32>,
      %ge3A_173 = arith.cmpf oge, %get3A_172, %scan3A_166#2 : vector<16xf32>
      %all_reduce_population_count3A = tpu.all_reduce %ge3A_173 {dim = 0 : i64, kind = #tpu.reduction_kind<sum>} : vector<16xi1> -> vector<16xi32>
      %gt3A = arith.constant 0 : i32
      %gt3A_174 = vector.broadcast %gt3A : i32 to vector<16xi32>
      %gt3A_175 = arith.cmpi sgt, %all_reduce_population_count3A, %gt3A_174 : vector<16xi32>
      %jit3A_176 = arith.constant 16 : i32
      %jit3A_177 = arith.constant 0 : i32
      %broadcast_in_dim3A_178 = vector.broadcast %jit3A_176 : i32 to vector<16xi32>
      %broadcast_in_dim3A_179 = vector.broadcast %jit3A_177 : i32 to vector<16xi32>
      %select_n3A_180 = arith.select %gt3A_175, %broadcast_in_dim3A_178, %broadcast_in_dim3A_179 : vector<16xi1>, vector<16xi32>
      %max3A_181 = arith.maximumf %scan3A_166#0, %get3A_172 : vector<16xf32>
      %min3A = arith.minimumf %scan3A_166#0, %get3A_172 : vector<16xf32>
      %max3A_182 = arith.maximumf %scan3A_166#1, %min3A : vector<16xf32>
      %add3A_183 = arith.addi %scan3A_166#3, %select_n3A_180 : vector<16xi32>
      %min3A_184 = arith.constant 5120 : i32
      %min3A_185 = vector.broadcast %min3A_184 : i32 to vector<16xi32>
      %min3A_186 = arith.minsi %add3A_183, %min3A_185 : vector<16xi32>
      %add3A_187 = arith.addi %scan3A_166#3, %iota3A : vector<16xi32>
      tpu.vector_store_idx %arg7[%add3A_187], %get3A_172 : memref<5312xf32, #tpu.memory_space<vmem>>[vector<16xi32>], vector<16xf32>,
      %add3A_188 = arith.addi %scan3A_166#3, %iota3A : vector<16xi32>
      %add3A_189 = arith.constant 9984 : i32
      %add3A_190 = vector.broadcast %add3A_189 : i32 to vector<16xi32>
      %add3A_191 = arith.addi %iota3A, %add3A_190 : vector<16xi32>
      tpu.vector_store_idx %arg8[%add3A_188], %add3A_191 : memref<5312xi32, #tpu.memory_space<vmem>>[vector<16xi32>], vector<16xi32>,
      %reduce_max3A = arith.constant true
      %reduce_max3A_192 = vector.broadcast %reduce_max3A : i1 to vector<16xi1>
      %reduce_max3A_193 = arith.constant -2147483648 : i32
      %reduce_max3A_194 = vector.broadcast %reduce_max3A_193 : i32 to vector<16xi32>
      %reduce_max3A_195 = arith.xori %min3A_186, %reduce_max3A_194 : vector<16xi32>
      %reduce_max3A_196 = tpu.scan <max>, %reduce_max3A_195 masked %reduce_max3A_192 : vector<16xi32>, vector<16xi1> -> vector<16xi32>
      %reduce_max3A_197 = arith.xori %reduce_max3A_196, %reduce_max3A_194 : vector<16xi32>
      %reduce_max3A_198 = vector.extract %reduce_max3A_197[15] : i32 from vector<16xi32>
      %jit3A_199 = arith.constant 16 : i32
      %div3A_200 = arith.divsi %reduce_max3A_198, %jit3A_199 : i32
      %sign3A_201 = arith.constant 0 : i32
      %sign3A_202 = arith.cmpi sgt, %reduce_max3A_198, %sign3A_201 : i32
      %sign3A_203 = arith.extui %sign3A_202 : i1 to i32
      %sign3A_204 = arith.constant 0 : i32
      %sign3A_205 = arith.cmpi slt, %reduce_max3A_198, %sign3A_204 : i32
      %sign3A_206 = arith.extui %sign3A_205 : i1 to i32
      %sign3A_207 = arith.subi %sign3A_203, %sign3A_206 : i32
      %sign3A_208 = arith.constant 0 : i32
      %sign3A_209 = arith.cmpi sgt, %jit3A_199, %sign3A_208 : i32
      %sign3A_210 = arith.extui %sign3A_209 : i1 to i32
      %sign3A_211 = arith.constant 0 : i32
      %sign3A_212 = arith.cmpi slt, %jit3A_199, %sign3A_211 : i32
      %sign3A_213 = arith.extui %sign3A_212 : i1 to i32
      %sign3A_214 = arith.subi %sign3A_210, %sign3A_213 : i32
      %ne3A_215 = arith.cmpi ne, %sign3A_207, %sign3A_214 : i32
      %rem3A_216 = arith.remsi %reduce_max3A_198, %jit3A_199 : i32
      %ne3A_217 = arith.constant 0 : i32
      %ne3A_218 = arith.cmpi ne, %rem3A_216, %ne3A_217 : i32
      %and3A_219 = arith.andi %ne3A_215, %ne3A_218 : i1
      %sub3A_220 = arith.constant 1 : i32
      %sub3A_221 = arith.subi %div3A_200, %sub3A_220 : i32
      %select_n3A_222 = arith.select %and3A_219, %sub3A_221, %div3A_200 : i32
      %reduce_min3A = arith.constant true
      %reduce_min3A_223 = vector.broadcast %reduce_min3A : i1 to vector<16xi1>
      %reduce_min3A_224 = tpu.scan <min>, %max3A_182 masked %reduce_min3A_223 : vector<16xf32>, vector<16xi1> -> vector<16xf32>
      %reduce_min3A_225 = vector.extract %reduce_min3A_224[15] : f32 from vector<16xf32>
      %broadcast_in_dim3A_226 = vector.broadcast %reduce_min3A_225 : f32 to vector<16xf32>
      %mul3A_227 = arith.constant 16 : i32
      %mul3A_228 = arith.muli %select_n3A_222, %mul3A_227 : i32
      %add3A_229 = arith.constant 0 : i32
      %add3A_230 = arith.addi %mul3A_228, %add3A_229 : i32
      %swap3A = arith.index_cast %add3A_230 : i32 to index
      %swap3A_231 = tpu.vector_load %arg7[%swap3A] {strides = array<i32>} : memref<5312xf32, #tpu.memory_space<vmem>>, vector<16xf32>,
      tpu.vector_store %arg7[%swap3A], %broadcast_in_dim3A_15 {strides = array<i32>} : memref<5312xf32, #tpu.memory_space<vmem>>, vector<16xf32>,
      %mul3A_232 = arith.constant 16 : i32
      %mul3A_233 = arith.muli %select_n3A_222, %mul3A_232 : i32
      %add3A_234 = arith.constant 16 : i32
      %add3A_235 = arith.addi %mul3A_233, %add3A_234 : i32
      %swap3A_236 = arith.index_cast %add3A_235 : i32 to index
      %swap3A_237 = tpu.vector_load %arg7[%swap3A_236] {strides = array<i32>} : memref<5312xf32, #tpu.memory_space<vmem>>, vector<16xf32>,
      tpu.vector_store %arg7[%swap3A_236], %broadcast_in_dim3A_15 {strides = array<i32>} : memref<5312xf32, #tpu.memory_space<vmem>>, vector<16xf32>,
      %mul3A_238 = arith.constant 16 : i32
      %mul3A_239 = arith.muli %select_n3A_222, %mul3A_238 : i32
      %add3A_240 = arith.constant 32 : i32
      %add3A_241 = arith.addi %mul3A_239, %add3A_240 : i32
      %swap3A_242 = arith.index_cast %add3A_241 : i32 to index
      %swap3A_243 = tpu.vector_load %arg7[%swap3A_242] {strides = array<i32>} : memref<5312xf32, #tpu.memory_space<vmem>>, vector<16xf32>,
      tpu.vector_store %arg7[%swap3A_242], %broadcast_in_dim3A_15 {strides = array<i32>} : memref<5312xf32, #tpu.memory_space<vmem>>, vector<16xf32>,
      %add3A_244 = arith.constant 3 : i32
      %add3A_245 = arith.addi %select_n3A_222, %add3A_244 : i32
      %jit3A_246 = arith.constant 4 : i32
      %div3A_247 = arith.divsi %add3A_245, %jit3A_246 : i32
      %sign3A_248 = arith.constant 0 : i32
      %sign3A_249 = arith.cmpi sgt, %add3A_245, %sign3A_248 : i32
      %sign3A_250 = arith.extui %sign3A_249 : i1 to i32
      %sign3A_251 = arith.constant 0 : i32
      %sign3A_252 = arith.cmpi slt, %add3A_245, %sign3A_251 : i32
      %sign3A_253 = arith.extui %sign3A_252 : i1 to i32
      %sign3A_254 = arith.subi %sign3A_250, %sign3A_253 : i32
      %sign3A_255 = arith.constant 0 : i32
      %sign3A_256 = arith.cmpi sgt, %jit3A_246, %sign3A_255 : i32
      %sign3A_257 = arith.extui %sign3A_256 : i1 to i32
      %sign3A_258 = arith.constant 0 : i32
      %sign3A_259 = arith.cmpi slt, %jit3A_246, %sign3A_258 : i32
      %sign3A_260 = arith.extui %sign3A_259 : i1 to i32
      %sign3A_261 = arith.subi %sign3A_257, %sign3A_260 : i32
      %ne3A_262 = arith.cmpi ne, %sign3A_254, %sign3A_261 : i32
      %rem3A_263 = arith.remsi %add3A_245, %jit3A_246 : i32
      %ne3A_264 = arith.constant 0 : i32
      %ne3A_265 = arith.cmpi ne, %rem3A_263, %ne3A_264 : i32
      %and3A_266 = arith.andi %ne3A_262, %ne3A_265 : i1
      %sub3A_267 = arith.constant 1 : i32
      %sub3A_268 = arith.subi %div3A_247, %sub3A_267 : i32
      %select_n3A_269 = arith.select %and3A_266, %sub3A_268, %div3A_247 : i32
      %broadcast_in_dim3A_270 = arith.constant -1 : i32
      %broadcast_in_dim3A_271 = vector.broadcast %broadcast_in_dim3A_270 : i32 to vector<16xi32>
      %while3A_272 = arith.constant 0 : i32
      %while3A_273 = arith.subi %select_n3A_269, %while3A_272 : i32
      %while3A_274 = arith.addi %while3A_272, %while3A_273 : i32
      %while3A_275 = arith.constant 1 : i32
      %while3A_276 = arith.divsi %while3A_273, %while3A_275 : i32
      %while3A_277 = arith.muli %while3A_276, %while3A_275 : i32
      %while3A_278 = arith.addi %while3A_272, %while3A_277 : i32
      %while3A_279 = arith.constant 1 : i32
      %while3A_280 = scf.for %while3A_549 = %while3A_272 to %while3A_278 step %while3A_279 iter_args(%while3A_550 = %broadcast_in_dim3A_271) -> (vector<16xi32>)  : i32 {
        %mul3A_551 = arith.constant 64 : i32
        %mul3A_552 = arith.muli %while3A_549, %mul3A_551 : i32
        %add3A_553 = arith.constant 0 : i32
        %add3A_554 = arith.addi %mul3A_552, %add3A_553 : i32
        %get3A_555 = arith.index_cast %add3A_554 : i32 to index
        %get3A_556 = tpu.vector_load %arg7[%get3A_555] {strides = array<i32>} : memref<5312xf32, #tpu.memory_space<vmem>>, vector<16xf32>,
        %add3A_557 = arith.constant 16 : i32
        %add3A_558 = arith.addi %mul3A_552, %add3A_557 : i32
        %get3A_559 = arith.index_cast %add3A_558 : i32 to index
        %get3A_560 = tpu.vector_load %arg7[%get3A_559] {strides = array<i32>} : memref<5312xf32, #tpu.memory_space<vmem>>, vector<16xf32>,
        %add3A_561 = arith.constant 32 : i32
        %add3A_562 = arith.addi %mul3A_552, %add3A_561 : i32
        %get3A_563 = arith.index_cast %add3A_562 : i32 to index
        %get3A_564 = tpu.vector_load %arg7[%get3A_563] {strides = array<i32>} : memref<5312xf32, #tpu.memory_space<vmem>>, vector<16xf32>,
        %add3A_565 = arith.constant 48 : i32
        %add3A_566 = arith.addi %mul3A_552, %add3A_565 : i32
        %get3A_567 = arith.index_cast %add3A_566 : i32 to index
        %get3A_568 = tpu.vector_load %arg7[%get3A_567] {strides = array<i32>} : memref<5312xf32, #tpu.memory_space<vmem>>, vector<16xf32>,
        %add3A_569 = arith.constant 0 : i32
        %add3A_570 = arith.addi %mul3A_552, %add3A_569 : i32
        %get3A_571 = arith.index_cast %add3A_570 : i32 to index
        %get3A_572 = tpu.vector_load %arg8[%get3A_571] {strides = array<i32>} : memref<5312xi32, #tpu.memory_space<vmem>>, vector<16xi32>,
        %add3A_573 = arith.constant 16 : i32
        %add3A_574 = arith.addi %mul3A_552, %add3A_573 : i32
        %get3A_575 = arith.index_cast %add3A_574 : i32 to index
        %get3A_576 = tpu.vector_load %arg8[%get3A_575] {strides = array<i32>} : memref<5312xi32, #tpu.memory_space<vmem>>, vector<16xi32>,
        %add3A_577 = arith.constant 32 : i32
        %add3A_578 = arith.addi %mul3A_552, %add3A_577 : i32
        %get3A_579 = arith.index_cast %add3A_578 : i32 to index
        %get3A_580 = tpu.vector_load %arg8[%get3A_579] {strides = array<i32>} : memref<5312xi32, #tpu.memory_space<vmem>>, vector<16xi32>,
        %add3A_581 = arith.constant 48 : i32
        %add3A_582 = arith.addi %mul3A_552, %add3A_581 : i32
        %get3A_583 = arith.index_cast %add3A_582 : i32 to index
        %get3A_584 = tpu.vector_load %arg8[%get3A_583] {strides = array<i32>} : memref<5312xi32, #tpu.memory_space<vmem>>, vector<16xi32>,
        %ge3A_585 = arith.cmpf oge, %get3A_556, %broadcast_in_dim3A_226 : vector<16xf32>
        %ge3A_586 = arith.cmpf oge, %get3A_560, %broadcast_in_dim3A_226 : vector<16xf32>
        %ge3A_587 = arith.cmpf oge, %get3A_564, %broadcast_in_dim3A_226 : vector<16xf32>
        %ge3A_588 = arith.cmpf oge, %get3A_568, %broadcast_in_dim3A_226 : vector<16xf32>
        %convert_element_type3A_589 = arith.extui %ge3A_585 : vector<16xi1> to vector<16xi32>
        %broadcast_in_dim3A_590 = arith.constant true
        %broadcast_in_dim3A_591 = vector.broadcast %broadcast_in_dim3A_590 : i1 to vector<16xi1>
        %masked_cumsum3A = tpu.scan <sum>, %convert_element_type3A_589 masked %broadcast_in_dim3A_591 : vector<16xi32>, vector<16xi1> -> vector<16xi32>
        %convert_element_type3A_592 = arith.extui %ge3A_586 : vector<16xi1> to vector<16xi32>
        %broadcast_in_dim3A_593 = arith.constant true
        %broadcast_in_dim3A_594 = vector.broadcast %broadcast_in_dim3A_593 : i1 to vector<16xi1>
        %masked_cumsum3A_595 = tpu.scan <sum>, %convert_element_type3A_592 masked %broadcast_in_dim3A_594 : vector<16xi32>, vector<16xi1> -> vector<16xi32>
        %convert_element_type3A_596 = arith.extui %ge3A_587 : vector<16xi1> to vector<16xi32>
        %broadcast_in_dim3A_597 = arith.constant true
        %broadcast_in_dim3A_598 = vector.broadcast %broadcast_in_dim3A_597 : i1 to vector<16xi1>
        %masked_cumsum3A_599 = tpu.scan <sum>, %convert_element_type3A_596 masked %broadcast_in_dim3A_598 : vector<16xi32>, vector<16xi1> -> vector<16xi32>
        %convert_element_type3A_600 = arith.extui %ge3A_588 : vector<16xi1> to vector<16xi32>
        %broadcast_in_dim3A_601 = arith.constant true
        %broadcast_in_dim3A_602 = vector.broadcast %broadcast_in_dim3A_601 : i1 to vector<16xi1>
        %masked_cumsum3A_603 = tpu.scan <sum>, %convert_element_type3A_600 masked %broadcast_in_dim3A_602 : vector<16xi32>, vector<16xi1> -> vector<16xi32>
        %all_reduce_population_count3A_604 = tpu.all_reduce %ge3A_585 {dim = 0 : i64, kind = #tpu.reduction_kind<sum>} : vector<16xi1> -> vector<16xi32>
        %all_reduce_population_count3A_605 = tpu.all_reduce %ge3A_586 {dim = 0 : i64, kind = #tpu.reduction_kind<sum>} : vector<16xi1> -> vector<16xi32>
        %all_reduce_population_count3A_606 = tpu.all_reduce %ge3A_587 {dim = 0 : i64, kind = #tpu.reduction_kind<sum>} : vector<16xi1> -> vector<16xi32>
        %all_reduce_population_count3A_607 = tpu.all_reduce %ge3A_588 {dim = 0 : i64, kind = #tpu.reduction_kind<sum>} : vector<16xi1> -> vector<16xi32>
        %add3A_608 = arith.addi %while3A_550, %masked_cumsum3A : vector<16xi32>
        %min3A_609 = arith.constant 5104 : i32
        %min3A_610 = vector.broadcast %min3A_609 : i32 to vector<16xi32>
        %min3A_611 = arith.minsi %add3A_608, %min3A_610 : vector<16xi32>
        tpu.vector_store_idx %arg7[%min3A_611], %get3A_556 masked %ge3A_585 : memref<5312xf32, #tpu.memory_space<vmem>>[vector<16xi32>], vector<16xf32>, vector<16xi1>
        tpu.vector_store_idx %arg8[%min3A_611], %get3A_572 masked %ge3A_585 : memref<5312xi32, #tpu.memory_space<vmem>>[vector<16xi32>], vector<16xi32>, vector<16xi1>
        %add3A_612 = arith.addi %while3A_550, %all_reduce_population_count3A_604 : vector<16xi32>
        %add3A_613 = arith.addi %add3A_612, %masked_cumsum3A_595 : vector<16xi32>
        %min3A_614 = arith.constant 5104 : i32
        %min3A_615 = vector.broadcast %min3A_614 : i32 to vector<16xi32>
        %min3A_616 = arith.minsi %add3A_613, %min3A_615 : vector<16xi32>
        tpu.vector_store_idx %arg7[%min3A_616], %get3A_560 masked %ge3A_586 : memref<5312xf32, #tpu.memory_space<vmem>>[vector<16xi32>], vector<16xf32>, vector<16xi1>
        tpu.vector_store_idx %arg8[%min3A_616], %get3A_576 masked %ge3A_586 : memref<5312xi32, #tpu.memory_space<vmem>>[vector<16xi32>], vector<16xi32>, vector<16xi1>
        %add3A_617 = arith.addi %add3A_612, %all_reduce_population_count3A_605 : vector<16xi32>
        %add3A_618 = arith.addi %add3A_617, %masked_cumsum3A_599 : vector<16xi32>
        %min3A_619 = arith.constant 5104 : i32
        %min3A_620 = vector.broadcast %min3A_619 : i32 to vector<16xi32>
        %min3A_621 = arith.minsi %add3A_618, %min3A_620 : vector<16xi32>
        tpu.vector_store_idx %arg7[%min3A_621], %get3A_564 masked %ge3A_587 : memref<5312xf32, #tpu.memory_space<vmem>>[vector<16xi32>], vector<16xf32>, vector<16xi1>
        tpu.vector_store_idx %arg8[%min3A_621], %get3A_580 masked %ge3A_587 : memref<5312xi32, #tpu.memory_space<vmem>>[vector<16xi32>], vector<16xi32>, vector<16xi1>
        %add3A_622 = arith.addi %add3A_617, %all_reduce_population_count3A_606 : vector<16xi32>
        %add3A_623 = arith.addi %add3A_622, %masked_cumsum3A_603 : vector<16xi32>
        %min3A_624 = arith.constant 5104 : i32
        %min3A_625 = vector.broadcast %min3A_624 : i32 to vector<16xi32>
        %min3A_626 = arith.minsi %add3A_623, %min3A_625 : vector<16xi32>
        tpu.vector_store_idx %arg7[%min3A_626], %get3A_568 masked %ge3A_588 : memref<5312xf32, #tpu.memory_space<vmem>>[vector<16xi32>], vector<16xf32>, vector<16xi1>
        tpu.vector_store_idx %arg8[%min3A_626], %get3A_584 masked %ge3A_588 : memref<5312xi32, #tpu.memory_space<vmem>>[vector<16xi32>], vector<16xi32>, vector<16xi1>
        %add3A_627 = arith.addi %add3A_622, %all_reduce_population_count3A_607 : vector<16xi32>
        scf.yield %add3A_627 : vector<16xi32>
      }
      %while3A_281 = arith.constant 1 : i32
      %while3A_282 = scf.for %while3A_549 = %while3A_278 to %while3A_274 step %while3A_281 iter_args(%while3A_550 = %while3A_280) -> (vector<16xi32>)  : i32 {
        %mul3A_551 = arith.constant 64 : i32
        %mul3A_552 = arith.muli %while3A_549, %mul3A_551 : i32
        %add3A_553 = arith.constant 0 : i32
        %add3A_554 = arith.addi %mul3A_552, %add3A_553 : i32
        %get3A_555 = arith.index_cast %add3A_554 : i32 to index
        %get3A_556 = tpu.vector_load %arg7[%get3A_555] {strides = array<i32>} : memref<5312xf32, #tpu.memory_space<vmem>>, vector<16xf32>,
        %add3A_557 = arith.constant 16 : i32
        %add3A_558 = arith.addi %mul3A_552, %add3A_557 : i32
        %get3A_559 = arith.index_cast %add3A_558 : i32 to index
        %get3A_560 = tpu.vector_load %arg7[%get3A_559] {strides = array<i32>} : memref<5312xf32, #tpu.memory_space<vmem>>, vector<16xf32>,
        %add3A_561 = arith.constant 32 : i32
        %add3A_562 = arith.addi %mul3A_552, %add3A_561 : i32
        %get3A_563 = arith.index_cast %add3A_562 : i32 to index
        %get3A_564 = tpu.vector_load %arg7[%get3A_563] {strides = array<i32>} : memref<5312xf32, #tpu.memory_space<vmem>>, vector<16xf32>,
        %add3A_565 = arith.constant 48 : i32
        %add3A_566 = arith.addi %mul3A_552, %add3A_565 : i32
        %get3A_567 = arith.index_cast %add3A_566 : i32 to index
        %get3A_568 = tpu.vector_load %arg7[%get3A_567] {strides = array<i32>} : memref<5312xf32, #tpu.memory_space<vmem>>, vector<16xf32>,
        %add3A_569 = arith.constant 0 : i32
        %add3A_570 = arith.addi %mul3A_552, %add3A_569 : i32
        %get3A_571 = arith.index_cast %add3A_570 : i32 to index
        %get3A_572 = tpu.vector_load %arg8[%get3A_571] {strides = array<i32>} : memref<5312xi32, #tpu.memory_space<vmem>>, vector<16xi32>,
        %add3A_573 = arith.constant 16 : i32
        %add3A_574 = arith.addi %mul3A_552, %add3A_573 : i32
        %get3A_575 = arith.index_cast %add3A_574 : i32 to index
        %get3A_576 = tpu.vector_load %arg8[%get3A_575] {strides = array<i32>} : memref<5312xi32, #tpu.memory_space<vmem>>, vector<16xi32>,
        %add3A_577 = arith.constant 32 : i32
        %add3A_578 = arith.addi %mul3A_552, %add3A_577 : i32
        %get3A_579 = arith.index_cast %add3A_578 : i32 to index
        %get3A_580 = tpu.vector_load %arg8[%get3A_579] {strides = array<i32>} : memref<5312xi32, #tpu.memory_space<vmem>>, vector<16xi32>,
        %add3A_581 = arith.constant 48 : i32
        %add3A_582 = arith.addi %mul3A_552, %add3A_581 : i32
        %get3A_583 = arith.index_cast %add3A_582 : i32 to index
        %get3A_584 = tpu.vector_load %arg8[%get3A_583] {strides = array<i32>} : memref<5312xi32, #tpu.memory_space<vmem>>, vector<16xi32>,
        %ge3A_585 = arith.cmpf oge, %get3A_556, %broadcast_in_dim3A_226 : vector<16xf32>
        %ge3A_586 = arith.cmpf oge, %get3A_560, %broadcast_in_dim3A_226 : vector<16xf32>
        %ge3A_587 = arith.cmpf oge, %get3A_564, %broadcast_in_dim3A_226 : vector<16xf32>
        %ge3A_588 = arith.cmpf oge, %get3A_568, %broadcast_in_dim3A_226 : vector<16xf32>
        %convert_element_type3A_589 = arith.extui %ge3A_585 : vector<16xi1> to vector<16xi32>
        %broadcast_in_dim3A_590 = arith.constant true
        %broadcast_in_dim3A_591 = vector.broadcast %broadcast_in_dim3A_590 : i1 to vector<16xi1>
        %masked_cumsum3A = tpu.scan <sum>, %convert_element_type3A_589 masked %broadcast_in_dim3A_591 : vector<16xi32>, vector<16xi1> -> vector<16xi32>
        %convert_element_type3A_592 = arith.extui %ge3A_586 : vector<16xi1> to vector<16xi32>
        %broadcast_in_dim3A_593 = arith.constant true
        %broadcast_in_dim3A_594 = vector.broadcast %broadcast_in_dim3A_593 : i1 to vector<16xi1>
        %masked_cumsum3A_595 = tpu.scan <sum>, %convert_element_type3A_592 masked %broadcast_in_dim3A_594 : vector<16xi32>, vector<16xi1> -> vector<16xi32>
        %convert_element_type3A_596 = arith.extui %ge3A_587 : vector<16xi1> to vector<16xi32>
        %broadcast_in_dim3A_597 = arith.constant true
        %broadcast_in_dim3A_598 = vector.broadcast %broadcast_in_dim3A_597 : i1 to vector<16xi1>
        %masked_cumsum3A_599 = tpu.scan <sum>, %convert_element_type3A_596 masked %broadcast_in_dim3A_598 : vector<16xi32>, vector<16xi1> -> vector<16xi32>
        %convert_element_type3A_600 = arith.extui %ge3A_588 : vector<16xi1> to vector<16xi32>
        %broadcast_in_dim3A_601 = arith.constant true
        %broadcast_in_dim3A_602 = vector.broadcast %broadcast_in_dim3A_601 : i1 to vector<16xi1>
        %masked_cumsum3A_603 = tpu.scan <sum>, %convert_element_type3A_600 masked %broadcast_in_dim3A_602 : vector<16xi32>, vector<16xi1> -> vector<16xi32>
        %all_reduce_population_count3A_604 = tpu.all_reduce %ge3A_585 {dim = 0 : i64, kind = #tpu.reduction_kind<sum>} : vector<16xi1> -> vector<16xi32>
        %all_reduce_population_count3A_605 = tpu.all_reduce %ge3A_586 {dim = 0 : i64, kind = #tpu.reduction_kind<sum>} : vector<16xi1> -> vector<16xi32>
        %all_reduce_population_count3A_606 = tpu.all_reduce %ge3A_587 {dim = 0 : i64, kind = #tpu.reduction_kind<sum>} : vector<16xi1> -> vector<16xi32>
        %all_reduce_population_count3A_607 = tpu.all_reduce %ge3A_588 {dim = 0 : i64, kind = #tpu.reduction_kind<sum>} : vector<16xi1> -> vector<16xi32>
        %add3A_608 = arith.addi %while3A_550, %masked_cumsum3A : vector<16xi32>
        %min3A_609 = arith.constant 5104 : i32
        %min3A_610 = vector.broadcast %min3A_609 : i32 to vector<16xi32>
        %min3A_611 = arith.minsi %add3A_608, %min3A_610 : vector<16xi32>
        tpu.vector_store_idx %arg7[%min3A_611], %get3A_556 masked %ge3A_585 : memref<5312xf32, #tpu.memory_space<vmem>>[vector<16xi32>], vector<16xf32>, vector<16xi1>
        tpu.vector_store_idx %arg8[%min3A_611], %get3A_572 masked %ge3A_585 : memref<5312xi32, #tpu.memory_space<vmem>>[vector<16xi32>], vector<16xi32>, vector<16xi1>
        %add3A_612 = arith.addi %while3A_550, %all_reduce_population_count3A_604 : vector<16xi32>
        %add3A_613 = arith.addi %add3A_612, %masked_cumsum3A_595 : vector<16xi32>
        %min3A_614 = arith.constant 5104 : i32
        %min3A_615 = vector.broadcast %min3A_614 : i32 to vector<16xi32>
        %min3A_616 = arith.minsi %add3A_613, %min3A_615 : vector<16xi32>
        tpu.vector_store_idx %arg7[%min3A_616], %get3A_560 masked %ge3A_586 : memref<5312xf32, #tpu.memory_space<vmem>>[vector<16xi32>], vector<16xf32>, vector<16xi1>
        tpu.vector_store_idx %arg8[%min3A_616], %get3A_576 masked %ge3A_586 : memref<5312xi32, #tpu.memory_space<vmem>>[vector<16xi32>], vector<16xi32>, vector<16xi1>
        %add3A_617 = arith.addi %add3A_612, %all_reduce_population_count3A_605 : vector<16xi32>
        %add3A_618 = arith.addi %add3A_617, %masked_cumsum3A_599 : vector<16xi32>
        %min3A_619 = arith.constant 5104 : i32
        %min3A_620 = vector.broadcast %min3A_619 : i32 to vector<16xi32>
        %min3A_621 = arith.minsi %add3A_618, %min3A_620 : vector<16xi32>
        tpu.vector_store_idx %arg7[%min3A_621], %get3A_564 masked %ge3A_587 : memref<5312xf32, #tpu.memory_space<vmem>>[vector<16xi32>], vector<16xf32>, vector<16xi1>
        tpu.vector_store_idx %arg8[%min3A_621], %get3A_580 masked %ge3A_587 : memref<5312xi32, #tpu.memory_space<vmem>>[vector<16xi32>], vector<16xi32>, vector<16xi1>
        %add3A_622 = arith.addi %add3A_617, %all_reduce_population_count3A_606 : vector<16xi32>
        %add3A_623 = arith.addi %add3A_622, %masked_cumsum3A_603 : vector<16xi32>
        %min3A_624 = arith.constant 5104 : i32
        %min3A_625 = vector.broadcast %min3A_624 : i32 to vector<16xi32>
        %min3A_626 = arith.minsi %add3A_623, %min3A_625 : vector<16xi32>
        tpu.vector_store_idx %arg7[%min3A_626], %get3A_568 masked %ge3A_588 : memref<5312xf32, #tpu.memory_space<vmem>>[vector<16xi32>], vector<16xf32>, vector<16xi1>
        tpu.vector_store_idx %arg8[%min3A_626], %get3A_584 masked %ge3A_588 : memref<5312xi32, #tpu.memory_space<vmem>>[vector<16xi32>], vector<16xi32>, vector<16xi1>
        %add3A_627 = arith.addi %add3A_622, %all_reduce_population_count3A_607 : vector<16xi32>
        scf.yield %add3A_627 : vector<16xi32>
      }
      %reduce_max3A_283 = arith.constant true
      %reduce_max3A_284 = vector.broadcast %reduce_max3A_283 : i1 to vector<16xi1>
      %reduce_max3A_285 = arith.constant -2147483648 : i32
      %reduce_max3A_286 = vector.broadcast %reduce_max3A_285 : i32 to vector<16xi32>
      %reduce_max3A_287 = arith.xori %while3A_282, %reduce_max3A_286 : vector<16xi32>
      %reduce_max3A_288 = tpu.scan <max>, %reduce_max3A_287 masked %reduce_max3A_284 : vector<16xi32>, vector<16xi1> -> vector<16xi32>
      %reduce_max3A_289 = arith.xori %reduce_max3A_288, %reduce_max3A_286 : vector<16xi32>
      %reduce_max3A_290 = vector.extract %reduce_max3A_289[15] : i32 from vector<16xi32>
      %add3A_291 = arith.constant 1 : i32
      %add3A_292 = arith.addi %reduce_max3A_290, %add3A_291 : i32
      %min3A_293 = arith.constant 5104 : i32
      %min3A_294 = arith.minsi %add3A_292, %min3A_293 : i32
      %broadcast_in_dim3A_295 = arith.constant 0xFF800000 : f32
      %broadcast_in_dim3A_296 = vector.broadcast %broadcast_in_dim3A_295 : f32 to vector<16xf32>
      %swap3A_297 = arith.index_cast %min3A_294 : i32 to index
      %swap3A_298 = tpu.vector_load %arg7[%swap3A_297] {strides = array<i32>} : memref<5312xf32, #tpu.memory_space<vmem>>, vector<16xf32>,
      tpu.vector_store %arg7[%swap3A_297], %broadcast_in_dim3A_296 {strides = array<i32>} : memref<5312xf32, #tpu.memory_space<vmem>>, vector<16xf32>,
      %add3A_299 = arith.constant 15 : i32
      %add3A_300 = arith.addi %min3A_294, %add3A_299 : i32
      %jit3A_301 = arith.constant 16 : i32
      %div3A_302 = arith.divsi %add3A_300, %jit3A_301 : i32
      %sign3A_303 = arith.constant 0 : i32
      %sign3A_304 = arith.cmpi sgt, %add3A_300, %sign3A_303 : i32
      %sign3A_305 = arith.extui %sign3A_304 : i1 to i32
      %sign3A_306 = arith.constant 0 : i32
      %sign3A_307 = arith.cmpi slt, %add3A_300, %sign3A_306 : i32
      %sign3A_308 = arith.extui %sign3A_307 : i1 to i32
      %sign3A_309 = arith.subi %sign3A_305, %sign3A_308 : i32
      %sign3A_310 = arith.constant 0 : i32
      %sign3A_311 = arith.cmpi sgt, %jit3A_301, %sign3A_310 : i32
      %sign3A_312 = arith.extui %sign3A_311 : i1 to i32
      %sign3A_313 = arith.constant 0 : i32
      %sign3A_314 = arith.cmpi slt, %jit3A_301, %sign3A_313 : i32
      %sign3A_315 = arith.extui %sign3A_314 : i1 to i32
      %sign3A_316 = arith.subi %sign3A_312, %sign3A_315 : i32
      %ne3A_317 = arith.cmpi ne, %sign3A_309, %sign3A_316 : i32
      %rem3A_318 = arith.remsi %add3A_300, %jit3A_301 : i32
      %ne3A_319 = arith.constant 0 : i32
      %ne3A_320 = arith.cmpi ne, %rem3A_318, %ne3A_319 : i32
      %and3A_321 = arith.andi %ne3A_317, %ne3A_320 : i1
      %sub3A_322 = arith.constant 1 : i32
      %sub3A_323 = arith.subi %div3A_302, %sub3A_322 : i32
      %select_n3A_324 = arith.select %and3A_321, %sub3A_323, %div3A_302 : i32
      %broadcast_in_dim3A_325 = arith.constant 0xFF800000 : f32
      %broadcast_in_dim3A_326 = vector.broadcast %broadcast_in_dim3A_325 : f32 to vector<16xf32>
      %broadcast_in_dim3A_327 = arith.constant 0 : i32
      %broadcast_in_dim3A_328 = vector.broadcast %broadcast_in_dim3A_327 : i32 to vector<16xi32>
      %broadcast_in_dim3A_329 = arith.constant 0xFF800000 : f32
      %broadcast_in_dim3A_330 = vector.broadcast %broadcast_in_dim3A_329 : f32 to vector<16xf32>
      %broadcast_in_dim3A_331 = arith.constant 0 : i32
      %broadcast_in_dim3A_332 = vector.broadcast %broadcast_in_dim3A_331 : i32 to vector<16xi32>
      %while3A_333 = arith.constant 0 : i32
      %while3A_334 = arith.subi %select_n3A_324, %while3A_333 : i32
      %while3A_335 = arith.addi %while3A_333, %while3A_334 : i32
      %while3A_336 = arith.constant 1 : i32
      %while3A_337 = arith.divsi %while3A_334, %while3A_336 : i32
      %while3A_338 = arith.muli %while3A_337, %while3A_336 : i32
      %while3A_339 = arith.addi %while3A_333, %while3A_338 : i32
      %while3A_340 = arith.constant 1 : i32
      %while3A_341:4 = scf.for %while3A_549 = %while3A_333 to %while3A_339 step %while3A_340 iter_args(%while3A_550 = %broadcast_in_dim3A_326, %while3A_551 = %broadcast_in_dim3A_328, %while3A_552 = %broadcast_in_dim3A_330, %while3A_553 = %broadcast_in_dim3A_332) -> (vector<16xf32>, vector<16xi32>, vector<16xf32>, vector<16xi32>)  : i32 {
        %mul3A_554 = arith.constant 16 : i32
        %mul3A_555 = arith.muli %while3A_549, %mul3A_554 : i32
        %get3A_556 = arith.index_cast %mul3A_555 : i32 to index
        %get3A_557 = tpu.vector_load %arg7[%get3A_556] {strides = array<i32>} : memref<5312xf32, #tpu.memory_space<vmem>>, vector<16xf32>,
        %mul3A_558 = arith.constant 16 : i32
        %mul3A_559 = arith.muli %while3A_549, %mul3A_558 : i32
        %get3A_560 = arith.index_cast %mul3A_559 : i32 to index
        %get3A_561 = tpu.vector_load %arg8[%get3A_560] {strides = array<i32>} : memref<5312xi32, #tpu.memory_space<vmem>>, vector<16xi32>,
        %masked_sort3A = arith.constant dense<true> : vector<16xi1>
        %masked_sort3A_562, %masked_sort3A_563, %masked_sort3A_564 = tpu.sort %get3A_557, %get3A_561 masked %masked_sort3A : (vector<16xf32>, vector<16xi32>, vector<16xi1>) -> (vector<16xi1>, vector<16xf32>, vector<16xi32>)
        %ge3A_565 = arith.cmpf oge, %while3A_552, %masked_sort3A_563 : vector<16xf32>
        %select_n3A_566 = arith.select %ge3A_565, %while3A_552, %masked_sort3A_563 : vector<16xi1>, vector<16xf32>
        %select_n3A_567 = arith.select %ge3A_565, %while3A_553, %masked_sort3A_564 : vector<16xi1>, vector<16xi32>
        %select_n3A_568 = arith.select %ge3A_565, %masked_sort3A_563, %while3A_552 : vector<16xi1>, vector<16xf32>
        %select_n3A_569 = arith.select %ge3A_565, %masked_sort3A_564, %while3A_553 : vector<16xi1>, vector<16xi32>
        %masked_sort3A_570 = arith.constant dense<true> : vector<16xi1>
        %masked_sort3A_571, %masked_sort3A_572, %masked_sort3A_573 = tpu.sort %select_n3A_566, %select_n3A_567 masked %masked_sort3A_570 : (vector<16xf32>, vector<16xi32>, vector<16xi1>) -> (vector<16xi1>, vector<16xf32>, vector<16xi32>)
        %ge3A_574 = arith.cmpf oge, %while3A_550, %masked_sort3A_572 : vector<16xf32>
        %select_n3A_575 = arith.select %ge3A_574, %while3A_550, %masked_sort3A_572 : vector<16xi1>, vector<16xf32>
        %select_n3A_576 = arith.select %ge3A_574, %while3A_551, %masked_sort3A_573 : vector<16xi1>, vector<16xi32>
        %select_n3A_577 = arith.select %ge3A_574, %masked_sort3A_572, %while3A_550 : vector<16xi1>, vector<16xf32>
        %select_n3A_578 = arith.select %ge3A_574, %masked_sort3A_573, %while3A_551 : vector<16xi1>, vector<16xi32>
        %masked_sort3A_579 = arith.constant dense<true> : vector<16xi1>
        %masked_sort3A_580, %masked_sort3A_581, %masked_sort3A_582 = tpu.sort %select_n3A_575, %select_n3A_576 masked %masked_sort3A_579 {descending = true} : (vector<16xf32>, vector<16xi32>, vector<16xi1>) -> (vector<16xi1>, vector<16xf32>, vector<16xi32>)
        %masked_sort3A_583 = arith.constant dense<true> : vector<16xi1>
        %masked_sort3A_584, %masked_sort3A_585, %masked_sort3A_586 = tpu.sort %select_n3A_577, %select_n3A_578 masked %masked_sort3A_583 {descending = true} : (vector<16xf32>, vector<16xi32>, vector<16xi1>) -> (vector<16xi1>, vector<16xf32>, vector<16xi32>)
        scf.yield %masked_sort3A_581, %masked_sort3A_582, %masked_sort3A_585, %masked_sort3A_586 : vector<16xf32>, vector<16xi32>, vector<16xf32>, vector<16xi32>
      }
      %while3A_342 = arith.constant 1 : i32
      %while3A_343:4 = scf.for %while3A_549 = %while3A_339 to %while3A_335 step %while3A_342 iter_args(%while3A_550 = %while3A_341#0, %while3A_551 = %while3A_341#1, %while3A_552 = %while3A_341#2, %while3A_553 = %while3A_341#3) -> (vector<16xf32>, vector<16xi32>, vector<16xf32>, vector<16xi32>)  : i32 {
        %mul3A_554 = arith.constant 16 : i32
        %mul3A_555 = arith.muli %while3A_549, %mul3A_554 : i32
        %get3A_556 = arith.index_cast %mul3A_555 : i32 to index
        %get3A_557 = tpu.vector_load %arg7[%get3A_556] {strides = array<i32>} : memref<5312xf32, #tpu.memory_space<vmem>>, vector<16xf32>,
        %mul3A_558 = arith.constant 16 : i32
        %mul3A_559 = arith.muli %while3A_549, %mul3A_558 : i32
        %get3A_560 = arith.index_cast %mul3A_559 : i32 to index
        %get3A_561 = tpu.vector_load %arg8[%get3A_560] {strides = array<i32>} : memref<5312xi32, #tpu.memory_space<vmem>>, vector<16xi32>,
        %masked_sort3A = arith.constant dense<true> : vector<16xi1>
        %masked_sort3A_562, %masked_sort3A_563, %masked_sort3A_564 = tpu.sort %get3A_557, %get3A_561 masked %masked_sort3A : (vector<16xf32>, vector<16xi32>, vector<16xi1>) -> (vector<16xi1>, vector<16xf32>, vector<16xi32>)
        %ge3A_565 = arith.cmpf oge, %while3A_552, %masked_sort3A_563 : vector<16xf32>
        %select_n3A_566 = arith.select %ge3A_565, %while3A_552, %masked_sort3A_563 : vector<16xi1>, vector<16xf32>
        %select_n3A_567 = arith.select %ge3A_565, %while3A_553, %masked_sort3A_564 : vector<16xi1>, vector<16xi32>
        %select_n3A_568 = arith.select %ge3A_565, %masked_sort3A_563, %while3A_552 : vector<16xi1>, vector<16xf32>
        %select_n3A_569 = arith.select %ge3A_565, %masked_sort3A_564, %while3A_553 : vector<16xi1>, vector<16xi32>
        %masked_sort3A_570 = arith.constant dense<true> : vector<16xi1>
        %masked_sort3A_571, %masked_sort3A_572, %masked_sort3A_573 = tpu.sort %select_n3A_566, %select_n3A_567 masked %masked_sort3A_570 : (vector<16xf32>, vector<16xi32>, vector<16xi1>) -> (vector<16xi1>, vector<16xf32>, vector<16xi32>)
        %ge3A_574 = arith.cmpf oge, %while3A_550, %masked_sort3A_572 : vector<16xf32>
        %select_n3A_575 = arith.select %ge3A_574, %while3A_550, %masked_sort3A_572 : vector<16xi1>, vector<16xf32>
        %select_n3A_576 = arith.select %ge3A_574, %while3A_551, %masked_sort3A_573 : vector<16xi1>, vector<16xi32>
        %select_n3A_577 = arith.select %ge3A_574, %masked_sort3A_572, %while3A_550 : vector<16xi1>, vector<16xf32>
        %select_n3A_578 = arith.select %ge3A_574, %masked_sort3A_573, %while3A_551 : vector<16xi1>, vector<16xi32>
        %masked_sort3A_579 = arith.constant dense<true> : vector<16xi1>
        %masked_sort3A_580, %masked_sort3A_581, %masked_sort3A_582 = tpu.sort %select_n3A_575, %select_n3A_576 masked %masked_sort3A_579 {descending = true} : (vector<16xf32>, vector<16xi32>, vector<16xi1>) -> (vector<16xi1>, vector<16xf32>, vector<16xi32>)
        %masked_sort3A_583 = arith.constant dense<true> : vector<16xi1>
        %masked_sort3A_584, %masked_sort3A_585, %masked_sort3A_586 = tpu.sort %select_n3A_577, %select_n3A_578 masked %masked_sort3A_583 {descending = true} : (vector<16xf32>, vector<16xi32>, vector<16xi1>) -> (vector<16xi1>, vector<16xf32>, vector<16xi32>)
        scf.yield %masked_sort3A_581, %masked_sort3A_582, %masked_sort3A_585, %masked_sort3A_586 : vector<16xf32>, vector<16xi32>, vector<16xf32>, vector<16xi32>
      }
      %add3A_344 = arith.constant 15 : i32
      %add3A_345 = arith.addi %min3A_294, %add3A_344 : i32
      %jit3A_346 = arith.constant 16 : i32
      %div3A_347 = arith.divsi %add3A_345, %jit3A_346 : i32
      %sign3A_348 = arith.constant 0 : i32
      %sign3A_349 = arith.cmpi sgt, %add3A_345, %sign3A_348 : i32
      %sign3A_350 = arith.extui %sign3A_349 : i1 to i32
      %sign3A_351 = arith.constant 0 : i32
      %sign3A_352 = arith.cmpi slt, %add3A_345, %sign3A_351 : i32
      %sign3A_353 = arith.extui %sign3A_352 : i1 to i32
      %sign3A_354 = arith.subi %sign3A_350, %sign3A_353 : i32
      %sign3A_355 = arith.constant 0 : i32
      %sign3A_356 = arith.cmpi sgt, %jit3A_346, %sign3A_355 : i32
      %sign3A_357 = arith.extui %sign3A_356 : i1 to i32
      %sign3A_358 = arith.constant 0 : i32
      %sign3A_359 = arith.cmpi slt, %jit3A_346, %sign3A_358 : i32
      %sign3A_360 = arith.extui %sign3A_359 : i1 to i32
      %sign3A_361 = arith.subi %sign3A_357, %sign3A_360 : i32
      %ne3A_362 = arith.cmpi ne, %sign3A_354, %sign3A_361 : i32
      %rem3A_363 = arith.remsi %add3A_345, %jit3A_346 : i32
      %ne3A_364 = arith.constant 0 : i32
      %ne3A_365 = arith.cmpi ne, %rem3A_363, %ne3A_364 : i32
      %and3A_366 = arith.andi %ne3A_362, %ne3A_365 : i1
      %sub3A_367 = arith.constant 1 : i32
      %sub3A_368 = arith.subi %div3A_347, %sub3A_367 : i32
      %select_n3A_369 = arith.select %and3A_366, %sub3A_368, %div3A_347 : i32
      %reduce_min3A_370 = arith.constant true
      %reduce_min3A_371 = vector.broadcast %reduce_min3A_370 : i1 to vector<16xi1>
      %reduce_min3A_372 = tpu.scan <min>, %while3A_343#2 masked %reduce_min3A_371 : vector<16xf32>, vector<16xi1> -> vector<16xf32>
      %reduce_min3A_373 = vector.extract %reduce_min3A_372[15] : f32 from vector<16xf32>
      %broadcast_in_dim3A_374 = vector.broadcast %reduce_min3A_373 : f32 to vector<16xf32>
      %broadcast_in_dim3A_375 = arith.constant 0 : i32
      %broadcast_in_dim3A_376 = vector.broadcast %broadcast_in_dim3A_375 : i32 to vector<16xi32>
      %while3A_377 = arith.constant 0 : i32
      %while3A_378 = arith.subi %select_n3A_369, %while3A_377 : i32
      %while3A_379 = arith.addi %while3A_377, %while3A_378 : i32
      %while3A_380 = arith.constant 1 : i32
      %while3A_381 = arith.divsi %while3A_378, %while3A_380 : i32
      %while3A_382 = arith.muli %while3A_381, %while3A_380 : i32
      %while3A_383 = arith.addi %while3A_377, %while3A_382 : i32
      %while3A_384 = arith.constant 1 : i32
      %while3A_385 = scf.for %while3A_549 = %while3A_377 to %while3A_383 step %while3A_384 iter_args(%while3A_550 = %broadcast_in_dim3A_376) -> (vector<16xi32>)  : i32 {
        %mul3A_551 = arith.constant 16 : i32
        %mul3A_552 = arith.muli %while3A_549, %mul3A_551 : i32
        %get3A_553 = arith.index_cast %mul3A_552 : i32 to index
        %get3A_554 = tpu.vector_load %arg7[%get3A_553] {strides = array<i32>} : memref<5312xf32, #tpu.memory_space<vmem>>, vector<16xf32>,
        %ge3A_555 = arith.cmpf oge, %get3A_554, %broadcast_in_dim3A_374 : vector<16xf32>
        %all_reduce_population_count3A_556 = tpu.all_reduce %ge3A_555 {dim = 0 : i64, kind = #tpu.reduction_kind<sum>} : vector<16xi1> -> vector<16xi32>
        %add3A_557 = arith.addi %while3A_550, %all_reduce_population_count3A_556 : vector<16xi32>
        scf.yield %add3A_557 : vector<16xi32>
      }
      %while3A_386 = arith.constant 1 : i32
      %while3A_387 = scf.for %while3A_549 = %while3A_383 to %while3A_379 step %while3A_386 iter_args(%while3A_550 = %while3A_385) -> (vector<16xi32>)  : i32 {
        %mul3A_551 = arith.constant 16 : i32
        %mul3A_552 = arith.muli %while3A_549, %mul3A_551 : i32
        %get3A_553 = arith.index_cast %mul3A_552 : i32 to index
        %get3A_554 = tpu.vector_load %arg7[%get3A_553] {strides = array<i32>} : memref<5312xf32, #tpu.memory_space<vmem>>, vector<16xf32>,
        %ge3A_555 = arith.cmpf oge, %get3A_554, %broadcast_in_dim3A_374 : vector<16xf32>
        %all_reduce_population_count3A_556 = tpu.all_reduce %ge3A_555 {dim = 0 : i64, kind = #tpu.reduction_kind<sum>} : vector<16xi1> -> vector<16xi32>
        %add3A_557 = arith.addi %while3A_550, %all_reduce_population_count3A_556 : vector<16xi32>
        scf.yield %add3A_557 : vector<16xi32>
      }
      %swap3A_388 = arith.constant 0 : index
      %swap3A_389 = tpu.vector_load %arg9[%swap3A_388] {strides = array<i32>} : memref<32xf32, #tpu.memory_space<vmem>>, vector<16xf32>,
      tpu.vector_store %arg9[%swap3A_388], %while3A_343#0 {strides = array<i32>} : memref<32xf32, #tpu.memory_space<vmem>>, vector<16xf32>,
      %swap3A_390 = arith.constant 16 : index
      %swap3A_391 = tpu.vector_load %arg9[%swap3A_390] {strides = array<i32>} : memref<32xf32, #tpu.memory_space<vmem>>, vector<16xf32>,
      tpu.vector_store %arg9[%swap3A_390], %while3A_343#2 {strides = array<i32>} : memref<32xf32, #tpu.memory_space<vmem>>, vector<16xf32>,
      %gather3A = tpu.vector_load_idx %arg9[%iota3A] : memref<32xf32, #tpu.memory_space<vmem>>[vector<16xi32>], vector<16xf32>,
      %add3A_392 = arith.constant 1 : i32
      %add3A_393 = vector.broadcast %add3A_392 : i32 to vector<16xi32>
      %add3A_394 = arith.addi %iota3A, %add3A_393 : vector<16xi32>
      %gather3A_395 = tpu.vector_load_idx %arg9[%add3A_394] : memref<32xf32, #tpu.memory_space<vmem>>[vector<16xi32>], vector<16xf32>,
      %eq3A_396 = arith.cmpf oeq, %gather3A, %gather3A_395 : vector<16xf32>
      %add3A_397 = arith.constant 16 : i32
      %add3A_398 = vector.broadcast %add3A_397 : i32 to vector<16xi32>
      %add3A_399 = arith.addi %iota3A, %add3A_398 : vector<16xi32>
      %gather3A_400 = tpu.vector_load_idx %arg9[%add3A_399] : memref<32xf32, #tpu.memory_space<vmem>>[vector<16xi32>], vector<16xf32>,
      %add3A_401 = arith.constant 17 : i32
      %add3A_402 = vector.broadcast %add3A_401 : i32 to vector<16xi32>
      %add3A_403 = arith.addi %iota3A, %add3A_402 : vector<16xi32>
      %min3A_404 = arith.constant 31 : i32
      %min3A_405 = vector.broadcast %min3A_404 : i32 to vector<16xi32>
      %min3A_406 = arith.minsi %add3A_403, %min3A_405 : vector<16xi32>
      %gather3A_407 = tpu.vector_load_idx %arg9[%min3A_406] : memref<32xf32, #tpu.memory_space<vmem>>[vector<16xi32>], vector<16xf32>,
      %eq3A_408 = arith.cmpf oeq, %gather3A_400, %gather3A_407 : vector<16xf32>
      %lt3A_409 = arith.constant 15 : i32
      %lt3A_410 = vector.broadcast %lt3A_409 : i32 to vector<16xi32>
      %lt3A_411 = arith.cmpi slt, %iota3A, %lt3A_410 : vector<16xi32>
      %and3A_412 = arith.andi %eq3A_408, %lt3A_411 : vector<16xi1>
      %or3A = arith.ori %eq3A_396, %and3A_412 : vector<16xi1>
      %all_reduce_population_count3A_413 = tpu.all_reduce %or3A {dim = 0 : i64, kind = #tpu.reduction_kind<sum>} : vector<16xi1> -> vector<16xi32>
      %reduce_max3A_414 = arith.constant true
      %reduce_max3A_415 = vector.broadcast %reduce_max3A_414 : i1 to vector<16xi1>
      %reduce_max3A_416 = arith.constant -2147483648 : i32
      %reduce_max3A_417 = vector.broadcast %reduce_max3A_416 : i32 to vector<16xi32>
      %reduce_max3A_418 = arith.xori %while3A_387, %reduce_max3A_417 : vector<16xi32>
      %reduce_max3A_419 = tpu.scan <max>, %reduce_max3A_418 masked %reduce_max3A_415 : vector<16xi32>, vector<16xi1> -> vector<16xi32>
      %reduce_max3A_420 = arith.xori %reduce_max3A_419, %reduce_max3A_417 : vector<16xi32>
      %reduce_max3A_421 = vector.extract %reduce_max3A_420[15] : i32 from vector<16xi32>
      %ne3A_422 = arith.constant 32 : i32
      %ne3A_423 = arith.cmpi ne, %reduce_max3A_421, %ne3A_422 : i32
      %reduce_max3A_424 = arith.constant true
      %reduce_max3A_425 = vector.broadcast %reduce_max3A_424 : i1 to vector<16xi1>
      %reduce_max3A_426 = arith.constant -2147483648 : i32
      %reduce_max3A_427 = vector.broadcast %reduce_max3A_426 : i32 to vector<16xi32>
      %reduce_max3A_428 = arith.xori %all_reduce_population_count3A_413, %reduce_max3A_427 : vector<16xi32>
      %reduce_max3A_429 = tpu.scan <max>, %reduce_max3A_428 masked %reduce_max3A_425 : vector<16xi32>, vector<16xi1> -> vector<16xi32>
      %reduce_max3A_430 = arith.xori %reduce_max3A_429, %reduce_max3A_427 : vector<16xi32>
      %reduce_max3A_431 = vector.extract %reduce_max3A_430[15] : i32 from vector<16xi32>
      %gt3A_432 = arith.constant 0 : i32
      %gt3A_433 = arith.cmpi sgt, %reduce_max3A_431, %gt3A_432 : i32
      %or3A_434 = arith.ori %ne3A_423, %gt3A_433 : i1
      %convert_element_type3A_435 = arith.extui %or3A_434 : i1 to i32
      %cond3A_436 = arith.constant 0 : i32
      %cond3A_437 = arith.cmpi ne, %convert_element_type3A_435, %cond3A_436 : i32
      %cond3A_438:4 = scf.if %cond3A_437 -> (vector<16xf32>, vector<16xi32>, vector<16xf32>, vector<16xi32>) {
        %add3A_549 = arith.constant 15 : i32
        %add3A_550 = arith.addi %min3A_294, %add3A_549 : i32
        %jit3A_551 = arith.constant 16 : i32
        %div3A_552 = arith.divsi %add3A_550, %jit3A_551 : i32
        %sign3A_553 = arith.constant 0 : i32
        %sign3A_554 = arith.cmpi sgt, %add3A_550, %sign3A_553 : i32
        %sign3A_555 = arith.extui %sign3A_554 : i1 to i32
        %sign3A_556 = arith.constant 0 : i32
        %sign3A_557 = arith.cmpi slt, %add3A_550, %sign3A_556 : i32
        %sign3A_558 = arith.extui %sign3A_557 : i1 to i32
        %sign3A_559 = arith.subi %sign3A_555, %sign3A_558 : i32
        %sign3A_560 = arith.constant 0 : i32
        %sign3A_561 = arith.cmpi sgt, %jit3A_551, %sign3A_560 : i32
        %sign3A_562 = arith.extui %sign3A_561 : i1 to i32
        %sign3A_563 = arith.constant 0 : i32
        %sign3A_564 = arith.cmpi slt, %jit3A_551, %sign3A_563 : i32
        %sign3A_565 = arith.extui %sign3A_564 : i1 to i32
        %sign3A_566 = arith.subi %sign3A_562, %sign3A_565 : i32
        %ne3A_567 = arith.cmpi ne, %sign3A_559, %sign3A_566 : i32
        %rem3A_568 = arith.remsi %add3A_550, %jit3A_551 : i32
        %ne3A_569 = arith.constant 0 : i32
        %ne3A_570 = arith.cmpi ne, %rem3A_568, %ne3A_569 : i32
        %and3A_571 = arith.andi %ne3A_567, %ne3A_570 : i1
        %sub3A_572 = arith.constant 1 : i32
        %sub3A_573 = arith.subi %div3A_552, %sub3A_572 : i32
        %select_n3A_574 = arith.select %and3A_571, %sub3A_573, %div3A_552 : i32
        %iota3A_575 = tpu.iota {dimensions = array<i32: 0>} : vector<16xi32>
        %broadcast_in_dim3A_576 = arith.constant 0xFF800000 : f32
        %broadcast_in_dim3A_577 = vector.broadcast %broadcast_in_dim3A_576 : f32 to vector<16xf32>
        %broadcast_in_dim3A_578 = arith.constant 2147483647 : i32
        %broadcast_in_dim3A_579 = vector.broadcast %broadcast_in_dim3A_578 : i32 to vector<16xi32>
        %broadcast_in_dim3A_580 = arith.constant 0 : i32
        %broadcast_in_dim3A_581 = vector.broadcast %broadcast_in_dim3A_580 : i32 to vector<16xi32>
        %broadcast_in_dim3A_582 = arith.constant 0 : i32
        %broadcast_in_dim3A_583 = vector.broadcast %broadcast_in_dim3A_582 : i32 to vector<16xi32>
        %scan3A_584 = arith.constant 0 : i32
        %scan3A_585 = arith.constant 32 : i32
        %scan3A_586 = arith.addi %scan3A_584, %scan3A_585 : i32
        %scan3A_587 = arith.constant 1 : i32
        %scan3A_588:4 = scf.for %scan3A_590 = %scan3A_584 to %scan3A_586 step %scan3A_587 iter_args(%scan3A_591 = %broadcast_in_dim3A_577, %scan3A_592 = %broadcast_in_dim3A_581, %scan3A_593 = %broadcast_in_dim3A_577, %scan3A_594 = %broadcast_in_dim3A_583) -> (vector<16xf32>, vector<16xi32>, vector<16xf32>, vector<16xi32>)  : i32 {
          %while3A_595 = arith.constant 0 : i32
          %while3A_596 = arith.subi %select_n3A_574, %while3A_595 : i32
          %while3A_597 = arith.addi %while3A_595, %while3A_596 : i32
          %while3A_598 = arith.constant 1 : i32
          %while3A_599 = arith.divsi %while3A_596, %while3A_598 : i32
          %while3A_600 = arith.muli %while3A_599, %while3A_598 : i32
          %while3A_601 = arith.addi %while3A_595, %while3A_600 : i32
          %while3A_602 = arith.constant 1 : i32
          %while3A_603:2 = scf.for %while3A_656 = %while3A_595 to %while3A_601 step %while3A_602 iter_args(%while3A_657 = %broadcast_in_dim3A_577, %while3A_658 = %broadcast_in_dim3A_579) -> (vector<16xf32>, vector<16xi32>)  : i32 {
            %mul3A_659 = arith.constant 16 : i32
            %mul3A_660 = arith.muli %while3A_656, %mul3A_659 : i32
            %get3A_661 = arith.index_cast %mul3A_660 : i32 to index
            %get3A_662 = tpu.vector_load %arg7[%get3A_661] {strides = array<i32>} : memref<5312xf32, #tpu.memory_space<vmem>>, vector<16xf32>,
            %mul3A_663 = arith.constant 16 : i32
            %mul3A_664 = arith.muli %while3A_656, %mul3A_663 : i32
            %get3A_665 = arith.index_cast %mul3A_664 : i32 to index
            %get3A_666 = tpu.vector_load %arg8[%get3A_665] {strides = array<i32>} : memref<5312xi32, #tpu.memory_space<vmem>>, vector<16xi32>,
            %gt3A_667 = arith.cmpf ogt, %get3A_662, %while3A_657 : vector<16xf32>
            %eq3A_668 = arith.cmpf oeq, %get3A_662, %while3A_657 : vector<16xf32>
            %lt3A_669 = arith.cmpi slt, %get3A_666, %while3A_658 : vector<16xi32>
            %and3A_670 = arith.andi %eq3A_668, %lt3A_669 : vector<16xi1>
            %or3A_671 = arith.ori %gt3A_667, %and3A_670 : vector<16xi1>
            %select_n3A_672 = arith.select %or3A_671, %get3A_662, %while3A_657 : vector<16xi1>, vector<16xf32>
            %select_n3A_673 = arith.select %or3A_671, %get3A_666, %while3A_658 : vector<16xi1>, vector<16xi32>
            scf.yield %select_n3A_672, %select_n3A_673 : vector<16xf32>, vector<16xi32>
          }
          %while3A_604 = arith.constant 1 : i32
          %while3A_605:2 = scf.for %while3A_656 = %while3A_601 to %while3A_597 step %while3A_604 iter_args(%while3A_657 = %while3A_603#0, %while3A_658 = %while3A_603#1) -> (vector<16xf32>, vector<16xi32>)  : i32 {
            %mul3A_659 = arith.constant 16 : i32
            %mul3A_660 = arith.muli %while3A_656, %mul3A_659 : i32
            %get3A_661 = arith.index_cast %mul3A_660 : i32 to index
            %get3A_662 = tpu.vector_load %arg7[%get3A_661] {strides = array<i32>} : memref<5312xf32, #tpu.memory_space<vmem>>, vector<16xf32>,
            %mul3A_663 = arith.constant 16 : i32
            %mul3A_664 = arith.muli %while3A_656, %mul3A_663 : i32
            %get3A_665 = arith.index_cast %mul3A_664 : i32 to index
            %get3A_666 = tpu.vector_load %arg8[%get3A_665] {strides = array<i32>} : memref<5312xi32, #tpu.memory_space<vmem>>, vector<16xi32>,
            %gt3A_667 = arith.cmpf ogt, %get3A_662, %while3A_657 : vector<16xf32>
            %eq3A_668 = arith.cmpf oeq, %get3A_662, %while3A_657 : vector<16xf32>
            %lt3A_669 = arith.cmpi slt, %get3A_666, %while3A_658 : vector<16xi32>
            %and3A_670 = arith.andi %eq3A_668, %lt3A_669 : vector<16xi1>
            %or3A_671 = arith.ori %gt3A_667, %and3A_670 : vector<16xi1>
            %select_n3A_672 = arith.select %or3A_671, %get3A_662, %while3A_657 : vector<16xi1>, vector<16xf32>
            %select_n3A_673 = arith.select %or3A_671, %get3A_666, %while3A_658 : vector<16xi1>, vector<16xi32>
            scf.yield %select_n3A_672, %select_n3A_673 : vector<16xf32>, vector<16xi32>
          }
          %reduce_max3A_606 = arith.constant true
          %reduce_max3A_607 = vector.broadcast %reduce_max3A_606 : i1 to vector<16xi1>
          %reduce_max3A_608 = tpu.scan <max>, %while3A_605#0 masked %reduce_max3A_607 : vector<16xf32>, vector<16xi1> -> vector<16xf32>
          %reduce_max3A_609 = vector.extract %reduce_max3A_608[15] : f32 from vector<16xf32>
          %broadcast_in_dim3A_610 = vector.broadcast %reduce_max3A_609 : f32 to vector<16xf32>
          %eq3A_611 = arith.cmpf oeq, %while3A_605#0, %broadcast_in_dim3A_610 : vector<16xf32>
          %select_n3A_612 = arith.select %eq3A_611, %while3A_605#1, %broadcast_in_dim3A_579 : vector<16xi1>, vector<16xi32>
          %reduce_min3A_613 = arith.constant true
          %reduce_min3A_614 = vector.broadcast %reduce_min3A_613 : i1 to vector<16xi1>
          %reduce_min3A_615 = arith.constant -2147483648 : i32
          %reduce_min3A_616 = vector.broadcast %reduce_min3A_615 : i32 to vector<16xi32>
          %reduce_min3A_617 = arith.xori %select_n3A_612, %reduce_min3A_616 : vector<16xi32>
          %reduce_min3A_618 = tpu.scan <min>, %reduce_min3A_617 masked %reduce_min3A_614 : vector<16xi32>, vector<16xi1> -> vector<16xi32>
          %reduce_min3A_619 = arith.xori %reduce_min3A_618, %reduce_min3A_616 : vector<16xi32>
          %reduce_min3A_620 = vector.extract %reduce_min3A_619[15] : i32 from vector<16xi32>
          %broadcast_in_dim3A_621 = vector.broadcast %reduce_min3A_620 : i32 to vector<16xi32>
          %while3A_622 = arith.constant 0 : i32
          %while3A_623 = arith.constant 0 : i32
          %while3A_624 = arith.subi %select_n3A_574, %while3A_623 : i32
          %while3A_625 = arith.addi %while3A_623, %while3A_624 : i32
          %while3A_626 = arith.constant 1 : i32
          %while3A_627 = arith.divsi %while3A_624, %while3A_626 : i32
          %while3A_628 = arith.muli %while3A_627, %while3A_626 : i32
          %while3A_629 = arith.addi %while3A_623, %while3A_628 : i32
          %while3A_630 = arith.constant 1 : i32
          scf.for %while3A_656 = %while3A_623 to %while3A_629 step %while3A_630  : i32 {
            %mul3A_657 = arith.constant 16 : i32
            %mul3A_658 = arith.muli %while3A_656, %mul3A_657 : i32
            %get3A_659 = arith.index_cast %mul3A_658 : i32 to index
            %get3A_660 = tpu.vector_load %arg7[%get3A_659] {strides = array<i32>} : memref<5312xf32, #tpu.memory_space<vmem>>, vector<16xf32>,
            %mul3A_661 = arith.constant 16 : i32
            %mul3A_662 = arith.muli %while3A_656, %mul3A_661 : i32
            %get3A_663 = arith.index_cast %mul3A_662 : i32 to index
            %get3A_664 = tpu.vector_load %arg8[%get3A_663] {strides = array<i32>} : memref<5312xi32, #tpu.memory_space<vmem>>, vector<16xi32>,
            %eq3A_665 = arith.cmpf oeq, %get3A_660, %broadcast_in_dim3A_610 : vector<16xf32>
            %eq3A_666 = arith.cmpi eq, %get3A_664, %broadcast_in_dim3A_621 : vector<16xi32>
            %and3A_667 = arith.andi %eq3A_665, %eq3A_666 : vector<16xi1>
            %select_n3A_668 = arith.select %and3A_667, %broadcast_in_dim3A_577, %get3A_660 : vector<16xi1>, vector<16xf32>
            %mul3A_669 = arith.constant 16 : i32
            %mul3A_670 = arith.muli %while3A_656, %mul3A_669 : i32
            %swap3A_671 = arith.index_cast %mul3A_670 : i32 to index
            %swap3A_672 = tpu.vector_load %arg7[%swap3A_671] {strides = array<i32>} : memref<5312xf32, #tpu.memory_space<vmem>>, vector<16xf32>,
            tpu.vector_store %arg7[%swap3A_671], %select_n3A_668 {strides = array<i32>} : memref<5312xf32, #tpu.memory_space<vmem>>, vector<16xf32>,
          }
          %while3A_631 = arith.constant 1 : i32
          scf.for %while3A_656 = %while3A_629 to %while3A_625 step %while3A_631  : i32 {
            %mul3A_657 = arith.constant 16 : i32
            %mul3A_658 = arith.muli %while3A_656, %mul3A_657 : i32
            %get3A_659 = arith.index_cast %mul3A_658 : i32 to index
            %get3A_660 = tpu.vector_load %arg7[%get3A_659] {strides = array<i32>} : memref<5312xf32, #tpu.memory_space<vmem>>, vector<16xf32>,
            %mul3A_661 = arith.constant 16 : i32
            %mul3A_662 = arith.muli %while3A_656, %mul3A_661 : i32
            %get3A_663 = arith.index_cast %mul3A_662 : i32 to index
            %get3A_664 = tpu.vector_load %arg8[%get3A_663] {strides = array<i32>} : memref<5312xi32, #tpu.memory_space<vmem>>, vector<16xi32>,
            %eq3A_665 = arith.cmpf oeq, %get3A_660, %broadcast_in_dim3A_610 : vector<16xf32>
            %eq3A_666 = arith.cmpi eq, %get3A_664, %broadcast_in_dim3A_621 : vector<16xi32>
            %and3A_667 = arith.andi %eq3A_665, %eq3A_666 : vector<16xi1>
            %select_n3A_668 = arith.select %and3A_667, %broadcast_in_dim3A_577, %get3A_660 : vector<16xi1>, vector<16xf32>
            %mul3A_669 = arith.constant 16 : i32
            %mul3A_670 = arith.muli %while3A_656, %mul3A_669 : i32
            %swap3A_671 = arith.index_cast %mul3A_670 : i32 to index
            %swap3A_672 = tpu.vector_load %arg7[%swap3A_671] {strides = array<i32>} : memref<5312xf32, #tpu.memory_space<vmem>>, vector<16xf32>,
            tpu.vector_store %arg7[%swap3A_671], %select_n3A_668 {strides = array<i32>} : memref<5312xf32, #tpu.memory_space<vmem>>, vector<16xf32>,
          }
          %jit3A_632 = arith.constant 16 : i32
          %eq3A_633 = arith.constant 0 : i32
          %eq3A_634 = arith.cmpi eq, %jit3A_632, %eq3A_633 : i32
          %jit3A_635 = arith.constant 1 : i32
          %select_n3A_636 = arith.select %eq3A_634, %jit3A_635, %jit3A_632 : i32
          %rem3A_637 = arith.remsi %scan3A_590, %select_n3A_636 : i32
          %ne3A_638 = arith.constant 0 : i32
          %ne3A_639 = arith.cmpi ne, %rem3A_637, %ne3A_638 : i32
          %lt3A_640 = arith.constant 0 : i32
          %lt3A_641 = arith.cmpi slt, %rem3A_637, %lt3A_640 : i32
          %lt3A_642 = arith.constant 0 : i32
          %lt3A_643 = arith.cmpi slt, %select_n3A_636, %lt3A_642 : i32
          %ne3A_644 = arith.xori %lt3A_641, %lt3A_643 : i1
          %and3A_645 = arith.andi %ne3A_644, %ne3A_639 : i1
          %add3A_646 = arith.addi %rem3A_637, %select_n3A_636 : i32
          %select_n3A_647 = arith.select %and3A_645, %add3A_646, %rem3A_637 : i32
          %eq3A_648 = vector.broadcast %select_n3A_647 : i32 to vector<16xi32>
          %eq3A_649 = arith.cmpi eq, %iota3A_575, %eq3A_648 : vector<16xi32>
          %lt3A_650 = arith.constant 16 : i32
          %lt3A_651 = arith.cmpi slt, %scan3A_590, %lt3A_650 : i32
          %convert_element_type3A_652 = arith.extui %lt3A_651 : i1 to i32
          %cond3A_653 = arith.constant 0 : i32
          %cond3A_654 = arith.cmpi ne, %convert_element_type3A_652, %cond3A_653 : i32
          %cond3A_655:4 = scf.if %cond3A_654 -> (vector<16xf32>, vector<16xi32>, vector<16xf32>, vector<16xi32>) {
            %select_n3A_656 = arith.select %eq3A_649, %broadcast_in_dim3A_610, %scan3A_591 : vector<16xi1>, vector<16xf32>
            %select_n3A_657 = arith.select %eq3A_649, %broadcast_in_dim3A_621, %scan3A_592 : vector<16xi1>, vector<16xi32>
            scf.yield %select_n3A_656, %select_n3A_657, %scan3A_593, %scan3A_594 : vector<16xf32>, vector<16xi32>, vector<16xf32>, vector<16xi32>
          } else {
            %select_n3A_656 = arith.select %eq3A_649, %broadcast_in_dim3A_610, %scan3A_593 : vector<16xi1>, vector<16xf32>
            %select_n3A_657 = arith.select %eq3A_649, %broadcast_in_dim3A_621, %scan3A_594 : vector<16xi1>, vector<16xi32>
            scf.yield %scan3A_591, %scan3A_592, %select_n3A_656, %select_n3A_657 : vector<16xf32>, vector<16xi32>, vector<16xf32>, vector<16xi32>
          }
          scf.yield %cond3A_655#0, %cond3A_655#1, %cond3A_655#2, %cond3A_655#3 : vector<16xf32>, vector<16xi32>, vector<16xf32>, vector<16xi32>
        }
        %scan3A_589 = arith.constant 32 : i32
        scf.yield %scan3A_588#0, %scan3A_588#1, %scan3A_588#2, %scan3A_588#3 : vector<16xf32>, vector<16xi32>, vector<16xf32>, vector<16xi32>
      } else {
        scf.yield %while3A_343#0, %while3A_343#1, %while3A_343#2, %while3A_343#3 : vector<16xf32>, vector<16xi32>, vector<16xf32>, vector<16xi32>
      }
      %swap3A_439 = arith.constant 0 : index
      %swap3A_440 = tpu.vector_load %arg9[%swap3A_439] {strides = array<i32>} : memref<32xf32, #tpu.memory_space<vmem>>, vector<16xf32>,
      tpu.vector_store %arg9[%swap3A_439], %cond3A_438#0 {strides = array<i32>} : memref<32xf32, #tpu.memory_space<vmem>>, vector<16xf32>,
      %swap3A_441 = arith.constant 16 : index
      %swap3A_442 = tpu.vector_load %arg9[%swap3A_441] {strides = array<i32>} : memref<32xf32, #tpu.memory_space<vmem>>, vector<16xf32>,
      tpu.vector_store %arg9[%swap3A_441], %cond3A_438#2 {strides = array<i32>} : memref<32xf32, #tpu.memory_space<vmem>>, vector<16xf32>,
      %swap3A_443 = arith.constant 0 : index
      %swap3A_444 = tpu.vector_load %arg10[%swap3A_443] {strides = array<i32>} : memref<32xi32, #tpu.memory_space<vmem>>, vector<16xi32>,
      tpu.vector_store %arg10[%swap3A_443], %cond3A_438#1 {strides = array<i32>} : memref<32xi32, #tpu.memory_space<vmem>>, vector<16xi32>,
      %swap3A_445 = arith.constant 16 : index
      %swap3A_446 = tpu.vector_load %arg10[%swap3A_445] {strides = array<i32>} : memref<32xi32, #tpu.memory_space<vmem>>, vector<16xi32>,
      tpu.vector_store %arg10[%swap3A_445], %cond3A_438#3 {strides = array<i32>} : memref<32xi32, #tpu.memory_space<vmem>>, vector<16xi32>,
      %jit3A_447 = arith.constant 8 : i32
      %eq3A_448 = arith.constant 0 : i32
      %eq3A_449 = arith.cmpi eq, %jit3A_447, %eq3A_448 : i32
      %jit3A_450 = arith.constant 1 : i32
      %select_n3A_451 = arith.select %eq3A_449, %jit3A_450, %jit3A_447 : i32
      %rem3A_452 = arith.remsi %while3A_130, %select_n3A_451 : i32
      %ne3A_453 = arith.constant 0 : i32
      %ne3A_454 = arith.cmpi ne, %rem3A_452, %ne3A_453 : i32
      %lt3A_455 = arith.constant 0 : i32
      %lt3A_456 = arith.cmpi slt, %rem3A_452, %lt3A_455 : i32
      %lt3A_457 = arith.constant 0 : i32
      %lt3A_458 = arith.cmpi slt, %select_n3A_451, %lt3A_457 : i32
      %ne3A_459 = arith.xori %lt3A_456, %lt3A_458 : i1
      %and3A_460 = arith.andi %ne3A_459, %ne3A_454 : i1
      %add3A_461 = arith.addi %rem3A_452, %select_n3A_451 : i32
      %select_n3A_462 = arith.select %and3A_460, %add3A_461, %rem3A_452 : i32
      %mul3A_463 = arith.constant 17 : i32
      %mul3A_464 = arith.muli %select_n3A_462, %mul3A_463 : i32
      %gather3A_465 = tpu.vector_load_idx %arg9[%max3A_14] : memref<32xf32, #tpu.memory_space<vmem>>[vector<16xi32>], vector<16xf32>,
      %swap3A_466 = arith.index_cast %mul3A_464 : i32 to index
      %swap3A_467 = tpu.vector_load %arg13[%swap3A_466] {strides = array<i32>} : memref<136xf32, #tpu.memory_space<vmem>>, vector<16xf32>,
      tpu.vector_store %arg13[%swap3A_466], %gather3A_465 {strides = array<i32>} : memref<136xf32, #tpu.memory_space<vmem>>, vector<16xf32>,
      %gather3A_468 = tpu.vector_load_idx %arg10[%max3A_14] : memref<32xi32, #tpu.memory_space<vmem>>[vector<16xi32>], vector<16xi32>,
      %swap3A_469 = arith.index_cast %mul3A_464 : i32 to index
      %swap3A_470 = tpu.vector_load %arg12[%swap3A_469] {strides = array<i32>} : memref<136xi32, #tpu.memory_space<vmem>>, vector<16xi32>,
      tpu.vector_store %arg12[%swap3A_469], %gather3A_468 {strides = array<i32>} : memref<136xi32, #tpu.memory_space<vmem>>, vector<16xi32>,
      %broadcast_in_dim3A_471 = arith.constant 31 : i32
      %broadcast_in_dim3A_472 = vector.broadcast %broadcast_in_dim3A_471 : i32 to vector<16xi32>
      %add3A_473 = arith.constant 16 : i32
      %add3A_474 = arith.addi %mul3A_464, %add3A_473 : i32
      %broadcast_in_dim3A_475 = vector.broadcast %add3A_474 : i32 to vector<16xi32>
      %gather3A_476 = tpu.vector_load_idx %arg9[%broadcast_in_dim3A_472] : memref<32xf32, #tpu.memory_space<vmem>>[vector<16xi32>], vector<16xf32>,
      tpu.vector_store_idx %arg13[%broadcast_in_dim3A_475], %gather3A_476 masked %eq3A_6 : memref<136xf32, #tpu.memory_space<vmem>>[vector<16xi32>], vector<16xf32>, vector<16xi1>
      %gather3A_477 = tpu.vector_load_idx %arg10[%broadcast_in_dim3A_472] : memref<32xi32, #tpu.memory_space<vmem>>[vector<16xi32>], vector<16xi32>,
      tpu.vector_store_idx %arg12[%broadcast_in_dim3A_475], %gather3A_477 masked %eq3A_6 : memref<136xi32, #tpu.memory_space<vmem>>[vector<16xi32>], vector<16xi32>, vector<16xi1>
      %jit3A_478 = arith.constant 8 : i32
      %div3A_479 = arith.divsi %while3A_130, %jit3A_478 : i32
      %sign3A_480 = arith.constant 0 : i32
      %sign3A_481 = arith.cmpi sgt, %while3A_130, %sign3A_480 : i32
      %sign3A_482 = arith.extui %sign3A_481 : i1 to i32
      %sign3A_483 = arith.constant 0 : i32
      %sign3A_484 = arith.cmpi slt, %while3A_130, %sign3A_483 : i32
      %sign3A_485 = arith.extui %sign3A_484 : i1 to i32
      %sign3A_486 = arith.subi %sign3A_482, %sign3A_485 : i32
      %sign3A_487 = arith.constant 0 : i32
      %sign3A_488 = arith.cmpi sgt, %jit3A_478, %sign3A_487 : i32
      %sign3A_489 = arith.extui %sign3A_488 : i1 to i32
      %sign3A_490 = arith.constant 0 : i32
      %sign3A_491 = arith.cmpi slt, %jit3A_478, %sign3A_490 : i32
      %sign3A_492 = arith.extui %sign3A_491 : i1 to i32
      %sign3A_493 = arith.subi %sign3A_489, %sign3A_492 : i32
      %ne3A_494 = arith.cmpi ne, %sign3A_486, %sign3A_493 : i32
      %rem3A_495 = arith.remsi %while3A_130, %jit3A_478 : i32
      %ne3A_496 = arith.constant 0 : i32
      %ne3A_497 = arith.cmpi ne, %rem3A_495, %ne3A_496 : i32
      %and3A_498 = arith.andi %ne3A_494, %ne3A_497 : i1
      %sub3A_499 = arith.constant 1 : i32
      %sub3A_500 = arith.subi %div3A_479, %sub3A_499 : i32
      %select_n3A_501 = arith.select %and3A_498, %sub3A_500, %div3A_479 : i32
      %mul3A_502 = arith.constant 32 : i32
      %mul3A_503 = arith.muli %mul3A_502, %select_n3A_501 : i32
      %add3A_504 = arith.addi %add3A, %mul3A_503 : i32
      %mul3A_505 = arith.constant 8 : i32
      %mul3A_506 = arith.muli %mul3A_505, %add3A_504 : i32
      %jit3A_507 = arith.constant 8 : i32
      %eq3A_508 = arith.constant 0 : i32
      %eq3A_509 = arith.cmpi eq, %jit3A_507, %eq3A_508 : i32
      %jit3A_510 = arith.constant 1 : i32
      %select_n3A_511 = arith.select %eq3A_509, %jit3A_510, %jit3A_507 : i32
      %rem3A_512 = arith.remsi %while3A_130, %select_n3A_511 : i32
      %ne3A_513 = arith.constant 0 : i32
      %ne3A_514 = arith.cmpi ne, %rem3A_512, %ne3A_513 : i32
      %lt3A_515 = arith.constant 0 : i32
      %lt3A_516 = arith.cmpi slt, %rem3A_512, %lt3A_515 : i32
      %lt3A_517 = arith.constant 0 : i32
      %lt3A_518 = arith.cmpi slt, %select_n3A_511, %lt3A_517 : i32
      %ne3A_519 = arith.xori %lt3A_516, %lt3A_518 : i1
      %and3A_520 = arith.andi %ne3A_519, %ne3A_514 : i1
      %add3A_521 = arith.addi %rem3A_512, %select_n3A_511 : i32
      %select_n3A_522 = arith.select %and3A_520, %add3A_521, %rem3A_512 : i32
      %add3A_523 = arith.addi %mul3A_506, %select_n3A_522 : i32
      %broadcast_in_dim3A_524 = vector.broadcast %add3A_523 : i32 to vector<16xi32>
      %swap3A_525 = arith.index_cast %mul3A_464 : i32 to index
      %swap3A_526 = tpu.vector_load %arg11[%swap3A_525] {strides = array<i32>} : memref<136xi32, #tpu.memory_space<vmem>>, vector<16xi32>,
      tpu.vector_store %arg11[%swap3A_525], %broadcast_in_dim3A_524 {strides = array<i32>} : memref<136xi32, #tpu.memory_space<vmem>>, vector<16xi32>,
      %broadcast_in_dim3A_527 = vector.broadcast %add3A_523 : i32 to vector<16xi32>
      tpu.vector_store_idx %arg11[%broadcast_in_dim3A_475], %broadcast_in_dim3A_527 masked %eq3A_6 : memref<136xi32, #tpu.memory_space<vmem>>[vector<16xi32>], vector<16xi32>, vector<16xi1>
      %jit3A_528 = arith.constant 8 : i32
      %eq3A_529 = arith.constant 0 : i32
      %eq3A_530 = arith.cmpi eq, %jit3A_528, %eq3A_529 : i32
      %jit3A_531 = arith.constant 1 : i32
      %select_n3A_532 = arith.select %eq3A_530, %jit3A_531, %jit3A_528 : i32
      %rem3A_533 = arith.remsi %while3A_130, %select_n3A_532 : i32
      %ne3A_534 = arith.constant 0 : i32
      %ne3A_535 = arith.cmpi ne, %rem3A_533, %ne3A_534 : i32
      %lt3A_536 = arith.constant 0 : i32
      %lt3A_537 = arith.cmpi slt, %rem3A_533, %lt3A_536 : i32
      %lt3A_538 = arith.constant 0 : i32
      %lt3A_539 = arith.cmpi slt, %select_n3A_532, %lt3A_538 : i32
      %ne3A_540 = arith.xori %lt3A_537, %lt3A_539 : i1
      %and3A_541 = arith.andi %ne3A_540, %ne3A_535 : i1
      %add3A_542 = arith.addi %rem3A_533, %select_n3A_532 : i32
      %select_n3A_543 = arith.select %and3A_541, %add3A_542, %rem3A_533 : i32
      %eq3A_544 = arith.constant 7 : i32
      %eq3A_545 = arith.cmpi eq, %select_n3A_543, %eq3A_544 : i32
      %convert_element_type3A_546 = arith.extui %eq3A_545 : i1 to i32
      %cond3A_547 = arith.constant 0 : i32
      %cond3A_548 = arith.cmpi ne, %convert_element_type3A_546, %cond3A_547 : i32
      scf.if %cond3A_548 {
        %jit3A_549 = arith.constant 8 : i32
        %div3A_550 = arith.divsi %while3A_130, %jit3A_549 : i32
        %sign3A_551 = arith.constant 0 : i32
        %sign3A_552 = arith.cmpi sgt, %while3A_130, %sign3A_551 : i32
        %sign3A_553 = arith.extui %sign3A_552 : i1 to i32
        %sign3A_554 = arith.constant 0 : i32
        %sign3A_555 = arith.cmpi slt, %while3A_130, %sign3A_554 : i32
        %sign3A_556 = arith.extui %sign3A_555 : i1 to i32
        %sign3A_557 = arith.subi %sign3A_553, %sign3A_556 : i32
        %sign3A_558 = arith.constant 0 : i32
        %sign3A_559 = arith.cmpi sgt, %jit3A_549, %sign3A_558 : i32
        %sign3A_560 = arith.extui %sign3A_559 : i1 to i32
        %sign3A_561 = arith.constant 0 : i32
        %sign3A_562 = arith.cmpi slt, %jit3A_549, %sign3A_561 : i32
        %sign3A_563 = arith.extui %sign3A_562 : i1 to i32
        %sign3A_564 = arith.subi %sign3A_560, %sign3A_563 : i32
        %ne3A_565 = arith.cmpi ne, %sign3A_557, %sign3A_564 : i32
        %rem3A_566 = arith.remsi %while3A_130, %jit3A_549 : i32
        %ne3A_567 = arith.constant 0 : i32
        %ne3A_568 = arith.cmpi ne, %rem3A_566, %ne3A_567 : i32
        %and3A_569 = arith.andi %ne3A_565, %ne3A_568 : i1
        %sub3A_570 = arith.constant 1 : i32
        %sub3A_571 = arith.subi %div3A_550, %sub3A_570 : i32
        %select_n3A_572 = arith.select %and3A_569, %sub3A_571, %div3A_550 : i32
        %mul3A_573 = arith.constant 32 : i32
        %mul3A_574 = arith.muli %mul3A_573, %select_n3A_572 : i32
        %add3A_575 = arith.addi %add3A, %mul3A_574 : i32
        %mul3A_576 = arith.constant 136 : i32
        %mul3A_577 = arith.muli %add3A_575, %mul3A_576 : i32
        "tpu.region"() ({
          %run_scoped3A = tpu.sem_alloc : memref<!tpu.dma_semaphore, #tpu.memory_space<semaphore_mem>>
          %dma_start3A_578 = tpu.memref_slice %arg3[%mul3A_577] : memref<170000xi32, #tpu.memory_space<hbm>> -> memref<136xi32, #tpu.memory_space<hbm>>
          %dma_start3A_579 = tpu.memref_slice %arg3[%mul3A_577] : memref<170000xi32, #tpu.memory_space<hbm>> -> memref<136xi32, #tpu.memory_space<hbm>>
          tpu.enqueue_dma source(%arg11 : memref<136xi32, #tpu.memory_space<vmem>>) target(%dma_start3A_579 : memref<136xi32, #tpu.memory_space<hbm>>) target_semaphore(%run_scoped3A : memref<!tpu.dma_semaphore, #tpu.memory_space<semaphore_mem>>)
          %dma_wait3A_580 = tpu.memref_slice %arg3[%mul3A_577] : memref<170000xi32, #tpu.memory_space<hbm>> -> memref<136xi32, #tpu.memory_space<hbm>>
          %dma_wait3A_581 = tpu.memref_slice %arg3[%mul3A_577] : memref<170000xi32, #tpu.memory_space<hbm>> -> memref<136xi32, #tpu.memory_space<hbm>>
          tpu.wait_dma2 semaphore(%run_scoped3A : memref<!tpu.dma_semaphore, #tpu.memory_space<semaphore_mem>>) src(%arg11 : memref<136xi32, #tpu.memory_space<vmem>>) dst(%dma_wait3A_581 : memref<136xi32, #tpu.memory_space<hbm>>)
          tpu.yield
        }) : () -> ()
        "tpu.region"() ({
          %run_scoped3A = tpu.sem_alloc : memref<!tpu.dma_semaphore, #tpu.memory_space<semaphore_mem>>
          %dma_start3A_578 = tpu.memref_slice %arg4[%mul3A_577] : memref<170000xi32, #tpu.memory_space<hbm>> -> memref<136xi32, #tpu.memory_space<hbm>>
          %dma_start3A_579 = tpu.memref_slice %arg4[%mul3A_577] : memref<170000xi32, #tpu.memory_space<hbm>> -> memref<136xi32, #tpu.memory_space<hbm>>
          tpu.enqueue_dma source(%arg12 : memref<136xi32, #tpu.memory_space<vmem>>) target(%dma_start3A_579 : memref<136xi32, #tpu.memory_space<hbm>>) target_semaphore(%run_scoped3A : memref<!tpu.dma_semaphore, #tpu.memory_space<semaphore_mem>>)
          %dma_wait3A_580 = tpu.memref_slice %arg4[%mul3A_577] : memref<170000xi32, #tpu.memory_space<hbm>> -> memref<136xi32, #tpu.memory_space<hbm>>
          %dma_wait3A_581 = tpu.memref_slice %arg4[%mul3A_577] : memref<170000xi32, #tpu.memory_space<hbm>> -> memref<136xi32, #tpu.memory_space<hbm>>
          tpu.wait_dma2 semaphore(%run_scoped3A : memref<!tpu.dma_semaphore, #tpu.memory_space<semaphore_mem>>) src(%arg12 : memref<136xi32, #tpu.memory_space<vmem>>) dst(%dma_wait3A_581 : memref<136xi32, #tpu.memory_space<hbm>>)
          tpu.yield
        }) : () -> ()
        "tpu.region"() ({
          %run_scoped3A = tpu.sem_alloc : memref<!tpu.dma_semaphore, #tpu.memory_space<semaphore_mem>>
          %dma_start3A_578 = tpu.memref_slice %arg5[%mul3A_577] : memref<170000xf32, #tpu.memory_space<hbm>> -> memref<136xf32, #tpu.memory_space<hbm>>
          %dma_start3A_579 = tpu.memref_slice %arg5[%mul3A_577] : memref<170000xf32, #tpu.memory_space<hbm>> -> memref<136xf32, #tpu.memory_space<hbm>>
          tpu.enqueue_dma source(%arg13 : memref<136xf32, #tpu.memory_space<vmem>>) target(%dma_start3A_579 : memref<136xf32, #tpu.memory_space<hbm>>) target_semaphore(%run_scoped3A : memref<!tpu.dma_semaphore, #tpu.memory_space<semaphore_mem>>)
          %dma_wait3A_580 = tpu.memref_slice %arg5[%mul3A_577] : memref<170000xf32, #tpu.memory_space<hbm>> -> memref<136xf32, #tpu.memory_space<hbm>>
          %dma_wait3A_581 = tpu.memref_slice %arg5[%mul3A_577] : memref<170000xf32, #tpu.memory_space<hbm>> -> memref<136xf32, #tpu.memory_space<hbm>>
          tpu.wait_dma2 semaphore(%run_scoped3A : memref<!tpu.dma_semaphore, #tpu.memory_space<semaphore_mem>>) src(%arg13 : memref<136xf32, #tpu.memory_space<vmem>>) dst(%dma_wait3A_581 : memref<136xf32, #tpu.memory_space<hbm>>)
          tpu.yield
        }) : () -> ()
      } else {
      }
    }
    %while3A_129 = arith.constant 1 : i32
    scf.for %while3A_130 = %while3A_127 to %while3A_123 step %while3A_129  : i32 {
      %dma_wait3A = arith.constant 0 : i32
      %dma_wait3A_131 = tpu.memref_slice %arg6[%dma_wait3A] : memref<30000xf32, #tpu.memory_space<vmem>> -> memref<10000xf32, #tpu.memory_space<vmem>>
      %dma_wait3A_132 = arith.constant 0 : i32
      %dma_wait3A_133 = tpu.memref_slice %arg2[%dma_wait3A_132] : memref<100000000xf32, #tpu.memory_space<hbm>> -> memref<10000xf32, #tpu.memory_space<hbm>>
      %dma_wait3A_134 = arith.constant 0 : i32
      %dma_wait3A_135 = tpu.memref_slice %arg6[%dma_wait3A_134] : memref<30000xf32, #tpu.memory_space<vmem>> -> memref<10000xf32, #tpu.memory_space<vmem>>
      %dma_wait3A_136 = arith.constant 0 : i32
      %dma_wait3A_137 = tpu.memref_slice %arg2[%dma_wait3A_136] : memref<100000000xf32, #tpu.memory_space<hbm>> -> memref<10000xf32, #tpu.memory_space<hbm>>
      tpu.wait_dma2 semaphore(%arg14 : memref<!tpu.dma_semaphore, #tpu.memory_space<semaphore_mem>>) src(%dma_wait3A_137 : memref<10000xf32, #tpu.memory_space<hbm>>) dst(%dma_wait3A_135 : memref<10000xf32, #tpu.memory_space<vmem>>)
      %add3A_138 = arith.constant 2 : i32
      %add3A_139 = arith.addi %while3A_130, %add3A_138 : i32
      %lt3A_140 = arith.cmpi slt, %add3A_139, %mul3A_4 : i32
      %convert_element_type3A_141 = arith.extui %lt3A_140 : i1 to i32
      %cond3A = arith.constant 0 : i32
      %cond3A_142 = arith.cmpi ne, %convert_element_type3A_141, %cond3A : i32
      scf.if %cond3A_142 {
        %add3A_549 = arith.constant 2 : i32
        %add3A_550 = arith.addi %while3A_130, %add3A_549 : i32
        %add3A_551 = arith.constant 2 : i32
        %add3A_552 = arith.addi %while3A_130, %add3A_551 : i32
        %jit3A_553 = arith.constant 3 : i32
        %eq3A_554 = arith.constant 0 : i32
        %eq3A_555 = arith.cmpi eq, %jit3A_553, %eq3A_554 : i32
        %jit3A_556 = arith.constant 1 : i32
        %select_n3A_557 = arith.select %eq3A_555, %jit3A_556, %jit3A_553 : i32
        %rem3A_558 = arith.remsi %add3A_552, %select_n3A_557 : i32
        %ne3A_559 = arith.constant 0 : i32
        %ne3A_560 = arith.cmpi ne, %rem3A_558, %ne3A_559 : i32
        %lt3A_561 = arith.constant 0 : i32
        %lt3A_562 = arith.cmpi slt, %rem3A_558, %lt3A_561 : i32
        %lt3A_563 = arith.constant 0 : i32
        %lt3A_564 = arith.cmpi slt, %select_n3A_557, %lt3A_563 : i32
        %ne3A_565 = arith.xori %lt3A_562, %lt3A_564 : i1
        %and3A_566 = arith.andi %ne3A_565, %ne3A_560 : i1
        %add3A_567 = arith.addi %rem3A_558, %select_n3A_557 : i32
        %select_n3A_568 = arith.select %and3A_566, %add3A_567, %rem3A_558 : i32
        %jit3A_569 = arith.constant 8 : i32
        %div3A_570 = arith.divsi %add3A_550, %jit3A_569 : i32
        %sign3A_571 = arith.constant 0 : i32
        %sign3A_572 = arith.cmpi sgt, %add3A_550, %sign3A_571 : i32
        %sign3A_573 = arith.extui %sign3A_572 : i1 to i32
        %sign3A_574 = arith.constant 0 : i32
        %sign3A_575 = arith.cmpi slt, %add3A_550, %sign3A_574 : i32
        %sign3A_576 = arith.extui %sign3A_575 : i1 to i32
        %sign3A_577 = arith.subi %sign3A_573, %sign3A_576 : i32
        %sign3A_578 = arith.constant 0 : i32
        %sign3A_579 = arith.cmpi sgt, %jit3A_569, %sign3A_578 : i32
        %sign3A_580 = arith.extui %sign3A_579 : i1 to i32
        %sign3A_581 = arith.constant 0 : i32
        %sign3A_582 = arith.cmpi slt, %jit3A_569, %sign3A_581 : i32
        %sign3A_583 = arith.extui %sign3A_582 : i1 to i32
        %sign3A_584 = arith.subi %sign3A_580, %sign3A_583 : i32
        %ne3A_585 = arith.cmpi ne, %sign3A_577, %sign3A_584 : i32
        %rem3A_586 = arith.remsi %add3A_550, %jit3A_569 : i32
        %ne3A_587 = arith.constant 0 : i32
        %ne3A_588 = arith.cmpi ne, %rem3A_586, %ne3A_587 : i32
        %and3A_589 = arith.andi %ne3A_585, %ne3A_588 : i1
        %sub3A_590 = arith.constant 1 : i32
        %sub3A_591 = arith.subi %div3A_570, %sub3A_590 : i32
        %select_n3A_592 = arith.select %and3A_589, %sub3A_591, %div3A_570 : i32
        %mul3A_593 = arith.constant 32 : i32
        %mul3A_594 = arith.muli %mul3A_593, %select_n3A_592 : i32
        %add3A_595 = arith.addi %add3A, %mul3A_594 : i32
        %mul3A_596 = arith.constant 8 : i32
        %mul3A_597 = arith.muli %mul3A_596, %add3A_595 : i32
        %jit3A_598 = arith.constant 8 : i32
        %eq3A_599 = arith.constant 0 : i32
        %eq3A_600 = arith.cmpi eq, %jit3A_598, %eq3A_599 : i32
        %jit3A_601 = arith.constant 1 : i32
        %select_n3A_602 = arith.select %eq3A_600, %jit3A_601, %jit3A_598 : i32
        %rem3A_603 = arith.remsi %add3A_550, %select_n3A_602 : i32
        %ne3A_604 = arith.constant 0 : i32
        %ne3A_605 = arith.cmpi ne, %rem3A_603, %ne3A_604 : i32
        %lt3A_606 = arith.constant 0 : i32
        %lt3A_607 = arith.cmpi slt, %rem3A_603, %lt3A_606 : i32
        %lt3A_608 = arith.constant 0 : i32
        %lt3A_609 = arith.cmpi slt, %select_n3A_602, %lt3A_608 : i32
        %ne3A_610 = arith.xori %lt3A_607, %lt3A_609 : i1
        %and3A_611 = arith.andi %ne3A_610, %ne3A_605 : i1
        %add3A_612 = arith.addi %rem3A_603, %select_n3A_602 : i32
        %select_n3A_613 = arith.select %and3A_611, %add3A_612, %rem3A_603 : i32
        %add3A_614 = arith.addi %mul3A_597, %select_n3A_613 : i32
        %mul3A_615 = arith.constant 10000 : i32
        %mul3A_616 = arith.muli %add3A_614, %mul3A_615 : i32
        %mul3A_617 = arith.constant 10000 : i32
        %mul3A_618 = arith.muli %select_n3A_568, %mul3A_617 : i32
        %dma_start3A_619 = tpu.memref_slice %arg6[%mul3A_618] : memref<30000xf32, #tpu.memory_space<vmem>> -> memref<10000xf32, #tpu.memory_space<vmem>>
        %dma_start3A_620 = tpu.memref_slice %arg2[%mul3A_616] : memref<100000000xf32, #tpu.memory_space<hbm>> -> memref<10000xf32, #tpu.memory_space<hbm>>
        %dma_start3A_621 = tpu.memref_slice %arg6[%mul3A_618] : memref<30000xf32, #tpu.memory_space<vmem>> -> memref<10000xf32, #tpu.memory_space<vmem>>
        %dma_start3A_622 = tpu.memref_slice %arg2[%mul3A_616] : memref<100000000xf32, #tpu.memory_space<hbm>> -> memref<10000xf32, #tpu.memory_space<hbm>>
        tpu.enqueue_dma source(%dma_start3A_622 : memref<10000xf32, #tpu.memory_space<hbm>>) target(%dma_start3A_621 : memref<10000xf32, #tpu.memory_space<vmem>>) target_semaphore(%arg14 : memref<!tpu.dma_semaphore, #tpu.memory_space<semaphore_mem>>)
      } else {
      }
      %jit3A_143 = arith.constant 3 : i32
      %eq3A_144 = arith.constant 0 : i32
      %eq3A_145 = arith.cmpi eq, %jit3A_143, %eq3A_144 : i32
      %jit3A_146 = arith.constant 1 : i32
      %select_n3A_147 = arith.select %eq3A_145, %jit3A_146, %jit3A_143 : i32
      %rem3A_148 = arith.remsi %while3A_130, %select_n3A_147 : i32
      %ne3A_149 = arith.constant 0 : i32
      %ne3A_150 = arith.cmpi ne, %rem3A_148, %ne3A_149 : i32
      %lt3A_151 = arith.constant 0 : i32
      %lt3A_152 = arith.cmpi slt, %rem3A_148, %lt3A_151 : i32
      %lt3A_153 = arith.constant 0 : i32
      %lt3A_154 = arith.cmpi slt, %select_n3A_147, %lt3A_153 : i32
      %ne3A_155 = arith.xori %lt3A_152, %lt3A_154 : i1
      %and3A_156 = arith.andi %ne3A_155, %ne3A_150 : i1
      %add3A_157 = arith.addi %rem3A_148, %select_n3A_147 : i32
      %select_n3A_158 = arith.select %and3A_156, %add3A_157, %rem3A_148 : i32
      %mul3A_159 = arith.constant 10000 : i32
      %mul3A_160 = arith.muli %select_n3A_158, %mul3A_159 : i32
      %broadcast_in_dim3A_161 = arith.constant 0 : i32
      %broadcast_in_dim3A_162 = vector.broadcast %broadcast_in_dim3A_161 : i32 to vector<16xi32>
      %scan3A = arith.constant 0 : i32
      %scan3A_163 = arith.constant 78 : i32
      %scan3A_164 = arith.addi %scan3A, %scan3A_163 : i32
      %scan3A_165 = arith.constant 1 : i32
      %scan3A_166:4 = scf.for %scan3A_549 = %scan3A to %scan3A_164 step %scan3A_165 iter_args(%scan3A_550 = %broadcast_in_dim3A_15, %scan3A_551 = %broadcast_in_dim3A_15, %scan3A_552 = %broadcast_in_dim3A_15, %scan3A_553 = %broadcast_in_dim3A_162) -> (vector<16xf32>, vector<16xf32>, vector<16xf32>, vector<16xi32>)  : i32 {
        %mul3A_554 = arith.constant 128 : i32
        %mul3A_555 = arith.muli %scan3A_549, %mul3A_554 : i32
        %add3A_556 = arith.addi %mul3A_160, %mul3A_555 : i32
        %add3A_557 = arith.constant 0 : i32
        %add3A_558 = arith.addi %add3A_556, %add3A_557 : i32
        %get3A_559 = arith.index_cast %add3A_558 : i32 to index
        %get3A_560 = tpu.vector_load %arg6[%get3A_559] {strides = array<i32>} : memref<30000xf32, #tpu.memory_space<vmem>>, vector<16xf32>,
        %add3A_561 = arith.addi %mul3A_160, %mul3A_555 : i32
        %add3A_562 = arith.constant 16 : i32
        %add3A_563 = arith.addi %add3A_561, %add3A_562 : i32
        %get3A_564 = arith.index_cast %add3A_563 : i32 to index
        %get3A_565 = tpu.vector_load %arg6[%get3A_564] {strides = array<i32>} : memref<30000xf32, #tpu.memory_space<vmem>>, vector<16xf32>,
        %add3A_566 = arith.addi %mul3A_160, %mul3A_555 : i32
        %add3A_567 = arith.constant 32 : i32
        %add3A_568 = arith.addi %add3A_566, %add3A_567 : i32
        %get3A_569 = arith.index_cast %add3A_568 : i32 to index
        %get3A_570 = tpu.vector_load %arg6[%get3A_569] {strides = array<i32>} : memref<30000xf32, #tpu.memory_space<vmem>>, vector<16xf32>,
        %add3A_571 = arith.addi %mul3A_160, %mul3A_555 : i32
        %add3A_572 = arith.constant 48 : i32
        %add3A_573 = arith.addi %add3A_571, %add3A_572 : i32
        %get3A_574 = arith.index_cast %add3A_573 : i32 to index
        %get3A_575 = tpu.vector_load %arg6[%get3A_574] {strides = array<i32>} : memref<30000xf32, #tpu.memory_space<vmem>>, vector<16xf32>,
        %add3A_576 = arith.addi %mul3A_160, %mul3A_555 : i32
        %add3A_577 = arith.constant 64 : i32
        %add3A_578 = arith.addi %add3A_576, %add3A_577 : i32
        %get3A_579 = arith.index_cast %add3A_578 : i32 to index
        %get3A_580 = tpu.vector_load %arg6[%get3A_579] {strides = array<i32>} : memref<30000xf32, #tpu.memory_space<vmem>>, vector<16xf32>,
        %add3A_581 = arith.addi %mul3A_160, %mul3A_555 : i32
        %add3A_582 = arith.constant 80 : i32
        %add3A_583 = arith.addi %add3A_581, %add3A_582 : i32
        %get3A_584 = arith.index_cast %add3A_583 : i32 to index
        %get3A_585 = tpu.vector_load %arg6[%get3A_584] {strides = array<i32>} : memref<30000xf32, #tpu.memory_space<vmem>>, vector<16xf32>,
        %add3A_586 = arith.addi %mul3A_160, %mul3A_555 : i32
        %add3A_587 = arith.constant 96 : i32
        %add3A_588 = arith.addi %add3A_586, %add3A_587 : i32
        %get3A_589 = arith.index_cast %add3A_588 : i32 to index
        %get3A_590 = tpu.vector_load %arg6[%get3A_589] {strides = array<i32>} : memref<30000xf32, #tpu.memory_space<vmem>>, vector<16xf32>,
        %add3A_591 = arith.addi %mul3A_160, %mul3A_555 : i32
        %add3A_592 = arith.constant 112 : i32
        %add3A_593 = arith.addi %add3A_591, %add3A_592 : i32
        %get3A_594 = arith.index_cast %add3A_593 : i32 to index
        %get3A_595 = tpu.vector_load %arg6[%get3A_594] {strides = array<i32>} : memref<30000xf32, #tpu.memory_space<vmem>>, vector<16xf32>,
        %ge3A_596 = arith.cmpf oge, %get3A_560, %scan3A_552 : vector<16xf32>
        %ge3A_597 = arith.cmpf oge, %get3A_565, %scan3A_552 : vector<16xf32>
        %ge3A_598 = arith.cmpf oge, %get3A_570, %scan3A_552 : vector<16xf32>
        %ge3A_599 = arith.cmpf oge, %get3A_575, %scan3A_552 : vector<16xf32>
        %ge3A_600 = arith.cmpf oge, %get3A_580, %scan3A_552 : vector<16xf32>
        %ge3A_601 = arith.cmpf oge, %get3A_585, %scan3A_552 : vector<16xf32>
        %ge3A_602 = arith.cmpf oge, %get3A_590, %scan3A_552 : vector<16xf32>
        %ge3A_603 = arith.cmpf oge, %get3A_595, %scan3A_552 : vector<16xf32>
        %all_reduce_population_count3A_604 = tpu.all_reduce %ge3A_596 {dim = 0 : i64, kind = #tpu.reduction_kind<sum>} : vector<16xi1> -> vector<16xi32>
        %all_reduce_population_count3A_605 = tpu.all_reduce %ge3A_597 {dim = 0 : i64, kind = #tpu.reduction_kind<sum>} : vector<16xi1> -> vector<16xi32>
        %all_reduce_population_count3A_606 = tpu.all_reduce %ge3A_598 {dim = 0 : i64, kind = #tpu.reduction_kind<sum>} : vector<16xi1> -> vector<16xi32>
        %all_reduce_population_count3A_607 = tpu.all_reduce %ge3A_599 {dim = 0 : i64, kind = #tpu.reduction_kind<sum>} : vector<16xi1> -> vector<16xi32>
        %all_reduce_population_count3A_608 = tpu.all_reduce %ge3A_600 {dim = 0 : i64, kind = #tpu.reduction_kind<sum>} : vector<16xi1> -> vector<16xi32>
        %all_reduce_population_count3A_609 = tpu.all_reduce %ge3A_601 {dim = 0 : i64, kind = #tpu.reduction_kind<sum>} : vector<16xi1> -> vector<16xi32>
        %all_reduce_population_count3A_610 = tpu.all_reduce %ge3A_602 {dim = 0 : i64, kind = #tpu.reduction_kind<sum>} : vector<16xi1> -> vector<16xi32>
        %all_reduce_population_count3A_611 = tpu.all_reduce %ge3A_603 {dim = 0 : i64, kind = #tpu.reduction_kind<sum>} : vector<16xi1> -> vector<16xi32>
        %gt3A_612 = arith.constant 0 : i32
        %gt3A_613 = vector.broadcast %gt3A_612 : i32 to vector<16xi32>
        %gt3A_614 = arith.cmpi sgt, %all_reduce_population_count3A_604, %gt3A_613 : vector<16xi32>
        %jit3A_615 = arith.constant 16 : i32
        %jit3A_616 = arith.constant 0 : i32
        %broadcast_in_dim3A_617 = vector.broadcast %jit3A_615 : i32 to vector<16xi32>
        %broadcast_in_dim3A_618 = vector.broadcast %jit3A_616 : i32 to vector<16xi32>
        %select_n3A_619 = arith.select %gt3A_614, %broadcast_in_dim3A_617, %broadcast_in_dim3A_618 : vector<16xi1>, vector<16xi32>
        %gt3A_620 = arith.constant 0 : i32
        %gt3A_621 = vector.broadcast %gt3A_620 : i32 to vector<16xi32>
        %gt3A_622 = arith.cmpi sgt, %all_reduce_population_count3A_605, %gt3A_621 : vector<16xi32>
        %jit3A_623 = arith.constant 16 : i32
        %jit3A_624 = arith.constant 0 : i32
        %broadcast_in_dim3A_625 = vector.broadcast %jit3A_623 : i32 to vector<16xi32>
        %broadcast_in_dim3A_626 = vector.broadcast %jit3A_624 : i32 to vector<16xi32>
        %select_n3A_627 = arith.select %gt3A_622, %broadcast_in_dim3A_625, %broadcast_in_dim3A_626 : vector<16xi1>, vector<16xi32>
        %gt3A_628 = arith.constant 0 : i32
        %gt3A_629 = vector.broadcast %gt3A_628 : i32 to vector<16xi32>
        %gt3A_630 = arith.cmpi sgt, %all_reduce_population_count3A_606, %gt3A_629 : vector<16xi32>
        %jit3A_631 = arith.constant 16 : i32
        %jit3A_632 = arith.constant 0 : i32
        %broadcast_in_dim3A_633 = vector.broadcast %jit3A_631 : i32 to vector<16xi32>
        %broadcast_in_dim3A_634 = vector.broadcast %jit3A_632 : i32 to vector<16xi32>
        %select_n3A_635 = arith.select %gt3A_630, %broadcast_in_dim3A_633, %broadcast_in_dim3A_634 : vector<16xi1>, vector<16xi32>
        %gt3A_636 = arith.constant 0 : i32
        %gt3A_637 = vector.broadcast %gt3A_636 : i32 to vector<16xi32>
        %gt3A_638 = arith.cmpi sgt, %all_reduce_population_count3A_607, %gt3A_637 : vector<16xi32>
        %jit3A_639 = arith.constant 16 : i32
        %jit3A_640 = arith.constant 0 : i32
        %broadcast_in_dim3A_641 = vector.broadcast %jit3A_639 : i32 to vector<16xi32>
        %broadcast_in_dim3A_642 = vector.broadcast %jit3A_640 : i32 to vector<16xi32>
        %select_n3A_643 = arith.select %gt3A_638, %broadcast_in_dim3A_641, %broadcast_in_dim3A_642 : vector<16xi1>, vector<16xi32>
        %gt3A_644 = arith.constant 0 : i32
        %gt3A_645 = vector.broadcast %gt3A_644 : i32 to vector<16xi32>
        %gt3A_646 = arith.cmpi sgt, %all_reduce_population_count3A_608, %gt3A_645 : vector<16xi32>
        %jit3A_647 = arith.constant 16 : i32
        %jit3A_648 = arith.constant 0 : i32
        %broadcast_in_dim3A_649 = vector.broadcast %jit3A_647 : i32 to vector<16xi32>
        %broadcast_in_dim3A_650 = vector.broadcast %jit3A_648 : i32 to vector<16xi32>
        %select_n3A_651 = arith.select %gt3A_646, %broadcast_in_dim3A_649, %broadcast_in_dim3A_650 : vector<16xi1>, vector<16xi32>
        %gt3A_652 = arith.constant 0 : i32
        %gt3A_653 = vector.broadcast %gt3A_652 : i32 to vector<16xi32>
        %gt3A_654 = arith.cmpi sgt, %all_reduce_population_count3A_609, %gt3A_653 : vector<16xi32>
        %jit3A_655 = arith.constant 16 : i32
        %jit3A_656 = arith.constant 0 : i32
        %broadcast_in_dim3A_657 = vector.broadcast %jit3A_655 : i32 to vector<16xi32>
        %broadcast_in_dim3A_658 = vector.broadcast %jit3A_656 : i32 to vector<16xi32>
        %select_n3A_659 = arith.select %gt3A_654, %broadcast_in_dim3A_657, %broadcast_in_dim3A_658 : vector<16xi1>, vector<16xi32>
        %gt3A_660 = arith.constant 0 : i32
        %gt3A_661 = vector.broadcast %gt3A_660 : i32 to vector<16xi32>
        %gt3A_662 = arith.cmpi sgt, %all_reduce_population_count3A_610, %gt3A_661 : vector<16xi32>
        %jit3A_663 = arith.constant 16 : i32
        %jit3A_664 = arith.constant 0 : i32
        %broadcast_in_dim3A_665 = vector.broadcast %jit3A_663 : i32 to vector<16xi32>
        %broadcast_in_dim3A_666 = vector.broadcast %jit3A_664 : i32 to vector<16xi32>
        %select_n3A_667 = arith.select %gt3A_662, %broadcast_in_dim3A_665, %broadcast_in_dim3A_666 : vector<16xi1>, vector<16xi32>
        %gt3A_668 = arith.constant 0 : i32
        %gt3A_669 = vector.broadcast %gt3A_668 : i32 to vector<16xi32>
        %gt3A_670 = arith.cmpi sgt, %all_reduce_population_count3A_611, %gt3A_669 : vector<16xi32>
        %jit3A_671 = arith.constant 16 : i32
        %jit3A_672 = arith.constant 0 : i32
        %broadcast_in_dim3A_673 = vector.broadcast %jit3A_671 : i32 to vector<16xi32>
        %broadcast_in_dim3A_674 = vector.broadcast %jit3A_672 : i32 to vector<16xi32>
        %select_n3A_675 = arith.select %gt3A_670, %broadcast_in_dim3A_673, %broadcast_in_dim3A_674 : vector<16xi1>, vector<16xi32>
        %max3A_676 = arith.maximumf %scan3A_550, %get3A_560 : vector<16xf32>
        %min3A_677 = arith.minimumf %scan3A_550, %get3A_560 : vector<16xf32>
        %max3A_678 = arith.maximumf %scan3A_551, %min3A_677 : vector<16xf32>
        %max3A_679 = arith.maximumf %max3A_676, %get3A_565 : vector<16xf32>
        %min3A_680 = arith.minimumf %max3A_676, %get3A_565 : vector<16xf32>
        %max3A_681 = arith.maximumf %max3A_678, %min3A_680 : vector<16xf32>
        %max3A_682 = arith.maximumf %max3A_679, %get3A_570 : vector<16xf32>
        %min3A_683 = arith.minimumf %max3A_679, %get3A_570 : vector<16xf32>
        %max3A_684 = arith.maximumf %max3A_681, %min3A_683 : vector<16xf32>
        %max3A_685 = arith.maximumf %max3A_682, %get3A_575 : vector<16xf32>
        %min3A_686 = arith.minimumf %max3A_682, %get3A_575 : vector<16xf32>
        %max3A_687 = arith.maximumf %max3A_684, %min3A_686 : vector<16xf32>
        %max3A_688 = arith.maximumf %max3A_685, %get3A_580 : vector<16xf32>
        %min3A_689 = arith.minimumf %max3A_685, %get3A_580 : vector<16xf32>
        %max3A_690 = arith.maximumf %max3A_687, %min3A_689 : vector<16xf32>
        %max3A_691 = arith.maximumf %max3A_688, %get3A_585 : vector<16xf32>
        %min3A_692 = arith.minimumf %max3A_688, %get3A_585 : vector<16xf32>
        %max3A_693 = arith.maximumf %max3A_690, %min3A_692 : vector<16xf32>
        %max3A_694 = arith.maximumf %max3A_691, %get3A_590 : vector<16xf32>
        %min3A_695 = arith.minimumf %max3A_691, %get3A_590 : vector<16xf32>
        %max3A_696 = arith.maximumf %max3A_693, %min3A_695 : vector<16xf32>
        %max3A_697 = arith.maximumf %max3A_694, %get3A_595 : vector<16xf32>
        %min3A_698 = arith.minimumf %max3A_694, %get3A_595 : vector<16xf32>
        %max3A_699 = arith.maximumf %max3A_696, %min3A_698 : vector<16xf32>
        %add3A_700 = arith.addi %scan3A_553, %select_n3A_619 : vector<16xi32>
        %add3A_701 = arith.addi %add3A_700, %select_n3A_627 : vector<16xi32>
        %add3A_702 = arith.addi %add3A_701, %select_n3A_635 : vector<16xi32>
        %add3A_703 = arith.addi %add3A_702, %select_n3A_643 : vector<16xi32>
        %add3A_704 = arith.addi %add3A_703, %select_n3A_651 : vector<16xi32>
        %add3A_705 = arith.addi %add3A_704, %select_n3A_659 : vector<16xi32>
        %add3A_706 = arith.addi %add3A_705, %select_n3A_667 : vector<16xi32>
        %add3A_707 = arith.addi %add3A_706, %select_n3A_675 : vector<16xi32>
        %min3A_708 = arith.constant 5120 : i32
        %min3A_709 = vector.broadcast %min3A_708 : i32 to vector<16xi32>
        %min3A_710 = arith.minsi %add3A_707, %min3A_709 : vector<16xi32>
        %add3A_711 = arith.addi %scan3A_553, %iota3A : vector<16xi32>
        tpu.vector_store_idx %arg7[%add3A_711], %get3A_560 : memref<5312xf32, #tpu.memory_space<vmem>>[vector<16xi32>], vector<16xf32>,
        %add3A_712 = arith.addi %scan3A_553, %iota3A : vector<16xi32>
        %add3A_713 = arith.constant 0 : i32
        %add3A_714 = arith.addi %mul3A_555, %add3A_713 : i32
        %add3A_715 = vector.broadcast %add3A_714 : i32 to vector<16xi32>
        %add3A_716 = arith.addi %iota3A, %add3A_715 : vector<16xi32>
        tpu.vector_store_idx %arg8[%add3A_712], %add3A_716 : memref<5312xi32, #tpu.memory_space<vmem>>[vector<16xi32>], vector<16xi32>,
        %add3A_717 = arith.addi %add3A_700, %iota3A : vector<16xi32>
        tpu.vector_store_idx %arg7[%add3A_717], %get3A_565 : memref<5312xf32, #tpu.memory_space<vmem>>[vector<16xi32>], vector<16xf32>,
        %add3A_718 = arith.addi %add3A_700, %iota3A : vector<16xi32>
        %add3A_719 = arith.constant 16 : i32
        %add3A_720 = arith.addi %mul3A_555, %add3A_719 : i32
        %add3A_721 = vector.broadcast %add3A_720 : i32 to vector<16xi32>
        %add3A_722 = arith.addi %iota3A, %add3A_721 : vector<16xi32>
        tpu.vector_store_idx %arg8[%add3A_718], %add3A_722 : memref<5312xi32, #tpu.memory_space<vmem>>[vector<16xi32>], vector<16xi32>,
        %add3A_723 = arith.addi %add3A_701, %iota3A : vector<16xi32>
        tpu.vector_store_idx %arg7[%add3A_723], %get3A_570 : memref<5312xf32, #tpu.memory_space<vmem>>[vector<16xi32>], vector<16xf32>,
        %add3A_724 = arith.addi %add3A_701, %iota3A : vector<16xi32>
        %add3A_725 = arith.constant 32 : i32
        %add3A_726 = arith.addi %mul3A_555, %add3A_725 : i32
        %add3A_727 = vector.broadcast %add3A_726 : i32 to vector<16xi32>
        %add3A_728 = arith.addi %iota3A, %add3A_727 : vector<16xi32>
        tpu.vector_store_idx %arg8[%add3A_724], %add3A_728 : memref<5312xi32, #tpu.memory_space<vmem>>[vector<16xi32>], vector<16xi32>,
        %add3A_729 = arith.addi %add3A_702, %iota3A : vector<16xi32>
        tpu.vector_store_idx %arg7[%add3A_729], %get3A_575 : memref<5312xf32, #tpu.memory_space<vmem>>[vector<16xi32>], vector<16xf32>,
        %add3A_730 = arith.addi %add3A_702, %iota3A : vector<16xi32>
        %add3A_731 = arith.constant 48 : i32
        %add3A_732 = arith.addi %mul3A_555, %add3A_731 : i32
        %add3A_733 = vector.broadcast %add3A_732 : i32 to vector<16xi32>
        %add3A_734 = arith.addi %iota3A, %add3A_733 : vector<16xi32>
        tpu.vector_store_idx %arg8[%add3A_730], %add3A_734 : memref<5312xi32, #tpu.memory_space<vmem>>[vector<16xi32>], vector<16xi32>,
        %add3A_735 = arith.addi %add3A_703, %iota3A : vector<16xi32>
        tpu.vector_store_idx %arg7[%add3A_735], %get3A_580 : memref<5312xf32, #tpu.memory_space<vmem>>[vector<16xi32>], vector<16xf32>,
        %add3A_736 = arith.addi %add3A_703, %iota3A : vector<16xi32>
        %add3A_737 = arith.constant 64 : i32
        %add3A_738 = arith.addi %mul3A_555, %add3A_737 : i32
        %add3A_739 = vector.broadcast %add3A_738 : i32 to vector<16xi32>
        %add3A_740 = arith.addi %iota3A, %add3A_739 : vector<16xi32>
        tpu.vector_store_idx %arg8[%add3A_736], %add3A_740 : memref<5312xi32, #tpu.memory_space<vmem>>[vector<16xi32>], vector<16xi32>,
        %add3A_741 = arith.addi %add3A_704, %iota3A : vector<16xi32>
        tpu.vector_store_idx %arg7[%add3A_741], %get3A_585 : memref<5312xf32, #tpu.memory_space<vmem>>[vector<16xi32>], vector<16xf32>,
        %add3A_742 = arith.addi %add3A_704, %iota3A : vector<16xi32>
        %add3A_743 = arith.constant 80 : i32
        %add3A_744 = arith.addi %mul3A_555, %add3A_743 : i32
        %add3A_745 = vector.broadcast %add3A_744 : i32 to vector<16xi32>
        %add3A_746 = arith.addi %iota3A, %add3A_745 : vector<16xi32>
        tpu.vector_store_idx %arg8[%add3A_742], %add3A_746 : memref<5312xi32, #tpu.memory_space<vmem>>[vector<16xi32>], vector<16xi32>,
        %add3A_747 = arith.addi %add3A_705, %iota3A : vector<16xi32>
        tpu.vector_store_idx %arg7[%add3A_747], %get3A_590 : memref<5312xf32, #tpu.memory_space<vmem>>[vector<16xi32>], vector<16xf32>,
        %add3A_748 = arith.addi %add3A_705, %iota3A : vector<16xi32>
        %add3A_749 = arith.constant 96 : i32
        %add3A_750 = arith.addi %mul3A_555, %add3A_749 : i32
        %add3A_751 = vector.broadcast %add3A_750 : i32 to vector<16xi32>
        %add3A_752 = arith.addi %iota3A, %add3A_751 : vector<16xi32>
        tpu.vector_store_idx %arg8[%add3A_748], %add3A_752 : memref<5312xi32, #tpu.memory_space<vmem>>[vector<16xi32>], vector<16xi32>,
        %add3A_753 = arith.addi %add3A_706, %iota3A : vector<16xi32>
        tpu.vector_store_idx %arg7[%add3A_753], %get3A_595 : memref<5312xf32, #tpu.memory_space<vmem>>[vector<16xi32>], vector<16xf32>,
        %add3A_754 = arith.addi %add3A_706, %iota3A : vector<16xi32>
        %add3A_755 = arith.constant 112 : i32
        %add3A_756 = arith.addi %mul3A_555, %add3A_755 : i32
        %add3A_757 = vector.broadcast %add3A_756 : i32 to vector<16xi32>
        %add3A_758 = arith.addi %iota3A, %add3A_757 : vector<16xi32>
        tpu.vector_store_idx %arg8[%add3A_754], %add3A_758 : memref<5312xi32, #tpu.memory_space<vmem>>[vector<16xi32>], vector<16xi32>,
        %reduce_min3A_759 = arith.constant true
        %reduce_min3A_760 = vector.broadcast %reduce_min3A_759 : i1 to vector<16xi1>
        %reduce_min3A_761 = tpu.scan <min>, %max3A_699 masked %reduce_min3A_760 : vector<16xf32>, vector<16xi1> -> vector<16xf32>
        %reduce_min3A_762 = vector.extract %reduce_min3A_761[15] : f32 from vector<16xf32>
        %broadcast_in_dim3A_763 = vector.broadcast %reduce_min3A_762 : f32 to vector<16xf32>
        scf.yield %max3A_697, %max3A_699, %broadcast_in_dim3A_763, %min3A_710 : vector<16xf32>, vector<16xf32>, vector<16xf32>, vector<16xi32>
      }
      %scan3A_167 = arith.constant 78 : i32
      %add3A_168 = arith.constant 9984 : i32
      %add3A_169 = arith.addi %mul3A_160, %add3A_168 : i32
      %add3A_170 = arith.constant 0 : i32
      %add3A_171 = arith.addi %add3A_169, %add3A_170 : i32
      %get3A = arith.index_cast %add3A_171 : i32 to index
      %get3A_172 = tpu.vector_load %arg6[%get3A] {strides = array<i32>} : memref<30000xf32, #tpu.memory_space<vmem>>, vector<16xf32>,
      %ge3A_173 = arith.cmpf oge, %get3A_172, %scan3A_166#2 : vector<16xf32>
      %all_reduce_population_count3A = tpu.all_reduce %ge3A_173 {dim = 0 : i64, kind = #tpu.reduction_kind<sum>} : vector<16xi1> -> vector<16xi32>
      %gt3A = arith.constant 0 : i32
      %gt3A_174 = vector.broadcast %gt3A : i32 to vector<16xi32>
      %gt3A_175 = arith.cmpi sgt, %all_reduce_population_count3A, %gt3A_174 : vector<16xi32>
      %jit3A_176 = arith.constant 16 : i32
      %jit3A_177 = arith.constant 0 : i32
      %broadcast_in_dim3A_178 = vector.broadcast %jit3A_176 : i32 to vector<16xi32>
      %broadcast_in_dim3A_179 = vector.broadcast %jit3A_177 : i32 to vector<16xi32>
      %select_n3A_180 = arith.select %gt3A_175, %broadcast_in_dim3A_178, %broadcast_in_dim3A_179 : vector<16xi1>, vector<16xi32>
      %max3A_181 = arith.maximumf %scan3A_166#0, %get3A_172 : vector<16xf32>
      %min3A = arith.minimumf %scan3A_166#0, %get3A_172 : vector<16xf32>
      %max3A_182 = arith.maximumf %scan3A_166#1, %min3A : vector<16xf32>
      %add3A_183 = arith.addi %scan3A_166#3, %select_n3A_180 : vector<16xi32>
      %min3A_184 = arith.constant 5120 : i32
      %min3A_185 = vector.broadcast %min3A_184 : i32 to vector<16xi32>
      %min3A_186 = arith.minsi %add3A_183, %min3A_185 : vector<16xi32>
      %add3A_187 = arith.addi %scan3A_166#3, %iota3A : vector<16xi32>
      tpu.vector_store_idx %arg7[%add3A_187], %get3A_172 : memref<5312xf32, #tpu.memory_space<vmem>>[vector<16xi32>], vector<16xf32>,
      %add3A_188 = arith.addi %scan3A_166#3, %iota3A : vector<16xi32>
      %add3A_189 = arith.constant 9984 : i32
      %add3A_190 = vector.broadcast %add3A_189 : i32 to vector<16xi32>
      %add3A_191 = arith.addi %iota3A, %add3A_190 : vector<16xi32>
      tpu.vector_store_idx %arg8[%add3A_188], %add3A_191 : memref<5312xi32, #tpu.memory_space<vmem>>[vector<16xi32>], vector<16xi32>,
      %reduce_max3A = arith.constant true
      %reduce_max3A_192 = vector.broadcast %reduce_max3A : i1 to vector<16xi1>
      %reduce_max3A_193 = arith.constant -2147483648 : i32
      %reduce_max3A_194 = vector.broadcast %reduce_max3A_193 : i32 to vector<16xi32>
      %reduce_max3A_195 = arith.xori %min3A_186, %reduce_max3A_194 : vector<16xi32>
      %reduce_max3A_196 = tpu.scan <max>, %reduce_max3A_195 masked %reduce_max3A_192 : vector<16xi32>, vector<16xi1> -> vector<16xi32>
      %reduce_max3A_197 = arith.xori %reduce_max3A_196, %reduce_max3A_194 : vector<16xi32>
      %reduce_max3A_198 = vector.extract %reduce_max3A_197[15] : i32 from vector<16xi32>
      %jit3A_199 = arith.constant 16 : i32
      %div3A_200 = arith.divsi %reduce_max3A_198, %jit3A_199 : i32
      %sign3A_201 = arith.constant 0 : i32
      %sign3A_202 = arith.cmpi sgt, %reduce_max3A_198, %sign3A_201 : i32
      %sign3A_203 = arith.extui %sign3A_202 : i1 to i32
      %sign3A_204 = arith.constant 0 : i32
      %sign3A_205 = arith.cmpi slt, %reduce_max3A_198, %sign3A_204 : i32
      %sign3A_206 = arith.extui %sign3A_205 : i1 to i32
      %sign3A_207 = arith.subi %sign3A_203, %sign3A_206 : i32
      %sign3A_208 = arith.constant 0 : i32
      %sign3A_209 = arith.cmpi sgt, %jit3A_199, %sign3A_208 : i32
      %sign3A_210 = arith.extui %sign3A_209 : i1 to i32
      %sign3A_211 = arith.constant 0 : i32
      %sign3A_212 = arith.cmpi slt, %jit3A_199, %sign3A_211 : i32
      %sign3A_213 = arith.extui %sign3A_212 : i1 to i32
      %sign3A_214 = arith.subi %sign3A_210, %sign3A_213 : i32
      %ne3A_215 = arith.cmpi ne, %sign3A_207, %sign3A_214 : i32
      %rem3A_216 = arith.remsi %reduce_max3A_198, %jit3A_199 : i32
      %ne3A_217 = arith.constant 0 : i32
      %ne3A_218 = arith.cmpi ne, %rem3A_216, %ne3A_217 : i32
      %and3A_219 = arith.andi %ne3A_215, %ne3A_218 : i1
      %sub3A_220 = arith.constant 1 : i32
      %sub3A_221 = arith.subi %div3A_200, %sub3A_220 : i32
      %select_n3A_222 = arith.select %and3A_219, %sub3A_221, %div3A_200 : i32
      %reduce_min3A = arith.constant true
      %reduce_min3A_223 = vector.broadcast %reduce_min3A : i1 to vector<16xi1>
      %reduce_min3A_224 = tpu.scan <min>, %max3A_182 masked %reduce_min3A_223 : vector<16xf32>, vector<16xi1> -> vector<16xf32>
      %reduce_min3A_225 = vector.extract %reduce_min3A_224[15] : f32 from vector<16xf32>
      %broadcast_in_dim3A_226 = vector.broadcast %reduce_min3A_225 : f32 to vector<16xf32>
      %mul3A_227 = arith.constant 16 : i32
      %mul3A_228 = arith.muli %select_n3A_222, %mul3A_227 : i32
      %add3A_229 = arith.constant 0 : i32
      %add3A_230 = arith.addi %mul3A_228, %add3A_229 : i32
      %swap3A = arith.index_cast %add3A_230 : i32 to index
      %swap3A_231 = tpu.vector_load %arg7[%swap3A] {strides = array<i32>} : memref<5312xf32, #tpu.memory_space<vmem>>, vector<16xf32>,
      tpu.vector_store %arg7[%swap3A], %broadcast_in_dim3A_15 {strides = array<i32>} : memref<5312xf32, #tpu.memory_space<vmem>>, vector<16xf32>,
      %mul3A_232 = arith.constant 16 : i32
      %mul3A_233 = arith.muli %select_n3A_222, %mul3A_232 : i32
      %add3A_234 = arith.constant 16 : i32
      %add3A_235 = arith.addi %mul3A_233, %add3A_234 : i32
      %swap3A_236 = arith.index_cast %add3A_235 : i32 to index
      %swap3A_237 = tpu.vector_load %arg7[%swap3A_236] {strides = array<i32>} : memref<5312xf32, #tpu.memory_space<vmem>>, vector<16xf32>,
      tpu.vector_store %arg7[%swap3A_236], %broadcast_in_dim3A_15 {strides = array<i32>} : memref<5312xf32, #tpu.memory_space<vmem>>, vector<16xf32>,
      %mul3A_238 = arith.constant 16 : i32
      %mul3A_239 = arith.muli %select_n3A_222, %mul3A_238 : i32
      %add3A_240 = arith.constant 32 : i32
      %add3A_241 = arith.addi %mul3A_239, %add3A_240 : i32
      %swap3A_242 = arith.index_cast %add3A_241 : i32 to index
      %swap3A_243 = tpu.vector_load %arg7[%swap3A_242] {strides = array<i32>} : memref<5312xf32, #tpu.memory_space<vmem>>, vector<16xf32>,
      tpu.vector_store %arg7[%swap3A_242], %broadcast_in_dim3A_15 {strides = array<i32>} : memref<5312xf32, #tpu.memory_space<vmem>>, vector<16xf32>,
      %add3A_244 = arith.constant 3 : i32
      %add3A_245 = arith.addi %select_n3A_222, %add3A_244 : i32
      %jit3A_246 = arith.constant 4 : i32
      %div3A_247 = arith.divsi %add3A_245, %jit3A_246 : i32
      %sign3A_248 = arith.constant 0 : i32
      %sign3A_249 = arith.cmpi sgt, %add3A_245, %sign3A_248 : i32
      %sign3A_250 = arith.extui %sign3A_249 : i1 to i32
      %sign3A_251 = arith.constant 0 : i32
      %sign3A_252 = arith.cmpi slt, %add3A_245, %sign3A_251 : i32
      %sign3A_253 = arith.extui %sign3A_252 : i1 to i32
      %sign3A_254 = arith.subi %sign3A_250, %sign3A_253 : i32
      %sign3A_255 = arith.constant 0 : i32
      %sign3A_256 = arith.cmpi sgt, %jit3A_246, %sign3A_255 : i32
      %sign3A_257 = arith.extui %sign3A_256 : i1 to i32
      %sign3A_258 = arith.constant 0 : i32
      %sign3A_259 = arith.cmpi slt, %jit3A_246, %sign3A_258 : i32
      %sign3A_260 = arith.extui %sign3A_259 : i1 to i32
      %sign3A_261 = arith.subi %sign3A_257, %sign3A_260 : i32
      %ne3A_262 = arith.cmpi ne, %sign3A_254, %sign3A_261 : i32
      %rem3A_263 = arith.remsi %add3A_245, %jit3A_246 : i32
      %ne3A_264 = arith.constant 0 : i32
      %ne3A_265 = arith.cmpi ne, %rem3A_263, %ne3A_264 : i32
      %and3A_266 = arith.andi %ne3A_262, %ne3A_265 : i1
      %sub3A_267 = arith.constant 1 : i32
      %sub3A_268 = arith.subi %div3A_247, %sub3A_267 : i32
      %select_n3A_269 = arith.select %and3A_266, %sub3A_268, %div3A_247 : i32
      %broadcast_in_dim3A_270 = arith.constant -1 : i32
      %broadcast_in_dim3A_271 = vector.broadcast %broadcast_in_dim3A_270 : i32 to vector<16xi32>
      %while3A_272 = arith.constant 0 : i32
      %while3A_273 = arith.subi %select_n3A_269, %while3A_272 : i32
      %while3A_274 = arith.addi %while3A_272, %while3A_273 : i32
      %while3A_275 = arith.constant 1 : i32
      %while3A_276 = arith.divsi %while3A_273, %while3A_275 : i32
      %while3A_277 = arith.muli %while3A_276, %while3A_275 : i32
      %while3A_278 = arith.addi %while3A_272, %while3A_277 : i32
      %while3A_279 = arith.constant 1 : i32
      %while3A_280 = scf.for %while3A_549 = %while3A_272 to %while3A_278 step %while3A_279 iter_args(%while3A_550 = %broadcast_in_dim3A_271) -> (vector<16xi32>)  : i32 {
        %mul3A_551 = arith.constant 64 : i32
        %mul3A_552 = arith.muli %while3A_549, %mul3A_551 : i32
        %add3A_553 = arith.constant 0 : i32
        %add3A_554 = arith.addi %mul3A_552, %add3A_553 : i32
        %get3A_555 = arith.index_cast %add3A_554 : i32 to index
        %get3A_556 = tpu.vector_load %arg7[%get3A_555] {strides = array<i32>} : memref<5312xf32, #tpu.memory_space<vmem>>, vector<16xf32>,
        %add3A_557 = arith.constant 16 : i32
        %add3A_558 = arith.addi %mul3A_552, %add3A_557 : i32
        %get3A_559 = arith.index_cast %add3A_558 : i32 to index
        %get3A_560 = tpu.vector_load %arg7[%get3A_559] {strides = array<i32>} : memref<5312xf32, #tpu.memory_space<vmem>>, vector<16xf32>,
        %add3A_561 = arith.constant 32 : i32
        %add3A_562 = arith.addi %mul3A_552, %add3A_561 : i32
        %get3A_563 = arith.index_cast %add3A_562 : i32 to index
        %get3A_564 = tpu.vector_load %arg7[%get3A_563] {strides = array<i32>} : memref<5312xf32, #tpu.memory_space<vmem>>, vector<16xf32>,
        %add3A_565 = arith.constant 48 : i32
        %add3A_566 = arith.addi %mul3A_552, %add3A_565 : i32
        %get3A_567 = arith.index_cast %add3A_566 : i32 to index
        %get3A_568 = tpu.vector_load %arg7[%get3A_567] {strides = array<i32>} : memref<5312xf32, #tpu.memory_space<vmem>>, vector<16xf32>,
        %add3A_569 = arith.constant 0 : i32
        %add3A_570 = arith.addi %mul3A_552, %add3A_569 : i32
        %get3A_571 = arith.index_cast %add3A_570 : i32 to index
        %get3A_572 = tpu.vector_load %arg8[%get3A_571] {strides = array<i32>} : memref<5312xi32, #tpu.memory_space<vmem>>, vector<16xi32>,
        %add3A_573 = arith.constant 16 : i32
        %add3A_574 = arith.addi %mul3A_552, %add3A_573 : i32
        %get3A_575 = arith.index_cast %add3A_574 : i32 to index
        %get3A_576 = tpu.vector_load %arg8[%get3A_575] {strides = array<i32>} : memref<5312xi32, #tpu.memory_space<vmem>>, vector<16xi32>,
        %add3A_577 = arith.constant 32 : i32
        %add3A_578 = arith.addi %mul3A_552, %add3A_577 : i32
        %get3A_579 = arith.index_cast %add3A_578 : i32 to index
        %get3A_580 = tpu.vector_load %arg8[%get3A_579] {strides = array<i32>} : memref<5312xi32, #tpu.memory_space<vmem>>, vector<16xi32>,
        %add3A_581 = arith.constant 48 : i32
        %add3A_582 = arith.addi %mul3A_552, %add3A_581 : i32
        %get3A_583 = arith.index_cast %add3A_582 : i32 to index
        %get3A_584 = tpu.vector_load %arg8[%get3A_583] {strides = array<i32>} : memref<5312xi32, #tpu.memory_space<vmem>>, vector<16xi32>,
        %ge3A_585 = arith.cmpf oge, %get3A_556, %broadcast_in_dim3A_226 : vector<16xf32>
        %ge3A_586 = arith.cmpf oge, %get3A_560, %broadcast_in_dim3A_226 : vector<16xf32>
        %ge3A_587 = arith.cmpf oge, %get3A_564, %broadcast_in_dim3A_226 : vector<16xf32>
        %ge3A_588 = arith.cmpf oge, %get3A_568, %broadcast_in_dim3A_226 : vector<16xf32>
        %convert_element_type3A_589 = arith.extui %ge3A_585 : vector<16xi1> to vector<16xi32>
        %broadcast_in_dim3A_590 = arith.constant true
        %broadcast_in_dim3A_591 = vector.broadcast %broadcast_in_dim3A_590 : i1 to vector<16xi1>
        %masked_cumsum3A = tpu.scan <sum>, %convert_element_type3A_589 masked %broadcast_in_dim3A_591 : vector<16xi32>, vector<16xi1> -> vector<16xi32>
        %convert_element_type3A_592 = arith.extui %ge3A_586 : vector<16xi1> to vector<16xi32>
        %broadcast_in_dim3A_593 = arith.constant true
        %broadcast_in_dim3A_594 = vector.broadcast %broadcast_in_dim3A_593 : i1 to vector<16xi1>
        %masked_cumsum3A_595 = tpu.scan <sum>, %convert_element_type3A_592 masked %broadcast_in_dim3A_594 : vector<16xi32>, vector<16xi1> -> vector<16xi32>
        %convert_element_type3A_596 = arith.extui %ge3A_587 : vector<16xi1> to vector<16xi32>
        %broadcast_in_dim3A_597 = arith.constant true
        %broadcast_in_dim3A_598 = vector.broadcast %broadcast_in_dim3A_597 : i1 to vector<16xi1>
        %masked_cumsum3A_599 = tpu.scan <sum>, %convert_element_type3A_596 masked %broadcast_in_dim3A_598 : vector<16xi32>, vector<16xi1> -> vector<16xi32>
        %convert_element_type3A_600 = arith.extui %ge3A_588 : vector<16xi1> to vector<16xi32>
        %broadcast_in_dim3A_601 = arith.constant true
        %broadcast_in_dim3A_602 = vector.broadcast %broadcast_in_dim3A_601 : i1 to vector<16xi1>
        %masked_cumsum3A_603 = tpu.scan <sum>, %convert_element_type3A_600 masked %broadcast_in_dim3A_602 : vector<16xi32>, vector<16xi1> -> vector<16xi32>
        %all_reduce_population_count3A_604 = tpu.all_reduce %ge3A_585 {dim = 0 : i64, kind = #tpu.reduction_kind<sum>} : vector<16xi1> -> vector<16xi32>
        %all_reduce_population_count3A_605 = tpu.all_reduce %ge3A_586 {dim = 0 : i64, kind = #tpu.reduction_kind<sum>} : vector<16xi1> -> vector<16xi32>
        %all_reduce_population_count3A_606 = tpu.all_reduce %ge3A_587 {dim = 0 : i64, kind = #tpu.reduction_kind<sum>} : vector<16xi1> -> vector<16xi32>
        %all_reduce_population_count3A_607 = tpu.all_reduce %ge3A_588 {dim = 0 : i64, kind = #tpu.reduction_kind<sum>} : vector<16xi1> -> vector<16xi32>
        %add3A_608 = arith.addi %while3A_550, %masked_cumsum3A : vector<16xi32>
        %min3A_609 = arith.constant 5104 : i32
        %min3A_610 = vector.broadcast %min3A_609 : i32 to vector<16xi32>
        %min3A_611 = arith.minsi %add3A_608, %min3A_610 : vector<16xi32>
        tpu.vector_store_idx %arg7[%min3A_611], %get3A_556 masked %ge3A_585 : memref<5312xf32, #tpu.memory_space<vmem>>[vector<16xi32>], vector<16xf32>, vector<16xi1>
        tpu.vector_store_idx %arg8[%min3A_611], %get3A_572 masked %ge3A_585 : memref<5312xi32, #tpu.memory_space<vmem>>[vector<16xi32>], vector<16xi32>, vector<16xi1>
        %add3A_612 = arith.addi %while3A_550, %all_reduce_population_count3A_604 : vector<16xi32>
        %add3A_613 = arith.addi %add3A_612, %masked_cumsum3A_595 : vector<16xi32>
        %min3A_614 = arith.constant 5104 : i32
        %min3A_615 = vector.broadcast %min3A_614 : i32 to vector<16xi32>
        %min3A_616 = arith.minsi %add3A_613, %min3A_615 : vector<16xi32>
        tpu.vector_store_idx %arg7[%min3A_616], %get3A_560 masked %ge3A_586 : memref<5312xf32, #tpu.memory_space<vmem>>[vector<16xi32>], vector<16xf32>, vector<16xi1>
        tpu.vector_store_idx %arg8[%min3A_616], %get3A_576 masked %ge3A_586 : memref<5312xi32, #tpu.memory_space<vmem>>[vector<16xi32>], vector<16xi32>, vector<16xi1>
        %add3A_617 = arith.addi %add3A_612, %all_reduce_population_count3A_605 : vector<16xi32>
        %add3A_618 = arith.addi %add3A_617, %masked_cumsum3A_599 : vector<16xi32>
        %min3A_619 = arith.constant 5104 : i32
        %min3A_620 = vector.broadcast %min3A_619 : i32 to vector<16xi32>
        %min3A_621 = arith.minsi %add3A_618, %min3A_620 : vector<16xi32>
        tpu.vector_store_idx %arg7[%min3A_621], %get3A_564 masked %ge3A_587 : memref<5312xf32, #tpu.memory_space<vmem>>[vector<16xi32>], vector<16xf32>, vector<16xi1>
        tpu.vector_store_idx %arg8[%min3A_621], %get3A_580 masked %ge3A_587 : memref<5312xi32, #tpu.memory_space<vmem>>[vector<16xi32>], vector<16xi32>, vector<16xi1>
        %add3A_622 = arith.addi %add3A_617, %all_reduce_population_count3A_606 : vector<16xi32>
        %add3A_623 = arith.addi %add3A_622, %masked_cumsum3A_603 : vector<16xi32>
        %min3A_624 = arith.constant 5104 : i32
        %min3A_625 = vector.broadcast %min3A_624 : i32 to vector<16xi32>
        %min3A_626 = arith.minsi %add3A_623, %min3A_625 : vector<16xi32>
        tpu.vector_store_idx %arg7[%min3A_626], %get3A_568 masked %ge3A_588 : memref<5312xf32, #tpu.memory_space<vmem>>[vector<16xi32>], vector<16xf32>, vector<16xi1>
        tpu.vector_store_idx %arg8[%min3A_626], %get3A_584 masked %ge3A_588 : memref<5312xi32, #tpu.memory_space<vmem>>[vector<16xi32>], vector<16xi32>, vector<16xi1>
        %add3A_627 = arith.addi %add3A_622, %all_reduce_population_count3A_607 : vector<16xi32>
        scf.yield %add3A_627 : vector<16xi32>
      }
      %while3A_281 = arith.constant 1 : i32
      %while3A_282 = scf.for %while3A_549 = %while3A_278 to %while3A_274 step %while3A_281 iter_args(%while3A_550 = %while3A_280) -> (vector<16xi32>)  : i32 {
        %mul3A_551 = arith.constant 64 : i32
        %mul3A_552 = arith.muli %while3A_549, %mul3A_551 : i32
        %add3A_553 = arith.constant 0 : i32
        %add3A_554 = arith.addi %mul3A_552, %add3A_553 : i32
        %get3A_555 = arith.index_cast %add3A_554 : i32 to index
        %get3A_556 = tpu.vector_load %arg7[%get3A_555] {strides = array<i32>} : memref<5312xf32, #tpu.memory_space<vmem>>, vector<16xf32>,
        %add3A_557 = arith.constant 16 : i32
        %add3A_558 = arith.addi %mul3A_552, %add3A_557 : i32
        %get3A_559 = arith.index_cast %add3A_558 : i32 to index
        %get3A_560 = tpu.vector_load %arg7[%get3A_559] {strides = array<i32>} : memref<5312xf32, #tpu.memory_space<vmem>>, vector<16xf32>,
        %add3A_561 = arith.constant 32 : i32
        %add3A_562 = arith.addi %mul3A_552, %add3A_561 : i32
        %get3A_563 = arith.index_cast %add3A_562 : i32 to index
        %get3A_564 = tpu.vector_load %arg7[%get3A_563] {strides = array<i32>} : memref<5312xf32, #tpu.memory_space<vmem>>, vector<16xf32>,
        %add3A_565 = arith.constant 48 : i32
        %add3A_566 = arith.addi %mul3A_552, %add3A_565 : i32
        %get3A_567 = arith.index_cast %add3A_566 : i32 to index
        %get3A_568 = tpu.vector_load %arg7[%get3A_567] {strides = array<i32>} : memref<5312xf32, #tpu.memory_space<vmem>>, vector<16xf32>,
        %add3A_569 = arith.constant 0 : i32
        %add3A_570 = arith.addi %mul3A_552, %add3A_569 : i32
        %get3A_571 = arith.index_cast %add3A_570 : i32 to index
        %get3A_572 = tpu.vector_load %arg8[%get3A_571] {strides = array<i32>} : memref<5312xi32, #tpu.memory_space<vmem>>, vector<16xi32>,
        %add3A_573 = arith.constant 16 : i32
        %add3A_574 = arith.addi %mul3A_552, %add3A_573 : i32
        %get3A_575 = arith.index_cast %add3A_574 : i32 to index
        %get3A_576 = tpu.vector_load %arg8[%get3A_575] {strides = array<i32>} : memref<5312xi32, #tpu.memory_space<vmem>>, vector<16xi32>,
        %add3A_577 = arith.constant 32 : i32
        %add3A_578 = arith.addi %mul3A_552, %add3A_577 : i32
        %get3A_579 = arith.index_cast %add3A_578 : i32 to index
        %get3A_580 = tpu.vector_load %arg8[%get3A_579] {strides = array<i32>} : memref<5312xi32, #tpu.memory_space<vmem>>, vector<16xi32>,
        %add3A_581 = arith.constant 48 : i32
        %add3A_582 = arith.addi %mul3A_552, %add3A_581 : i32
        %get3A_583 = arith.index_cast %add3A_582 : i32 to index
        %get3A_584 = tpu.vector_load %arg8[%get3A_583] {strides = array<i32>} : memref<5312xi32, #tpu.memory_space<vmem>>, vector<16xi32>,
        %ge3A_585 = arith.cmpf oge, %get3A_556, %broadcast_in_dim3A_226 : vector<16xf32>
        %ge3A_586 = arith.cmpf oge, %get3A_560, %broadcast_in_dim3A_226 : vector<16xf32>
        %ge3A_587 = arith.cmpf oge, %get3A_564, %broadcast_in_dim3A_226 : vector<16xf32>
        %ge3A_588 = arith.cmpf oge, %get3A_568, %broadcast_in_dim3A_226 : vector<16xf32>
        %convert_element_type3A_589 = arith.extui %ge3A_585 : vector<16xi1> to vector<16xi32>
        %broadcast_in_dim3A_590 = arith.constant true
        %broadcast_in_dim3A_591 = vector.broadcast %broadcast_in_dim3A_590 : i1 to vector<16xi1>
        %masked_cumsum3A = tpu.scan <sum>, %convert_element_type3A_589 masked %broadcast_in_dim3A_591 : vector<16xi32>, vector<16xi1> -> vector<16xi32>
        %convert_element_type3A_592 = arith.extui %ge3A_586 : vector<16xi1> to vector<16xi32>
        %broadcast_in_dim3A_593 = arith.constant true
        %broadcast_in_dim3A_594 = vector.broadcast %broadcast_in_dim3A_593 : i1 to vector<16xi1>
        %masked_cumsum3A_595 = tpu.scan <sum>, %convert_element_type3A_592 masked %broadcast_in_dim3A_594 : vector<16xi32>, vector<16xi1> -> vector<16xi32>
        %convert_element_type3A_596 = arith.extui %ge3A_587 : vector<16xi1> to vector<16xi32>
        %broadcast_in_dim3A_597 = arith.constant true
        %broadcast_in_dim3A_598 = vector.broadcast %broadcast_in_dim3A_597 : i1 to vector<16xi1>
        %masked_cumsum3A_599 = tpu.scan <sum>, %convert_element_type3A_596 masked %broadcast_in_dim3A_598 : vector<16xi32>, vector<16xi1> -> vector<16xi32>
        %convert_element_type3A_600 = arith.extui %ge3A_588 : vector<16xi1> to vector<16xi32>
        %broadcast_in_dim3A_601 = arith.constant true
        %broadcast_in_dim3A_602 = vector.broadcast %broadcast_in_dim3A_601 : i1 to vector<16xi1>
        %masked_cumsum3A_603 = tpu.scan <sum>, %convert_element_type3A_600 masked %broadcast_in_dim3A_602 : vector<16xi32>, vector<16xi1> -> vector<16xi32>
        %all_reduce_population_count3A_604 = tpu.all_reduce %ge3A_585 {dim = 0 : i64, kind = #tpu.reduction_kind<sum>} : vector<16xi1> -> vector<16xi32>
        %all_reduce_population_count3A_605 = tpu.all_reduce %ge3A_586 {dim = 0 : i64, kind = #tpu.reduction_kind<sum>} : vector<16xi1> -> vector<16xi32>
        %all_reduce_population_count3A_606 = tpu.all_reduce %ge3A_587 {dim = 0 : i64, kind = #tpu.reduction_kind<sum>} : vector<16xi1> -> vector<16xi32>
        %all_reduce_population_count3A_607 = tpu.all_reduce %ge3A_588 {dim = 0 : i64, kind = #tpu.reduction_kind<sum>} : vector<16xi1> -> vector<16xi32>
        %add3A_608 = arith.addi %while3A_550, %masked_cumsum3A : vector<16xi32>
        %min3A_609 = arith.constant 5104 : i32
        %min3A_610 = vector.broadcast %min3A_609 : i32 to vector<16xi32>
        %min3A_611 = arith.minsi %add3A_608, %min3A_610 : vector<16xi32>
        tpu.vector_store_idx %arg7[%min3A_611], %get3A_556 masked %ge3A_585 : memref<5312xf32, #tpu.memory_space<vmem>>[vector<16xi32>], vector<16xf32>, vector<16xi1>
        tpu.vector_store_idx %arg8[%min3A_611], %get3A_572 masked %ge3A_585 : memref<5312xi32, #tpu.memory_space<vmem>>[vector<16xi32>], vector<16xi32>, vector<16xi1>
        %add3A_612 = arith.addi %while3A_550, %all_reduce_population_count3A_604 : vector<16xi32>
        %add3A_613 = arith.addi %add3A_612, %masked_cumsum3A_595 : vector<16xi32>
        %min3A_614 = arith.constant 5104 : i32
        %min3A_615 = vector.broadcast %min3A_614 : i32 to vector<16xi32>
        %min3A_616 = arith.minsi %add3A_613, %min3A_615 : vector<16xi32>
        tpu.vector_store_idx %arg7[%min3A_616], %get3A_560 masked %ge3A_586 : memref<5312xf32, #tpu.memory_space<vmem>>[vector<16xi32>], vector<16xf32>, vector<16xi1>
        tpu.vector_store_idx %arg8[%min3A_616], %get3A_576 masked %ge3A_586 : memref<5312xi32, #tpu.memory_space<vmem>>[vector<16xi32>], vector<16xi32>, vector<16xi1>
        %add3A_617 = arith.addi %add3A_612, %all_reduce_population_count3A_605 : vector<16xi32>
        %add3A_618 = arith.addi %add3A_617, %masked_cumsum3A_599 : vector<16xi32>
        %min3A_619 = arith.constant 5104 : i32
        %min3A_620 = vector.broadcast %min3A_619 : i32 to vector<16xi32>
        %min3A_621 = arith.minsi %add3A_618, %min3A_620 : vector<16xi32>
        tpu.vector_store_idx %arg7[%min3A_621], %get3A_564 masked %ge3A_587 : memref<5312xf32, #tpu.memory_space<vmem>>[vector<16xi32>], vector<16xf32>, vector<16xi1>
        tpu.vector_store_idx %arg8[%min3A_621], %get3A_580 masked %ge3A_587 : memref<5312xi32, #tpu.memory_space<vmem>>[vector<16xi32>], vector<16xi32>, vector<16xi1>
        %add3A_622 = arith.addi %add3A_617, %all_reduce_population_count3A_606 : vector<16xi32>
        %add3A_623 = arith.addi %add3A_622, %masked_cumsum3A_603 : vector<16xi32>
        %min3A_624 = arith.constant 5104 : i32
        %min3A_625 = vector.broadcast %min3A_624 : i32 to vector<16xi32>
        %min3A_626 = arith.minsi %add3A_623, %min3A_625 : vector<16xi32>
        tpu.vector_store_idx %arg7[%min3A_626], %get3A_568 masked %ge3A_588 : memref<5312xf32, #tpu.memory_space<vmem>>[vector<16xi32>], vector<16xf32>, vector<16xi1>
        tpu.vector_store_idx %arg8[%min3A_626], %get3A_584 masked %ge3A_588 : memref<5312xi32, #tpu.memory_space<vmem>>[vector<16xi32>], vector<16xi32>, vector<16xi1>
        %add3A_627 = arith.addi %add3A_622, %all_reduce_population_count3A_607 : vector<16xi32>
        scf.yield %add3A_627 : vector<16xi32>
      }
      %reduce_max3A_283 = arith.constant true
      %reduce_max3A_284 = vector.broadcast %reduce_max3A_283 : i1 to vector<16xi1>
      %reduce_max3A_285 = arith.constant -2147483648 : i32
      %reduce_max3A_286 = vector.broadcast %reduce_max3A_285 : i32 to vector<16xi32>
      %reduce_max3A_287 = arith.xori %while3A_282, %reduce_max3A_286 : vector<16xi32>
      %reduce_max3A_288 = tpu.scan <max>, %reduce_max3A_287 masked %reduce_max3A_284 : vector<16xi32>, vector<16xi1> -> vector<16xi32>
      %reduce_max3A_289 = arith.xori %reduce_max3A_288, %reduce_max3A_286 : vector<16xi32>
      %reduce_max3A_290 = vector.extract %reduce_max3A_289[15] : i32 from vector<16xi32>
      %add3A_291 = arith.constant 1 : i32
      %add3A_292 = arith.addi %reduce_max3A_290, %add3A_291 : i32
      %min3A_293 = arith.constant 5104 : i32
      %min3A_294 = arith.minsi %add3A_292, %min3A_293 : i32
      %broadcast_in_dim3A_295 = arith.constant 0xFF800000 : f32
      %broadcast_in_dim3A_296 = vector.broadcast %broadcast_in_dim3A_295 : f32 to vector<16xf32>
      %swap3A_297 = arith.index_cast %min3A_294 : i32 to index
      %swap3A_298 = tpu.vector_load %arg7[%swap3A_297] {strides = array<i32>} : memref<5312xf32, #tpu.memory_space<vmem>>, vector<16xf32>,
      tpu.vector_store %arg7[%swap3A_297], %broadcast_in_dim3A_296 {strides = array<i32>} : memref<5312xf32, #tpu.memory_space<vmem>>, vector<16xf32>,
      %add3A_299 = arith.constant 15 : i32
      %add3A_300 = arith.addi %min3A_294, %add3A_299 : i32
      %jit3A_301 = arith.constant 16 : i32
      %div3A_302 = arith.divsi %add3A_300, %jit3A_301 : i32
      %sign3A_303 = arith.constant 0 : i32
      %sign3A_304 = arith.cmpi sgt, %add3A_300, %sign3A_303 : i32
      %sign3A_305 = arith.extui %sign3A_304 : i1 to i32
      %sign3A_306 = arith.constant 0 : i32
      %sign3A_307 = arith.cmpi slt, %add3A_300, %sign3A_306 : i32
      %sign3A_308 = arith.extui %sign3A_307 : i1 to i32
      %sign3A_309 = arith.subi %sign3A_305, %sign3A_308 : i32
      %sign3A_310 = arith.constant 0 : i32
      %sign3A_311 = arith.cmpi sgt, %jit3A_301, %sign3A_310 : i32
      %sign3A_312 = arith.extui %sign3A_311 : i1 to i32
      %sign3A_313 = arith.constant 0 : i32
      %sign3A_314 = arith.cmpi slt, %jit3A_301, %sign3A_313 : i32
      %sign3A_315 = arith.extui %sign3A_314 : i1 to i32
      %sign3A_316 = arith.subi %sign3A_312, %sign3A_315 : i32
      %ne3A_317 = arith.cmpi ne, %sign3A_309, %sign3A_316 : i32
      %rem3A_318 = arith.remsi %add3A_300, %jit3A_301 : i32
      %ne3A_319 = arith.constant 0 : i32
      %ne3A_320 = arith.cmpi ne, %rem3A_318, %ne3A_319 : i32
      %and3A_321 = arith.andi %ne3A_317, %ne3A_320 : i1
      %sub3A_322 = arith.constant 1 : i32
      %sub3A_323 = arith.subi %div3A_302, %sub3A_322 : i32
      %select_n3A_324 = arith.select %and3A_321, %sub3A_323, %div3A_302 : i32
      %broadcast_in_dim3A_325 = arith.constant 0xFF800000 : f32
      %broadcast_in_dim3A_326 = vector.broadcast %broadcast_in_dim3A_325 : f32 to vector<16xf32>
      %broadcast_in_dim3A_327 = arith.constant 0 : i32
      %broadcast_in_dim3A_328 = vector.broadcast %broadcast_in_dim3A_327 : i32 to vector<16xi32>
      %broadcast_in_dim3A_329 = arith.constant 0xFF800000 : f32
      %broadcast_in_dim3A_330 = vector.broadcast %broadcast_in_dim3A_329 : f32 to vector<16xf32>
      %broadcast_in_dim3A_331 = arith.constant 0 : i32
      %broadcast_in_dim3A_332 = vector.broadcast %broadcast_in_dim3A_331 : i32 to vector<16xi32>
      %while3A_333 = arith.constant 0 : i32
      %while3A_334 = arith.subi %select_n3A_324, %while3A_333 : i32
      %while3A_335 = arith.addi %while3A_333, %while3A_334 : i32
      %while3A_336 = arith.constant 1 : i32
      %while3A_337 = arith.divsi %while3A_334, %while3A_336 : i32
      %while3A_338 = arith.muli %while3A_337, %while3A_336 : i32
      %while3A_339 = arith.addi %while3A_333, %while3A_338 : i32
      %while3A_340 = arith.constant 1 : i32
      %while3A_341:4 = scf.for %while3A_549 = %while3A_333 to %while3A_339 step %while3A_340 iter_args(%while3A_550 = %broadcast_in_dim3A_326, %while3A_551 = %broadcast_in_dim3A_328, %while3A_552 = %broadcast_in_dim3A_330, %while3A_553 = %broadcast_in_dim3A_332) -> (vector<16xf32>, vector<16xi32>, vector<16xf32>, vector<16xi32>)  : i32 {
        %mul3A_554 = arith.constant 16 : i32
        %mul3A_555 = arith.muli %while3A_549, %mul3A_554 : i32
        %get3A_556 = arith.index_cast %mul3A_555 : i32 to index
        %get3A_557 = tpu.vector_load %arg7[%get3A_556] {strides = array<i32>} : memref<5312xf32, #tpu.memory_space<vmem>>, vector<16xf32>,
        %mul3A_558 = arith.constant 16 : i32
        %mul3A_559 = arith.muli %while3A_549, %mul3A_558 : i32
        %get3A_560 = arith.index_cast %mul3A_559 : i32 to index
        %get3A_561 = tpu.vector_load %arg8[%get3A_560] {strides = array<i32>} : memref<5312xi32, #tpu.memory_space<vmem>>, vector<16xi32>,
        %masked_sort3A = arith.constant dense<true> : vector<16xi1>
        %masked_sort3A_562, %masked_sort3A_563, %masked_sort3A_564 = tpu.sort %get3A_557, %get3A_561 masked %masked_sort3A : (vector<16xf32>, vector<16xi32>, vector<16xi1>) -> (vector<16xi1>, vector<16xf32>, vector<16xi32>)
        %ge3A_565 = arith.cmpf oge, %while3A_552, %masked_sort3A_563 : vector<16xf32>
        %select_n3A_566 = arith.select %ge3A_565, %while3A_552, %masked_sort3A_563 : vector<16xi1>, vector<16xf32>
        %select_n3A_567 = arith.select %ge3A_565, %while3A_553, %masked_sort3A_564 : vector<16xi1>, vector<16xi32>
        %select_n3A_568 = arith.select %ge3A_565, %masked_sort3A_563, %while3A_552 : vector<16xi1>, vector<16xf32>
        %select_n3A_569 = arith.select %ge3A_565, %masked_sort3A_564, %while3A_553 : vector<16xi1>, vector<16xi32>
        %masked_sort3A_570 = arith.constant dense<true> : vector<16xi1>
        %masked_sort3A_571, %masked_sort3A_572, %masked_sort3A_573 = tpu.sort %select_n3A_566, %select_n3A_567 masked %masked_sort3A_570 : (vector<16xf32>, vector<16xi32>, vector<16xi1>) -> (vector<16xi1>, vector<16xf32>, vector<16xi32>)
        %ge3A_574 = arith.cmpf oge, %while3A_550, %masked_sort3A_572 : vector<16xf32>
        %select_n3A_575 = arith.select %ge3A_574, %while3A_550, %masked_sort3A_572 : vector<16xi1>, vector<16xf32>
        %select_n3A_576 = arith.select %ge3A_574, %while3A_551, %masked_sort3A_573 : vector<16xi1>, vector<16xi32>
        %select_n3A_577 = arith.select %ge3A_574, %masked_sort3A_572, %while3A_550 : vector<16xi1>, vector<16xf32>
        %select_n3A_578 = arith.select %ge3A_574, %masked_sort3A_573, %while3A_551 : vector<16xi1>, vector<16xi32>
        %masked_sort3A_579 = arith.constant dense<true> : vector<16xi1>
        %masked_sort3A_580, %masked_sort3A_581, %masked_sort3A_582 = tpu.sort %select_n3A_575, %select_n3A_576 masked %masked_sort3A_579 {descending = true} : (vector<16xf32>, vector<16xi32>, vector<16xi1>) -> (vector<16xi1>, vector<16xf32>, vector<16xi32>)
        %masked_sort3A_583 = arith.constant dense<true> : vector<16xi1>
        %masked_sort3A_584, %masked_sort3A_585, %masked_sort3A_586 = tpu.sort %select_n3A_577, %select_n3A_578 masked %masked_sort3A_583 {descending = true} : (vector<16xf32>, vector<16xi32>, vector<16xi1>) -> (vector<16xi1>, vector<16xf32>, vector<16xi32>)
        scf.yield %masked_sort3A_581, %masked_sort3A_582, %masked_sort3A_585, %masked_sort3A_586 : vector<16xf32>, vector<16xi32>, vector<16xf32>, vector<16xi32>
      }
      %while3A_342 = arith.constant 1 : i32
      %while3A_343:4 = scf.for %while3A_549 = %while3A_339 to %while3A_335 step %while3A_342 iter_args(%while3A_550 = %while3A_341#0, %while3A_551 = %while3A_341#1, %while3A_552 = %while3A_341#2, %while3A_553 = %while3A_341#3) -> (vector<16xf32>, vector<16xi32>, vector<16xf32>, vector<16xi32>)  : i32 {
        %mul3A_554 = arith.constant 16 : i32
        %mul3A_555 = arith.muli %while3A_549, %mul3A_554 : i32
        %get3A_556 = arith.index_cast %mul3A_555 : i32 to index
        %get3A_557 = tpu.vector_load %arg7[%get3A_556] {strides = array<i32>} : memref<5312xf32, #tpu.memory_space<vmem>>, vector<16xf32>,
        %mul3A_558 = arith.constant 16 : i32
        %mul3A_559 = arith.muli %while3A_549, %mul3A_558 : i32
        %get3A_560 = arith.index_cast %mul3A_559 : i32 to index
        %get3A_561 = tpu.vector_load %arg8[%get3A_560] {strides = array<i32>} : memref<5312xi32, #tpu.memory_space<vmem>>, vector<16xi32>,
        %masked_sort3A = arith.constant dense<true> : vector<16xi1>
        %masked_sort3A_562, %masked_sort3A_563, %masked_sort3A_564 = tpu.sort %get3A_557, %get3A_561 masked %masked_sort3A : (vector<16xf32>, vector<16xi32>, vector<16xi1>) -> (vector<16xi1>, vector<16xf32>, vector<16xi32>)
        %ge3A_565 = arith.cmpf oge, %while3A_552, %masked_sort3A_563 : vector<16xf32>
        %select_n3A_566 = arith.select %ge3A_565, %while3A_552, %masked_sort3A_563 : vector<16xi1>, vector<16xf32>
        %select_n3A_567 = arith.select %ge3A_565, %while3A_553, %masked_sort3A_564 : vector<16xi1>, vector<16xi32>
        %select_n3A_568 = arith.select %ge3A_565, %masked_sort3A_563, %while3A_552 : vector<16xi1>, vector<16xf32>
        %select_n3A_569 = arith.select %ge3A_565, %masked_sort3A_564, %while3A_553 : vector<16xi1>, vector<16xi32>
        %masked_sort3A_570 = arith.constant dense<true> : vector<16xi1>
        %masked_sort3A_571, %masked_sort3A_572, %masked_sort3A_573 = tpu.sort %select_n3A_566, %select_n3A_567 masked %masked_sort3A_570 : (vector<16xf32>, vector<16xi32>, vector<16xi1>) -> (vector<16xi1>, vector<16xf32>, vector<16xi32>)
        %ge3A_574 = arith.cmpf oge, %while3A_550, %masked_sort3A_572 : vector<16xf32>
        %select_n3A_575 = arith.select %ge3A_574, %while3A_550, %masked_sort3A_572 : vector<16xi1>, vector<16xf32>
        %select_n3A_576 = arith.select %ge3A_574, %while3A_551, %masked_sort3A_573 : vector<16xi1>, vector<16xi32>
        %select_n3A_577 = arith.select %ge3A_574, %masked_sort3A_572, %while3A_550 : vector<16xi1>, vector<16xf32>
        %select_n3A_578 = arith.select %ge3A_574, %masked_sort3A_573, %while3A_551 : vector<16xi1>, vector<16xi32>
        %masked_sort3A_579 = arith.constant dense<true> : vector<16xi1>
        %masked_sort3A_580, %masked_sort3A_581, %masked_sort3A_582 = tpu.sort %select_n3A_575, %select_n3A_576 masked %masked_sort3A_579 {descending = true} : (vector<16xf32>, vector<16xi32>, vector<16xi1>) -> (vector<16xi1>, vector<16xf32>, vector<16xi32>)
        %masked_sort3A_583 = arith.constant dense<true> : vector<16xi1>
        %masked_sort3A_584, %masked_sort3A_585, %masked_sort3A_586 = tpu.sort %select_n3A_577, %select_n3A_578 masked %masked_sort3A_583 {descending = true} : (vector<16xf32>, vector<16xi32>, vector<16xi1>) -> (vector<16xi1>, vector<16xf32>, vector<16xi32>)
        scf.yield %masked_sort3A_581, %masked_sort3A_582, %masked_sort3A_585, %masked_sort3A_586 : vector<16xf32>, vector<16xi32>, vector<16xf32>, vector<16xi32>
      }
      %add3A_344 = arith.constant 15 : i32
      %add3A_345 = arith.addi %min3A_294, %add3A_344 : i32
      %jit3A_346 = arith.constant 16 : i32
      %div3A_347 = arith.divsi %add3A_345, %jit3A_346 : i32
      %sign3A_348 = arith.constant 0 : i32
      %sign3A_349 = arith.cmpi sgt, %add3A_345, %sign3A_348 : i32
      %sign3A_350 = arith.extui %sign3A_349 : i1 to i32
      %sign3A_351 = arith.constant 0 : i32
      %sign3A_352 = arith.cmpi slt, %add3A_345, %sign3A_351 : i32
      %sign3A_353 = arith.extui %sign3A_352 : i1 to i32
      %sign3A_354 = arith.subi %sign3A_350, %sign3A_353 : i32
      %sign3A_355 = arith.constant 0 : i32
      %sign3A_356 = arith.cmpi sgt, %jit3A_346, %sign3A_355 : i32
      %sign3A_357 = arith.extui %sign3A_356 : i1 to i32
      %sign3A_358 = arith.constant 0 : i32
      %sign3A_359 = arith.cmpi slt, %jit3A_346, %sign3A_358 : i32
      %sign3A_360 = arith.extui %sign3A_359 : i1 to i32
      %sign3A_361 = arith.subi %sign3A_357, %sign3A_360 : i32
      %ne3A_362 = arith.cmpi ne, %sign3A_354, %sign3A_361 : i32
      %rem3A_363 = arith.remsi %add3A_345, %jit3A_346 : i32
      %ne3A_364 = arith.constant 0 : i32
      %ne3A_365 = arith.cmpi ne, %rem3A_363, %ne3A_364 : i32
      %and3A_366 = arith.andi %ne3A_362, %ne3A_365 : i1
      %sub3A_367 = arith.constant 1 : i32
      %sub3A_368 = arith.subi %div3A_347, %sub3A_367 : i32
      %select_n3A_369 = arith.select %and3A_366, %sub3A_368, %div3A_347 : i32
      %reduce_min3A_370 = arith.constant true
      %reduce_min3A_371 = vector.broadcast %reduce_min3A_370 : i1 to vector<16xi1>
      %reduce_min3A_372 = tpu.scan <min>, %while3A_343#2 masked %reduce_min3A_371 : vector<16xf32>, vector<16xi1> -> vector<16xf32>
      %reduce_min3A_373 = vector.extract %reduce_min3A_372[15] : f32 from vector<16xf32>
      %broadcast_in_dim3A_374 = vector.broadcast %reduce_min3A_373 : f32 to vector<16xf32>
      %broadcast_in_dim3A_375 = arith.constant 0 : i32
      %broadcast_in_dim3A_376 = vector.broadcast %broadcast_in_dim3A_375 : i32 to vector<16xi32>
      %while3A_377 = arith.constant 0 : i32
      %while3A_378 = arith.subi %select_n3A_369, %while3A_377 : i32
      %while3A_379 = arith.addi %while3A_377, %while3A_378 : i32
      %while3A_380 = arith.constant 1 : i32
      %while3A_381 = arith.divsi %while3A_378, %while3A_380 : i32
      %while3A_382 = arith.muli %while3A_381, %while3A_380 : i32
      %while3A_383 = arith.addi %while3A_377, %while3A_382 : i32
      %while3A_384 = arith.constant 1 : i32
      %while3A_385 = scf.for %while3A_549 = %while3A_377 to %while3A_383 step %while3A_384 iter_args(%while3A_550 = %broadcast_in_dim3A_376) -> (vector<16xi32>)  : i32 {
        %mul3A_551 = arith.constant 16 : i32
        %mul3A_552 = arith.muli %while3A_549, %mul3A_551 : i32
        %get3A_553 = arith.index_cast %mul3A_552 : i32 to index
        %get3A_554 = tpu.vector_load %arg7[%get3A_553] {strides = array<i32>} : memref<5312xf32, #tpu.memory_space<vmem>>, vector<16xf32>,
        %ge3A_555 = arith.cmpf oge, %get3A_554, %broadcast_in_dim3A_374 : vector<16xf32>
        %all_reduce_population_count3A_556 = tpu.all_reduce %ge3A_555 {dim = 0 : i64, kind = #tpu.reduction_kind<sum>} : vector<16xi1> -> vector<16xi32>
        %add3A_557 = arith.addi %while3A_550, %all_reduce_population_count3A_556 : vector<16xi32>
        scf.yield %add3A_557 : vector<16xi32>
      }
      %while3A_386 = arith.constant 1 : i32
      %while3A_387 = scf.for %while3A_549 = %while3A_383 to %while3A_379 step %while3A_386 iter_args(%while3A_550 = %while3A_385) -> (vector<16xi32>)  : i32 {
        %mul3A_551 = arith.constant 16 : i32
        %mul3A_552 = arith.muli %while3A_549, %mul3A_551 : i32
        %get3A_553 = arith.index_cast %mul3A_552 : i32 to index
        %get3A_554 = tpu.vector_load %arg7[%get3A_553] {strides = array<i32>} : memref<5312xf32, #tpu.memory_space<vmem>>, vector<16xf32>,
        %ge3A_555 = arith.cmpf oge, %get3A_554, %broadcast_in_dim3A_374 : vector<16xf32>
        %all_reduce_population_count3A_556 = tpu.all_reduce %ge3A_555 {dim = 0 : i64, kind = #tpu.reduction_kind<sum>} : vector<16xi1> -> vector<16xi32>
        %add3A_557 = arith.addi %while3A_550, %all_reduce_population_count3A_556 : vector<16xi32>
        scf.yield %add3A_557 : vector<16xi32>
      }
      %swap3A_388 = arith.constant 0 : index
      %swap3A_389 = tpu.vector_load %arg9[%swap3A_388] {strides = array<i32>} : memref<32xf32, #tpu.memory_space<vmem>>, vector<16xf32>,
      tpu.vector_store %arg9[%swap3A_388], %while3A_343#0 {strides = array<i32>} : memref<32xf32, #tpu.memory_space<vmem>>, vector<16xf32>,
      %swap3A_390 = arith.constant 16 : index
      %swap3A_391 = tpu.vector_load %arg9[%swap3A_390] {strides = array<i32>} : memref<32xf32, #tpu.memory_space<vmem>>, vector<16xf32>,
      tpu.vector_store %arg9[%swap3A_390], %while3A_343#2 {strides = array<i32>} : memref<32xf32, #tpu.memory_space<vmem>>, vector<16xf32>,
      %gather3A = tpu.vector_load_idx %arg9[%iota3A] : memref<32xf32, #tpu.memory_space<vmem>>[vector<16xi32>], vector<16xf32>,
      %add3A_392 = arith.constant 1 : i32
      %add3A_393 = vector.broadcast %add3A_392 : i32 to vector<16xi32>
      %add3A_394 = arith.addi %iota3A, %add3A_393 : vector<16xi32>
      %gather3A_395 = tpu.vector_load_idx %arg9[%add3A_394] : memref<32xf32, #tpu.memory_space<vmem>>[vector<16xi32>], vector<16xf32>,
      %eq3A_396 = arith.cmpf oeq, %gather3A, %gather3A_395 : vector<16xf32>
      %add3A_397 = arith.constant 16 : i32
      %add3A_398 = vector.broadcast %add3A_397 : i32 to vector<16xi32>
      %add3A_399 = arith.addi %iota3A, %add3A_398 : vector<16xi32>
      %gather3A_400 = tpu.vector_load_idx %arg9[%add3A_399] : memref<32xf32, #tpu.memory_space<vmem>>[vector<16xi32>], vector<16xf32>,
      %add3A_401 = arith.constant 17 : i32
      %add3A_402 = vector.broadcast %add3A_401 : i32 to vector<16xi32>
      %add3A_403 = arith.addi %iota3A, %add3A_402 : vector<16xi32>
      %min3A_404 = arith.constant 31 : i32
      %min3A_405 = vector.broadcast %min3A_404 : i32 to vector<16xi32>
      %min3A_406 = arith.minsi %add3A_403, %min3A_405 : vector<16xi32>
      %gather3A_407 = tpu.vector_load_idx %arg9[%min3A_406] : memref<32xf32, #tpu.memory_space<vmem>>[vector<16xi32>], vector<16xf32>,
      %eq3A_408 = arith.cmpf oeq, %gather3A_400, %gather3A_407 : vector<16xf32>
      %lt3A_409 = arith.constant 15 : i32
      %lt3A_410 = vector.broadcast %lt3A_409 : i32 to vector<16xi32>
      %lt3A_411 = arith.cmpi slt, %iota3A, %lt3A_410 : vector<16xi32>
      %and3A_412 = arith.andi %eq3A_408, %lt3A_411 : vector<16xi1>
      %or3A = arith.ori %eq3A_396, %and3A_412 : vector<16xi1>
      %all_reduce_population_count3A_413 = tpu.all_reduce %or3A {dim = 0 : i64, kind = #tpu.reduction_kind<sum>} : vector<16xi1> -> vector<16xi32>
      %reduce_max3A_414 = arith.constant true
      %reduce_max3A_415 = vector.broadcast %reduce_max3A_414 : i1 to vector<16xi1>
      %reduce_max3A_416 = arith.constant -2147483648 : i32
      %reduce_max3A_417 = vector.broadcast %reduce_max3A_416 : i32 to vector<16xi32>
      %reduce_max3A_418 = arith.xori %while3A_387, %reduce_max3A_417 : vector<16xi32>
      %reduce_max3A_419 = tpu.scan <max>, %reduce_max3A_418 masked %reduce_max3A_415 : vector<16xi32>, vector<16xi1> -> vector<16xi32>
      %reduce_max3A_420 = arith.xori %reduce_max3A_419, %reduce_max3A_417 : vector<16xi32>
      %reduce_max3A_421 = vector.extract %reduce_max3A_420[15] : i32 from vector<16xi32>
      %ne3A_422 = arith.constant 32 : i32
      %ne3A_423 = arith.cmpi ne, %reduce_max3A_421, %ne3A_422 : i32
      %reduce_max3A_424 = arith.constant true
      %reduce_max3A_425 = vector.broadcast %reduce_max3A_424 : i1 to vector<16xi1>
      %reduce_max3A_426 = arith.constant -2147483648 : i32
      %reduce_max3A_427 = vector.broadcast %reduce_max3A_426 : i32 to vector<16xi32>
      %reduce_max3A_428 = arith.xori %all_reduce_population_count3A_413, %reduce_max3A_427 : vector<16xi32>
      %reduce_max3A_429 = tpu.scan <max>, %reduce_max3A_428 masked %reduce_max3A_425 : vector<16xi32>, vector<16xi1> -> vector<16xi32>
      %reduce_max3A_430 = arith.xori %reduce_max3A_429, %reduce_max3A_427 : vector<16xi32>
      %reduce_max3A_431 = vector.extract %reduce_max3A_430[15] : i32 from vector<16xi32>
      %gt3A_432 = arith.constant 0 : i32
      %gt3A_433 = arith.cmpi sgt, %reduce_max3A_431, %gt3A_432 : i32
      %or3A_434 = arith.ori %ne3A_423, %gt3A_433 : i1
      %convert_element_type3A_435 = arith.extui %or3A_434 : i1 to i32
      %cond3A_436 = arith.constant 0 : i32
      %cond3A_437 = arith.cmpi ne, %convert_element_type3A_435, %cond3A_436 : i32
      %cond3A_438:4 = scf.if %cond3A_437 -> (vector<16xf32>, vector<16xi32>, vector<16xf32>, vector<16xi32>) {
        %add3A_549 = arith.constant 15 : i32
        %add3A_550 = arith.addi %min3A_294, %add3A_549 : i32
        %jit3A_551 = arith.constant 16 : i32
        %div3A_552 = arith.divsi %add3A_550, %jit3A_551 : i32
        %sign3A_553 = arith.constant 0 : i32
        %sign3A_554 = arith.cmpi sgt, %add3A_550, %sign3A_553 : i32
        %sign3A_555 = arith.extui %sign3A_554 : i1 to i32
        %sign3A_556 = arith.constant 0 : i32
        %sign3A_557 = arith.cmpi slt, %add3A_550, %sign3A_556 : i32
        %sign3A_558 = arith.extui %sign3A_557 : i1 to i32
        %sign3A_559 = arith.subi %sign3A_555, %sign3A_558 : i32
        %sign3A_560 = arith.constant 0 : i32
        %sign3A_561 = arith.cmpi sgt, %jit3A_551, %sign3A_560 : i32
        %sign3A_562 = arith.extui %sign3A_561 : i1 to i32
        %sign3A_563 = arith.constant 0 : i32
        %sign3A_564 = arith.cmpi slt, %jit3A_551, %sign3A_563 : i32
        %sign3A_565 = arith.extui %sign3A_564 : i1 to i32
        %sign3A_566 = arith.subi %sign3A_562, %sign3A_565 : i32
        %ne3A_567 = arith.cmpi ne, %sign3A_559, %sign3A_566 : i32
        %rem3A_568 = arith.remsi %add3A_550, %jit3A_551 : i32
        %ne3A_569 = arith.constant 0 : i32
        %ne3A_570 = arith.cmpi ne, %rem3A_568, %ne3A_569 : i32
        %and3A_571 = arith.andi %ne3A_567, %ne3A_570 : i1
        %sub3A_572 = arith.constant 1 : i32
        %sub3A_573 = arith.subi %div3A_552, %sub3A_572 : i32
        %select_n3A_574 = arith.select %and3A_571, %sub3A_573, %div3A_552 : i32
        %iota3A_575 = tpu.iota {dimensions = array<i32: 0>} : vector<16xi32>
        %broadcast_in_dim3A_576 = arith.constant 0xFF800000 : f32
        %broadcast_in_dim3A_577 = vector.broadcast %broadcast_in_dim3A_576 : f32 to vector<16xf32>
        %broadcast_in_dim3A_578 = arith.constant 2147483647 : i32
        %broadcast_in_dim3A_579 = vector.broadcast %broadcast_in_dim3A_578 : i32 to vector<16xi32>
        %broadcast_in_dim3A_580 = arith.constant 0 : i32
        %broadcast_in_dim3A_581 = vector.broadcast %broadcast_in_dim3A_580 : i32 to vector<16xi32>
        %broadcast_in_dim3A_582 = arith.constant 0 : i32
        %broadcast_in_dim3A_583 = vector.broadcast %broadcast_in_dim3A_582 : i32 to vector<16xi32>
        %scan3A_584 = arith.constant 0 : i32
        %scan3A_585 = arith.constant 32 : i32
        %scan3A_586 = arith.addi %scan3A_584, %scan3A_585 : i32
        %scan3A_587 = arith.constant 1 : i32
        %scan3A_588:4 = scf.for %scan3A_590 = %scan3A_584 to %scan3A_586 step %scan3A_587 iter_args(%scan3A_591 = %broadcast_in_dim3A_577, %scan3A_592 = %broadcast_in_dim3A_581, %scan3A_593 = %broadcast_in_dim3A_577, %scan3A_594 = %broadcast_in_dim3A_583) -> (vector<16xf32>, vector<16xi32>, vector<16xf32>, vector<16xi32>)  : i32 {
          %while3A_595 = arith.constant 0 : i32
          %while3A_596 = arith.subi %select_n3A_574, %while3A_595 : i32
          %while3A_597 = arith.addi %while3A_595, %while3A_596 : i32
          %while3A_598 = arith.constant 1 : i32
          %while3A_599 = arith.divsi %while3A_596, %while3A_598 : i32
          %while3A_600 = arith.muli %while3A_599, %while3A_598 : i32
          %while3A_601 = arith.addi %while3A_595, %while3A_600 : i32
          %while3A_602 = arith.constant 1 : i32
          %while3A_603:2 = scf.for %while3A_656 = %while3A_595 to %while3A_601 step %while3A_602 iter_args(%while3A_657 = %broadcast_in_dim3A_577, %while3A_658 = %broadcast_in_dim3A_579) -> (vector<16xf32>, vector<16xi32>)  : i32 {
            %mul3A_659 = arith.constant 16 : i32
            %mul3A_660 = arith.muli %while3A_656, %mul3A_659 : i32
            %get3A_661 = arith.index_cast %mul3A_660 : i32 to index
            %get3A_662 = tpu.vector_load %arg7[%get3A_661] {strides = array<i32>} : memref<5312xf32, #tpu.memory_space<vmem>>, vector<16xf32>,
            %mul3A_663 = arith.constant 16 : i32
            %mul3A_664 = arith.muli %while3A_656, %mul3A_663 : i32
            %get3A_665 = arith.index_cast %mul3A_664 : i32 to index
            %get3A_666 = tpu.vector_load %arg8[%get3A_665] {strides = array<i32>} : memref<5312xi32, #tpu.memory_space<vmem>>, vector<16xi32>,
            %gt3A_667 = arith.cmpf ogt, %get3A_662, %while3A_657 : vector<16xf32>
            %eq3A_668 = arith.cmpf oeq, %get3A_662, %while3A_657 : vector<16xf32>
            %lt3A_669 = arith.cmpi slt, %get3A_666, %while3A_658 : vector<16xi32>
            %and3A_670 = arith.andi %eq3A_668, %lt3A_669 : vector<16xi1>
            %or3A_671 = arith.ori %gt3A_667, %and3A_670 : vector<16xi1>
            %select_n3A_672 = arith.select %or3A_671, %get3A_662, %while3A_657 : vector<16xi1>, vector<16xf32>
            %select_n3A_673 = arith.select %or3A_671, %get3A_666, %while3A_658 : vector<16xi1>, vector<16xi32>
            scf.yield %select_n3A_672, %select_n3A_673 : vector<16xf32>, vector<16xi32>
          }
          %while3A_604 = arith.constant 1 : i32
          %while3A_605:2 = scf.for %while3A_656 = %while3A_601 to %while3A_597 step %while3A_604 iter_args(%while3A_657 = %while3A_603#0, %while3A_658 = %while3A_603#1) -> (vector<16xf32>, vector<16xi32>)  : i32 {
            %mul3A_659 = arith.constant 16 : i32
            %mul3A_660 = arith.muli %while3A_656, %mul3A_659 : i32
            %get3A_661 = arith.index_cast %mul3A_660 : i32 to index
            %get3A_662 = tpu.vector_load %arg7[%get3A_661] {strides = array<i32>} : memref<5312xf32, #tpu.memory_space<vmem>>, vector<16xf32>,
            %mul3A_663 = arith.constant 16 : i32
            %mul3A_664 = arith.muli %while3A_656, %mul3A_663 : i32
            %get3A_665 = arith.index_cast %mul3A_664 : i32 to index
            %get3A_666 = tpu.vector_load %arg8[%get3A_665] {strides = array<i32>} : memref<5312xi32, #tpu.memory_space<vmem>>, vector<16xi32>,
            %gt3A_667 = arith.cmpf ogt, %get3A_662, %while3A_657 : vector<16xf32>
            %eq3A_668 = arith.cmpf oeq, %get3A_662, %while3A_657 : vector<16xf32>
            %lt3A_669 = arith.cmpi slt, %get3A_666, %while3A_658 : vector<16xi32>
            %and3A_670 = arith.andi %eq3A_668, %lt3A_669 : vector<16xi1>
            %or3A_671 = arith.ori %gt3A_667, %and3A_670 : vector<16xi1>
            %select_n3A_672 = arith.select %or3A_671, %get3A_662, %while3A_657 : vector<16xi1>, vector<16xf32>
            %select_n3A_673 = arith.select %or3A_671, %get3A_666, %while3A_658 : vector<16xi1>, vector<16xi32>
            scf.yield %select_n3A_672, %select_n3A_673 : vector<16xf32>, vector<16xi32>
          }
          %reduce_max3A_606 = arith.constant true
          %reduce_max3A_607 = vector.broadcast %reduce_max3A_606 : i1 to vector<16xi1>
          %reduce_max3A_608 = tpu.scan <max>, %while3A_605#0 masked %reduce_max3A_607 : vector<16xf32>, vector<16xi1> -> vector<16xf32>
          %reduce_max3A_609 = vector.extract %reduce_max3A_608[15] : f32 from vector<16xf32>
          %broadcast_in_dim3A_610 = vector.broadcast %reduce_max3A_609 : f32 to vector<16xf32>
          %eq3A_611 = arith.cmpf oeq, %while3A_605#0, %broadcast_in_dim3A_610 : vector<16xf32>
          %select_n3A_612 = arith.select %eq3A_611, %while3A_605#1, %broadcast_in_dim3A_579 : vector<16xi1>, vector<16xi32>
          %reduce_min3A_613 = arith.constant true
          %reduce_min3A_614 = vector.broadcast %reduce_min3A_613 : i1 to vector<16xi1>
          %reduce_min3A_615 = arith.constant -2147483648 : i32
          %reduce_min3A_616 = vector.broadcast %reduce_min3A_615 : i32 to vector<16xi32>
          %reduce_min3A_617 = arith.xori %select_n3A_612, %reduce_min3A_616 : vector<16xi32>
          %reduce_min3A_618 = tpu.scan <min>, %reduce_min3A_617 masked %reduce_min3A_614 : vector<16xi32>, vector<16xi1> -> vector<16xi32>
          %reduce_min3A_619 = arith.xori %reduce_min3A_618, %reduce_min3A_616 : vector<16xi32>
          %reduce_min3A_620 = vector.extract %reduce_min3A_619[15] : i32 from vector<16xi32>
          %broadcast_in_dim3A_621 = vector.broadcast %reduce_min3A_620 : i32 to vector<16xi32>
          %while3A_622 = arith.constant 0 : i32
          %while3A_623 = arith.constant 0 : i32
          %while3A_624 = arith.subi %select_n3A_574, %while3A_623 : i32
          %while3A_625 = arith.addi %while3A_623, %while3A_624 : i32
          %while3A_626 = arith.constant 1 : i32
          %while3A_627 = arith.divsi %while3A_624, %while3A_626 : i32
          %while3A_628 = arith.muli %while3A_627, %while3A_626 : i32
          %while3A_629 = arith.addi %while3A_623, %while3A_628 : i32
          %while3A_630 = arith.constant 1 : i32
          scf.for %while3A_656 = %while3A_623 to %while3A_629 step %while3A_630  : i32 {
            %mul3A_657 = arith.constant 16 : i32
            %mul3A_658 = arith.muli %while3A_656, %mul3A_657 : i32
            %get3A_659 = arith.index_cast %mul3A_658 : i32 to index
            %get3A_660 = tpu.vector_load %arg7[%get3A_659] {strides = array<i32>} : memref<5312xf32, #tpu.memory_space<vmem>>, vector<16xf32>,
            %mul3A_661 = arith.constant 16 : i32
            %mul3A_662 = arith.muli %while3A_656, %mul3A_661 : i32
            %get3A_663 = arith.index_cast %mul3A_662 : i32 to index
            %get3A_664 = tpu.vector_load %arg8[%get3A_663] {strides = array<i32>} : memref<5312xi32, #tpu.memory_space<vmem>>, vector<16xi32>,
            %eq3A_665 = arith.cmpf oeq, %get3A_660, %broadcast_in_dim3A_610 : vector<16xf32>
            %eq3A_666 = arith.cmpi eq, %get3A_664, %broadcast_in_dim3A_621 : vector<16xi32>
            %and3A_667 = arith.andi %eq3A_665, %eq3A_666 : vector<16xi1>
            %select_n3A_668 = arith.select %and3A_667, %broadcast_in_dim3A_577, %get3A_660 : vector<16xi1>, vector<16xf32>
            %mul3A_669 = arith.constant 16 : i32
            %mul3A_670 = arith.muli %while3A_656, %mul3A_669 : i32
            %swap3A_671 = arith.index_cast %mul3A_670 : i32 to index
            %swap3A_672 = tpu.vector_load %arg7[%swap3A_671] {strides = array<i32>} : memref<5312xf32, #tpu.memory_space<vmem>>, vector<16xf32>,
            tpu.vector_store %arg7[%swap3A_671], %select_n3A_668 {strides = array<i32>} : memref<5312xf32, #tpu.memory_space<vmem>>, vector<16xf32>,
          }
          %while3A_631 = arith.constant 1 : i32
          scf.for %while3A_656 = %while3A_629 to %while3A_625 step %while3A_631  : i32 {
            %mul3A_657 = arith.constant 16 : i32
            %mul3A_658 = arith.muli %while3A_656, %mul3A_657 : i32
            %get3A_659 = arith.index_cast %mul3A_658 : i32 to index
            %get3A_660 = tpu.vector_load %arg7[%get3A_659] {strides = array<i32>} : memref<5312xf32, #tpu.memory_space<vmem>>, vector<16xf32>,
            %mul3A_661 = arith.constant 16 : i32
            %mul3A_662 = arith.muli %while3A_656, %mul3A_661 : i32
            %get3A_663 = arith.index_cast %mul3A_662 : i32 to index
            %get3A_664 = tpu.vector_load %arg8[%get3A_663] {strides = array<i32>} : memref<5312xi32, #tpu.memory_space<vmem>>, vector<16xi32>,
            %eq3A_665 = arith.cmpf oeq, %get3A_660, %broadcast_in_dim3A_610 : vector<16xf32>
            %eq3A_666 = arith.cmpi eq, %get3A_664, %broadcast_in_dim3A_621 : vector<16xi32>
            %and3A_667 = arith.andi %eq3A_665, %eq3A_666 : vector<16xi1>
            %select_n3A_668 = arith.select %and3A_667, %broadcast_in_dim3A_577, %get3A_660 : vector<16xi1>, vector<16xf32>
            %mul3A_669 = arith.constant 16 : i32
            %mul3A_670 = arith.muli %while3A_656, %mul3A_669 : i32
            %swap3A_671 = arith.index_cast %mul3A_670 : i32 to index
            %swap3A_672 = tpu.vector_load %arg7[%swap3A_671] {strides = array<i32>} : memref<5312xf32, #tpu.memory_space<vmem>>, vector<16xf32>,
            tpu.vector_store %arg7[%swap3A_671], %select_n3A_668 {strides = array<i32>} : memref<5312xf32, #tpu.memory_space<vmem>>, vector<16xf32>,
          }
          %jit3A_632 = arith.constant 16 : i32
          %eq3A_633 = arith.constant 0 : i32
          %eq3A_634 = arith.cmpi eq, %jit3A_632, %eq3A_633 : i32
          %jit3A_635 = arith.constant 1 : i32
          %select_n3A_636 = arith.select %eq3A_634, %jit3A_635, %jit3A_632 : i32
          %rem3A_637 = arith.remsi %scan3A_590, %select_n3A_636 : i32
          %ne3A_638 = arith.constant 0 : i32
          %ne3A_639 = arith.cmpi ne, %rem3A_637, %ne3A_638 : i32
          %lt3A_640 = arith.constant 0 : i32
          %lt3A_641 = arith.cmpi slt, %rem3A_637, %lt3A_640 : i32
          %lt3A_642 = arith.constant 0 : i32
          %lt3A_643 = arith.cmpi slt, %select_n3A_636, %lt3A_642 : i32
          %ne3A_644 = arith.xori %lt3A_641, %lt3A_643 : i1
          %and3A_645 = arith.andi %ne3A_644, %ne3A_639 : i1
          %add3A_646 = arith.addi %rem3A_637, %select_n3A_636 : i32
          %select_n3A_647 = arith.select %and3A_645, %add3A_646, %rem3A_637 : i32
          %eq3A_648 = vector.broadcast %select_n3A_647 : i32 to vector<16xi32>
          %eq3A_649 = arith.cmpi eq, %iota3A_575, %eq3A_648 : vector<16xi32>
          %lt3A_650 = arith.constant 16 : i32
          %lt3A_651 = arith.cmpi slt, %scan3A_590, %lt3A_650 : i32
          %convert_element_type3A_652 = arith.extui %lt3A_651 : i1 to i32
          %cond3A_653 = arith.constant 0 : i32
          %cond3A_654 = arith.cmpi ne, %convert_element_type3A_652, %cond3A_653 : i32
          %cond3A_655:4 = scf.if %cond3A_654 -> (vector<16xf32>, vector<16xi32>, vector<16xf32>, vector<16xi32>) {
            %select_n3A_656 = arith.select %eq3A_649, %broadcast_in_dim3A_610, %scan3A_591 : vector<16xi1>, vector<16xf32>
            %select_n3A_657 = arith.select %eq3A_649, %broadcast_in_dim3A_621, %scan3A_592 : vector<16xi1>, vector<16xi32>
            scf.yield %select_n3A_656, %select_n3A_657, %scan3A_593, %scan3A_594 : vector<16xf32>, vector<16xi32>, vector<16xf32>, vector<16xi32>
          } else {
            %select_n3A_656 = arith.select %eq3A_649, %broadcast_in_dim3A_610, %scan3A_593 : vector<16xi1>, vector<16xf32>
            %select_n3A_657 = arith.select %eq3A_649, %broadcast_in_dim3A_621, %scan3A_594 : vector<16xi1>, vector<16xi32>
            scf.yield %scan3A_591, %scan3A_592, %select_n3A_656, %select_n3A_657 : vector<16xf32>, vector<16xi32>, vector<16xf32>, vector<16xi32>
          }
          scf.yield %cond3A_655#0, %cond3A_655#1, %cond3A_655#2, %cond3A_655#3 : vector<16xf32>, vector<16xi32>, vector<16xf32>, vector<16xi32>
        }
        %scan3A_589 = arith.constant 32 : i32
        scf.yield %scan3A_588#0, %scan3A_588#1, %scan3A_588#2, %scan3A_588#3 : vector<16xf32>, vector<16xi32>, vector<16xf32>, vector<16xi32>
      } else {
        scf.yield %while3A_343#0, %while3A_343#1, %while3A_343#2, %while3A_343#3 : vector<16xf32>, vector<16xi32>, vector<16xf32>, vector<16xi32>
      }
      %swap3A_439 = arith.constant 0 : index
      %swap3A_440 = tpu.vector_load %arg9[%swap3A_439] {strides = array<i32>} : memref<32xf32, #tpu.memory_space<vmem>>, vector<16xf32>,
      tpu.vector_store %arg9[%swap3A_439], %cond3A_438#0 {strides = array<i32>} : memref<32xf32, #tpu.memory_space<vmem>>, vector<16xf32>,
      %swap3A_441 = arith.constant 16 : index
      %swap3A_442 = tpu.vector_load %arg9[%swap3A_441] {strides = array<i32>} : memref<32xf32, #tpu.memory_space<vmem>>, vector<16xf32>,
      tpu.vector_store %arg9[%swap3A_441], %cond3A_438#2 {strides = array<i32>} : memref<32xf32, #tpu.memory_space<vmem>>, vector<16xf32>,
      %swap3A_443 = arith.constant 0 : index
      %swap3A_444 = tpu.vector_load %arg10[%swap3A_443] {strides = array<i32>} : memref<32xi32, #tpu.memory_space<vmem>>, vector<16xi32>,
      tpu.vector_store %arg10[%swap3A_443], %cond3A_438#1 {strides = array<i32>} : memref<32xi32, #tpu.memory_space<vmem>>, vector<16xi32>,
      %swap3A_445 = arith.constant 16 : index
      %swap3A_446 = tpu.vector_load %arg10[%swap3A_445] {strides = array<i32>} : memref<32xi32, #tpu.memory_space<vmem>>, vector<16xi32>,
      tpu.vector_store %arg10[%swap3A_445], %cond3A_438#3 {strides = array<i32>} : memref<32xi32, #tpu.memory_space<vmem>>, vector<16xi32>,
      %jit3A_447 = arith.constant 8 : i32
      %eq3A_448 = arith.constant 0 : i32
      %eq3A_449 = arith.cmpi eq, %jit3A_447, %eq3A_448 : i32
      %jit3A_450 = arith.constant 1 : i32
      %select_n3A_451 = arith.select %eq3A_449, %jit3A_450, %jit3A_447 : i32
      %rem3A_452 = arith.remsi %while3A_130, %select_n3A_451 : i32
      %ne3A_453 = arith.constant 0 : i32
      %ne3A_454 = arith.cmpi ne, %rem3A_452, %ne3A_453 : i32
      %lt3A_455 = arith.constant 0 : i32
      %lt3A_456 = arith.cmpi slt, %rem3A_452, %lt3A_455 : i32
      %lt3A_457 = arith.constant 0 : i32
      %lt3A_458 = arith.cmpi slt, %select_n3A_451, %lt3A_457 : i32
      %ne3A_459 = arith.xori %lt3A_456, %lt3A_458 : i1
      %and3A_460 = arith.andi %ne3A_459, %ne3A_454 : i1
      %add3A_461 = arith.addi %rem3A_452, %select_n3A_451 : i32
      %select_n3A_462 = arith.select %and3A_460, %add3A_461, %rem3A_452 : i32
      %mul3A_463 = arith.constant 17 : i32
      %mul3A_464 = arith.muli %select_n3A_462, %mul3A_463 : i32
      %gather3A_465 = tpu.vector_load_idx %arg9[%max3A_14] : memref<32xf32, #tpu.memory_space<vmem>>[vector<16xi32>], vector<16xf32>,
      %swap3A_466 = arith.index_cast %mul3A_464 : i32 to index
      %swap3A_467 = tpu.vector_load %arg13[%swap3A_466] {strides = array<i32>} : memref<136xf32, #tpu.memory_space<vmem>>, vector<16xf32>,
      tpu.vector_store %arg13[%swap3A_466], %gather3A_465 {strides = array<i32>} : memref<136xf32, #tpu.memory_space<vmem>>, vector<16xf32>,
      %gather3A_468 = tpu.vector_load_idx %arg10[%max3A_14] : memref<32xi32, #tpu.memory_space<vmem>>[vector<16xi32>], vector<16xi32>,
      %swap3A_469 = arith.index_cast %mul3A_464 : i32 to index
      %swap3A_470 = tpu.vector_load %arg12[%swap3A_469] {strides = array<i32>} : memref<136xi32, #tpu.memory_space<vmem>>, vector<16xi32>,
      tpu.vector_store %arg12[%swap3A_469], %gather3A_468 {strides = array<i32>} : memref<136xi32, #tpu.memory_space<vmem>>, vector<16xi32>,
      %broadcast_in_dim3A_471 = arith.constant 31 : i32
      %broadcast_in_dim3A_472 = vector.broadcast %broadcast_in_dim3A_471 : i32 to vector<16xi32>
      %add3A_473 = arith.constant 16 : i32
      %add3A_474 = arith.addi %mul3A_464, %add3A_473 : i32
      %broadcast_in_dim3A_475 = vector.broadcast %add3A_474 : i32 to vector<16xi32>
      %gather3A_476 = tpu.vector_load_idx %arg9[%broadcast_in_dim3A_472] : memref<32xf32, #tpu.memory_space<vmem>>[vector<16xi32>], vector<16xf32>,
      tpu.vector_store_idx %arg13[%broadcast_in_dim3A_475], %gather3A_476 masked %eq3A_6 : memref<136xf32, #tpu.memory_space<vmem>>[vector<16xi32>], vector<16xf32>, vector<16xi1>
      %gather3A_477 = tpu.vector_load_idx %arg10[%broadcast_in_dim3A_472] : memref<32xi32, #tpu.memory_space<vmem>>[vector<16xi32>], vector<16xi32>,
      tpu.vector_store_idx %arg12[%broadcast_in_dim3A_475], %gather3A_477 masked %eq3A_6 : memref<136xi32, #tpu.memory_space<vmem>>[vector<16xi32>], vector<16xi32>, vector<16xi1>
      %jit3A_478 = arith.constant 8 : i32
      %div3A_479 = arith.divsi %while3A_130, %jit3A_478 : i32
      %sign3A_480 = arith.constant 0 : i32
      %sign3A_481 = arith.cmpi sgt, %while3A_130, %sign3A_480 : i32
      %sign3A_482 = arith.extui %sign3A_481 : i1 to i32
      %sign3A_483 = arith.constant 0 : i32
      %sign3A_484 = arith.cmpi slt, %while3A_130, %sign3A_483 : i32
      %sign3A_485 = arith.extui %sign3A_484 : i1 to i32
      %sign3A_486 = arith.subi %sign3A_482, %sign3A_485 : i32
      %sign3A_487 = arith.constant 0 : i32
      %sign3A_488 = arith.cmpi sgt, %jit3A_478, %sign3A_487 : i32
      %sign3A_489 = arith.extui %sign3A_488 : i1 to i32
      %sign3A_490 = arith.constant 0 : i32
      %sign3A_491 = arith.cmpi slt, %jit3A_478, %sign3A_490 : i32
      %sign3A_492 = arith.extui %sign3A_491 : i1 to i32
      %sign3A_493 = arith.subi %sign3A_489, %sign3A_492 : i32
      %ne3A_494 = arith.cmpi ne, %sign3A_486, %sign3A_493 : i32
      %rem3A_495 = arith.remsi %while3A_130, %jit3A_478 : i32
      %ne3A_496 = arith.constant 0 : i32
      %ne3A_497 = arith.cmpi ne, %rem3A_495, %ne3A_496 : i32
      %and3A_498 = arith.andi %ne3A_494, %ne3A_497 : i1
      %sub3A_499 = arith.constant 1 : i32
      %sub3A_500 = arith.subi %div3A_479, %sub3A_499 : i32
      %select_n3A_501 = arith.select %and3A_498, %sub3A_500, %div3A_479 : i32
      %mul3A_502 = arith.constant 32 : i32
      %mul3A_503 = arith.muli %mul3A_502, %select_n3A_501 : i32
      %add3A_504 = arith.addi %add3A, %mul3A_503 : i32
      %mul3A_505 = arith.constant 8 : i32
      %mul3A_506 = arith.muli %mul3A_505, %add3A_504 : i32
      %jit3A_507 = arith.constant 8 : i32
      %eq3A_508 = arith.constant 0 : i32
      %eq3A_509 = arith.cmpi eq, %jit3A_507, %eq3A_508 : i32
      %jit3A_510 = arith.constant 1 : i32
      %select_n3A_511 = arith.select %eq3A_509, %jit3A_510, %jit3A_507 : i32
      %rem3A_512 = arith.remsi %while3A_130, %select_n3A_511 : i32
      %ne3A_513 = arith.constant 0 : i32
      %ne3A_514 = arith.cmpi ne, %rem3A_512, %ne3A_513 : i32
      %lt3A_515 = arith.constant 0 : i32
      %lt3A_516 = arith.cmpi slt, %rem3A_512, %lt3A_515 : i32
      %lt3A_517 = arith.constant 0 : i32
      %lt3A_518 = arith.cmpi slt, %select_n3A_511, %lt3A_517 : i32
      %ne3A_519 = arith.xori %lt3A_516, %lt3A_518 : i1
      %and3A_520 = arith.andi %ne3A_519, %ne3A_514 : i1
      %add3A_521 = arith.addi %rem3A_512, %select_n3A_511 : i32
      %select_n3A_522 = arith.select %and3A_520, %add3A_521, %rem3A_512 : i32
      %add3A_523 = arith.addi %mul3A_506, %select_n3A_522 : i32
      %broadcast_in_dim3A_524 = vector.broadcast %add3A_523 : i32 to vector<16xi32>
      %swap3A_525 = arith.index_cast %mul3A_464 : i32 to index
      %swap3A_526 = tpu.vector_load %arg11[%swap3A_525] {strides = array<i32>} : memref<136xi32, #tpu.memory_space<vmem>>, vector<16xi32>,
      tpu.vector_store %arg11[%swap3A_525], %broadcast_in_dim3A_524 {strides = array<i32>} : memref<136xi32, #tpu.memory_space<vmem>>, vector<16xi32>,
      %broadcast_in_dim3A_527 = vector.broadcast %add3A_523 : i32 to vector<16xi32>
      tpu.vector_store_idx %arg11[%broadcast_in_dim3A_475], %broadcast_in_dim3A_527 masked %eq3A_6 : memref<136xi32, #tpu.memory_space<vmem>>[vector<16xi32>], vector<16xi32>, vector<16xi1>
      %jit3A_528 = arith.constant 8 : i32
      %eq3A_529 = arith.constant 0 : i32
      %eq3A_530 = arith.cmpi eq, %jit3A_528, %eq3A_529 : i32
      %jit3A_531 = arith.constant 1 : i32
      %select_n3A_532 = arith.select %eq3A_530, %jit3A_531, %jit3A_528 : i32
      %rem3A_533 = arith.remsi %while3A_130, %select_n3A_532 : i32
      %ne3A_534 = arith.constant 0 : i32
      %ne3A_535 = arith.cmpi ne, %rem3A_533, %ne3A_534 : i32
      %lt3A_536 = arith.constant 0 : i32
      %lt3A_537 = arith.cmpi slt, %rem3A_533, %lt3A_536 : i32
      %lt3A_538 = arith.constant 0 : i32
      %lt3A_539 = arith.cmpi slt, %select_n3A_532, %lt3A_538 : i32
      %ne3A_540 = arith.xori %lt3A_537, %lt3A_539 : i1
      %and3A_541 = arith.andi %ne3A_540, %ne3A_535 : i1
      %add3A_542 = arith.addi %rem3A_533, %select_n3A_532 : i32
      %select_n3A_543 = arith.select %and3A_541, %add3A_542, %rem3A_533 : i32
      %eq3A_544 = arith.constant 7 : i32
      %eq3A_545 = arith.cmpi eq, %select_n3A_543, %eq3A_544 : i32
      %convert_element_type3A_546 = arith.extui %eq3A_545 : i1 to i32
      %cond3A_547 = arith.constant 0 : i32
      %cond3A_548 = arith.cmpi ne, %convert_element_type3A_546, %cond3A_547 : i32
      scf.if %cond3A_548 {
        %jit3A_549 = arith.constant 8 : i32
        %div3A_550 = arith.divsi %while3A_130, %jit3A_549 : i32
        %sign3A_551 = arith.constant 0 : i32
        %sign3A_552 = arith.cmpi sgt, %while3A_130, %sign3A_551 : i32
        %sign3A_553 = arith.extui %sign3A_552 : i1 to i32
        %sign3A_554 = arith.constant 0 : i32
        %sign3A_555 = arith.cmpi slt, %while3A_130, %sign3A_554 : i32
        %sign3A_556 = arith.extui %sign3A_555 : i1 to i32
        %sign3A_557 = arith.subi %sign3A_553, %sign3A_556 : i32
        %sign3A_558 = arith.constant 0 : i32
        %sign3A_559 = arith.cmpi sgt, %jit3A_549, %sign3A_558 : i32
        %sign3A_560 = arith.extui %sign3A_559 : i1 to i32
        %sign3A_561 = arith.constant 0 : i32
        %sign3A_562 = arith.cmpi slt, %jit3A_549, %sign3A_561 : i32
        %sign3A_563 = arith.extui %sign3A_562 : i1 to i32
        %sign3A_564 = arith.subi %sign3A_560, %sign3A_563 : i32
        %ne3A_565 = arith.cmpi ne, %sign3A_557, %sign3A_564 : i32
        %rem3A_566 = arith.remsi %while3A_130, %jit3A_549 : i32
        %ne3A_567 = arith.constant 0 : i32
        %ne3A_568 = arith.cmpi ne, %rem3A_566, %ne3A_567 : i32
        %and3A_569 = arith.andi %ne3A_565, %ne3A_568 : i1
        %sub3A_570 = arith.constant 1 : i32
        %sub3A_571 = arith.subi %div3A_550, %sub3A_570 : i32
        %select_n3A_572 = arith.select %and3A_569, %sub3A_571, %div3A_550 : i32
        %mul3A_573 = arith.constant 32 : i32
        %mul3A_574 = arith.muli %mul3A_573, %select_n3A_572 : i32
        %add3A_575 = arith.addi %add3A, %mul3A_574 : i32
        %mul3A_576 = arith.constant 136 : i32
        %mul3A_577 = arith.muli %add3A_575, %mul3A_576 : i32
        "tpu.region"() ({
          %run_scoped3A = tpu.sem_alloc : memref<!tpu.dma_semaphore, #tpu.memory_space<semaphore_mem>>
          %dma_start3A_578 = tpu.memref_slice %arg3[%mul3A_577] : memref<170000xi32, #tpu.memory_space<hbm>> -> memref<136xi32, #tpu.memory_space<hbm>>
          %dma_start3A_579 = tpu.memref_slice %arg3[%mul3A_577] : memref<170000xi32, #tpu.memory_space<hbm>> -> memref<136xi32, #tpu.memory_space<hbm>>
          tpu.enqueue_dma source(%arg11 : memref<136xi32, #tpu.memory_space<vmem>>) target(%dma_start3A_579 : memref<136xi32, #tpu.memory_space<hbm>>) target_semaphore(%run_scoped3A : memref<!tpu.dma_semaphore, #tpu.memory_space<semaphore_mem>>)
          %dma_wait3A_580 = tpu.memref_slice %arg3[%mul3A_577] : memref<170000xi32, #tpu.memory_space<hbm>> -> memref<136xi32, #tpu.memory_space<hbm>>
          %dma_wait3A_581 = tpu.memref_slice %arg3[%mul3A_577] : memref<170000xi32, #tpu.memory_space<hbm>> -> memref<136xi32, #tpu.memory_space<hbm>>
          tpu.wait_dma2 semaphore(%run_scoped3A : memref<!tpu.dma_semaphore, #tpu.memory_space<semaphore_mem>>) src(%arg11 : memref<136xi32, #tpu.memory_space<vmem>>) dst(%dma_wait3A_581 : memref<136xi32, #tpu.memory_space<hbm>>)
          tpu.yield
        }) : () -> ()
        "tpu.region"() ({
          %run_scoped3A = tpu.sem_alloc : memref<!tpu.dma_semaphore, #tpu.memory_space<semaphore_mem>>
          %dma_start3A_578 = tpu.memref_slice %arg4[%mul3A_577] : memref<170000xi32, #tpu.memory_space<hbm>> -> memref<136xi32, #tpu.memory_space<hbm>>
          %dma_start3A_579 = tpu.memref_slice %arg4[%mul3A_577] : memref<170000xi32, #tpu.memory_space<hbm>> -> memref<136xi32, #tpu.memory_space<hbm>>
          tpu.enqueue_dma source(%arg12 : memref<136xi32, #tpu.memory_space<vmem>>) target(%dma_start3A_579 : memref<136xi32, #tpu.memory_space<hbm>>) target_semaphore(%run_scoped3A : memref<!tpu.dma_semaphore, #tpu.memory_space<semaphore_mem>>)
          %dma_wait3A_580 = tpu.memref_slice %arg4[%mul3A_577] : memref<170000xi32, #tpu.memory_space<hbm>> -> memref<136xi32, #tpu.memory_space<hbm>>
          %dma_wait3A_581 = tpu.memref_slice %arg4[%mul3A_577] : memref<170000xi32, #tpu.memory_space<hbm>> -> memref<136xi32, #tpu.memory_space<hbm>>
          tpu.wait_dma2 semaphore(%run_scoped3A : memref<!tpu.dma_semaphore, #tpu.memory_space<semaphore_mem>>) src(%arg12 : memref<136xi32, #tpu.memory_space<vmem>>) dst(%dma_wait3A_581 : memref<136xi32, #tpu.memory_space<hbm>>)
          tpu.yield
        }) : () -> ()
        "tpu.region"() ({
          %run_scoped3A = tpu.sem_alloc : memref<!tpu.dma_semaphore, #tpu.memory_space<semaphore_mem>>
          %dma_start3A_578 = tpu.memref_slice %arg5[%mul3A_577] : memref<170000xf32, #tpu.memory_space<hbm>> -> memref<136xf32, #tpu.memory_space<hbm>>
          %dma_start3A_579 = tpu.memref_slice %arg5[%mul3A_577] : memref<170000xf32, #tpu.memory_space<hbm>> -> memref<136xf32, #tpu.memory_space<hbm>>
          tpu.enqueue_dma source(%arg13 : memref<136xf32, #tpu.memory_space<vmem>>) target(%dma_start3A_579 : memref<136xf32, #tpu.memory_space<hbm>>) target_semaphore(%run_scoped3A : memref<!tpu.dma_semaphore, #tpu.memory_space<semaphore_mem>>)
          %dma_wait3A_580 = tpu.memref_slice %arg5[%mul3A_577] : memref<170000xf32, #tpu.memory_space<hbm>> -> memref<136xf32, #tpu.memory_space<hbm>>
          %dma_wait3A_581 = tpu.memref_slice %arg5[%mul3A_577] : memref<170000xf32, #tpu.memory_space<hbm>> -> memref<136xf32, #tpu.memory_space<hbm>>
          tpu.wait_dma2 semaphore(%run_scoped3A : memref<!tpu.dma_semaphore, #tpu.memory_space<semaphore_mem>>) src(%arg13 : memref<136xf32, #tpu.memory_space<vmem>>) dst(%dma_wait3A_581 : memref<136xf32, #tpu.memory_space<hbm>>)
          tpu.yield
        }) : () -> ()
      } else {
      }
    }
    return
  }
}

</mosaic_0001>

<sc_bundles>
// kernel: kernel.3.cloned.1.call-start
scs
__scs_entry_jumppad:
0x0: {  	(pc) =	sbr.rel $0x88, $3  }
0x1: {  	(tag) =	ssettag $0x0;
	lr =	simm.s32 $0x1  }
0x2: {  	[smem:$0x3FA0] =	sst lr;
	_ =	strace $0xD0000000  }
0x3: {  	_ = 	snop  }
0x4: {  	_ = 	snop  }
0x5: {  	_ = 	snop  }
0x6: {  	_ = 	snop  }
0x7: {  	_ = 	snop  }
__scs_overlays_trampoline_lowered:
0x8: {  	[smem:$0x3FAF] =	sst s0  }
0x9: {  	[smem:$0x3FB0] =	sst s1  }
0xa: {  	[smem:$0x3FB1] =	sst s2  }
0xb: {  	[smem:$0x3FB2] =	sst s3  }
0xc: {  	[smem:$0x3FB3] =	sst s4  }
0xd: {  	[smem:$0x3FB4] =	sst s5  }
0xe: {  	[smem:$0x3FB5] =	sst s6  }
0xf: {  	[smem:$0x3FB6] =	sst s7  }
0x10: {  	[smem:$0x3FB7] =	sst s8  }
0x11: {  	[smem:$0x3FB8] =	sst s9;
	s0 =	simm.s32 @!p0 $0x0  }
0x12: {  	s1 =	sld [smem:$0x3F9E];
	s0 =	simm.s32 @p0 $0x1  }
0x13: {  	[smem:$0x3FB9] =	sst s0;
	s0 =	simm.s32 @!p1 $0x0  }
0x14: {  	s2 =	sld [smem:$0x3F9D];
	s0 =	simm.s32 @p1 $0x1  }
0x15: {  	[smem:$0x3FBA] =	sst s0;
	s0 =	simm.s32 @!p2 $0x0  }
0x16: {  	s3 =	sld [smem:$0x3FDB];
	s0 =	simm.s32 @p2 $0x1  }
0x17: {  	s4 =	simm.s32 $0x1BF5;
	[smem:$0x3FBC] =	sst s0  }
0x18: {  	s0 =	sld [smem:$0x3F9F];
	_ =	swait.ge [sflag:s4], $0x0  }
0x19: {  	s7 =	sld [smem:$0x3FA0]  }
0x1a: {  	s8 =	sadd.s32 $0xFFFFE003, lr  }
0x1b: {  	s9 =	sadd.s32 $0xFFFFFEF7, lr;
	s5 =	simm.s32 $0xFFFFFFFF;
	p2 =	slt.u32 s8, $0xFFFFF086  }
0x1c: {  	p1 =	slt.u32 s9, $0xF7A;
	s5 =	simm.s32 @!p2 $0x0  }
0x1d: {  	s5 =	simm.s32 @p1 $0x1;
	p0 =	seq.s32 s7, s2  }
0x1e: {  	s7 =	smul.u32 @!p0 $0xF7A, s2;
	p2 =	seq.s32 @!p0 s5, $0x0  }
0x1f: {  	s9 =	smul.u32 $0xF7A, s1;
	s8 =	simm.s32 @!p0 $0x1BF5;
	p2 =	por !p2, p0  }
0x20: {  	[sflag:s8] =	ssyncset.s32 @!p0 $0xFFFFF086;
	s6 =	sadd.s32 @!p0 s3, s7;
	s7 =	simm.s32 @!p0 $0x108  }
0x21: {  	s3 =	sadd.s32 s3, s9;
	s6 =	sadd.s32 @!p0 $0x88, s6;
	s7 =	simm.s32 @p2 $0x1082  }
0x22: {  	[simem:s7], [sflag:s8] =	dma.local @!p0 [hbm:s6], $0xF7A  }
0x23: {  	s9 =	sor.u32 $0xD0000000, s2;
	s6 =	simm.s32 $0x108;
	_ =	swait.ge @!p0 [sflag:s8], $0x0  }
0x24: {  	s3 =	sadd.s32 $0x88, s3;
	s6 =	simm.s32 @!p1 $0x1082;
	[sflag:s4] =	ssyncset.s32 $0xFFFFF086  }
0x25: {  	[simem:s6], [sflag:s4] =	dma.local [hbm:s3], $0xF7A  }
0x26: {  	[smem:$0x3FA0] =	sst s1;
	(tag) =	ssettag s2;
	_ =	strace s9  }
0x27: {  	s1 =	sld [smem:$0x3FB0]  }
0x28: {  	s2 =	sld [smem:$0x3FB1]  }
0x29: {  	s4 =	sld [smem:$0x3FB3]  }
0x2a: {  	p0 =	seq.s32 s5, $0x0;
	s5 =	sld [smem:$0x3FB4]  }
0x2b: {  	s6 =	sld [smem:$0x3FB5]  }
0x2c: {  	s7 =	sld [smem:$0x3FB6]  }
0x2d: {  	s3 =	simm.s32 $0x108;
	s8 =	sld [smem:$0x3FB7]  }
0x2e: {  	s3 =	simm.s32 @!p0 $0x1082;
	s9 =	sld [smem:$0x3FB8]  }
0x2f: {  	lr =	sadd.s32 s0, s3;
	s0 =	sld [smem:$0x3FAF]  }
0x30: {  	s3 =	sld [smem:$0x3FB2]  }
0x31: {  	[smem:$0x3FBB] =	sst s10  }
0x32: {  	s10 =	sld [smem:$0x3FB9];
	_ =	sdelay $0x3  }
0x33: {  	p0 =	seq.s32 s10, $0x1;
	s10 =	sld [smem:$0x3FBB];
	_ =	sdelay $0x3  }
0x34: {  	[smem:$0x3FBB] =	sst s10  }
0x35: {  	s10 =	sld [smem:$0x3FBA];
	_ =	sdelay $0x3  }
0x36: {  	p1 =	seq.s32 s10, $0x1;
	s10 =	sld [smem:$0x3FBB];
	_ =	sdelay $0x3  }
0x37: {  	[smem:$0x3FBB] =	sst s10  }
0x38: {  	s10 =	sld [smem:$0x3FBC]  }
0x39: {  	_ = 	snop;
	(pc) =	sbr.ind lr, $3  }
0x3a: {  	_ = 	snop  }
0x3b: {  	_ = 	snop  }
0x3c: {  	p2 =	seq.s32 s10, $0x1;
	s10 =	sld [smem:$0x3FBB]  }
0x3d: {  	_ =	shalt  }
0x3e: {  	_ =	shalt  }
0x3f: {  	_ =	shalt  }
0x40: {  	_ =	shalt  }
0x41: {  	_ =	shalt  }
0x42: {  	_ =	shalt  }
0x43: {  	_ =	shalt  }
0x44: {  	_ =	shalt  }
0x45: {  	_ =	shalt  }
0x46: {  	_ =	shalt  }
0x47: {  	_ =	shalt  }
0x48: {  	_ =	shalt  }
0x49: {  	_ =	shalt  }
0x4a: {  	_ =	shalt  }
0x4b: {  	_ =	shalt  }
0x4c: {  	_ =	shalt  }
0x4d: {  	_ =	shalt  }
0x4e: {  	_ =	shalt  }
0x4f: {  	_ =	shalt  }
0x50: {  	_ =	shalt  }
0x51: {  	_ =	shalt  }
0x52: {  	_ =	shalt  }
0x53: {  	_ =	shalt  }
0x54: {  	_ =	shalt  }
0x55: {  	_ =	shalt  }
0x56: {  	_ =	shalt  }
0x57: {  	_ =	shalt  }
0x58: {  	_ =	shalt  }
0x59: {  	_ =	shalt  }
0x5a: {  	_ =	shalt  }
0x5b: {  	_ =	shalt  }
0x5c: {  	_ =	shalt  }
0x5d: {  	_ =	shalt  }
0x5e: {  	_ =	shalt  }
0x5f: {  	_ =	shalt  }
0x60: {  	_ =	shalt  }
0x61: {  	_ =	shalt  }
0x62: {  	_ =	shalt  }
0x63: {  	_ =	shalt  }
0x64: {  	_ =	shalt  }
0x65: {  	_ =	shalt  }
0x66: {  	_ =	shalt  }
0x67: {  	_ =	shalt  }
0x68: {  	_ =	shalt  }
0x69: {  	_ =	shalt  }
0x6a: {  	_ =	shalt  }
0x6b: {  	_ =	shalt  }
0x6c: {  	_ =	shalt  }
0x6d: {  	_ =	shalt  }
0x6e: {  	_ =	shalt  }
0x6f: {  	_ =	shalt  }
0x70: {  	_ =	shalt  }
0x71: {  	_ =	shalt  }
0x72: {  	_ =	shalt  }
0x73: {  	_ =	shalt  }
0x74: {  	_ =	shalt  }
0x75: {  	_ =	shalt  }
0x76: {  	_ =	shalt  }
0x77: {  	_ =	shalt  }
0x78: {  	_ =	shalt  }
0x79: {  	_ =	shalt  }
0x7a: {  	_ =	shalt  }
0x7b: {  	_ =	shalt  }
0x7c: {  	_ =	shalt  }
0x7d: {  	_ =	shalt  }
0x7e: {  	_ =	shalt  }
0x7f: {  	_ =	shalt  }
0x80: {  	_ =	shalt  }
0x81: {  	_ =	shalt  }
0x82: {  	_ =	shalt  }
0x83: {  	_ =	shalt  }
0x84: {  	_ =	shalt  }
0x85: {  	_ =	shalt  }
0x86: {  	_ =	shalt  }
0x87: {  	_ =	shalt  }
.Lfunc_end0:
.L_simem_size_0:
called_computation_lowered:
.L_overlay_start_0:
0x88: {  	s2 =	sld [smem:$0x3FD9]  }
0x89: {  	s3 =	sld [smem:$0x3FFE];
	_ =	sdelay $0x1  }
0x8a: {  	s1 =	srdreg.scid  }
0x8b: {  	s0 =	sand.u32 $0x1, s1  }
0x8c: {  	s14 =	sshll.u32 s0, $0xA;
	s2 =	sadd.s32 s3, s2  }
0x8d: {  	s2 =	sadd.s32 s2, s14  }
0x8e: {  	[smem:$0x3FC7] =	sst s2  }
0x8f: {  	_ = 	snop  }
0x90: {  	s2 =	sld [smem:$0x3FD0];
	_ =	sdelay $0x2  }
0x91: {  	s15 =	simm.s32 $0xA;
	s4 =	simm.s32 $0x10  }
0x92: {  	[smem:s4], [sflag:s15] =	dma.local [hbm:s2], $0x1  }
0x93: {  	_ =	swait.eq [sflag:s15], $0x1  }
0x94: {  	s16 =	sld [smem:$0x10];
	[sflag:s15] =	ssyncset.done $0x0  }
0x95: {  	s17 =	sld [smem:$0x11];
	[sflag:s15] =	ssyncadd.s32 $0xFFFFFFFF  }
0x96: {  	s18 =	sld [smem:$0x12];
	(tm) =	ssettm $0x1  }
0x97: {  	s5 =	sld [smem:$0x3FFB];
	_ =	sdelay $0x3  }
0x98: {  	_ =	strace s5  }
0x99: {  	s5 =	sld [smem:$0x3FFC];
	_ =	sdelay $0x3  }
0x9a: {  	_ =	strace s5  }
0x9b: {  	s5 =	sld [smem:$0x3FFD];
	_ =	sdelay $0x3  }
0x9c: {  	_ =	strace s5  }
0x9d: {  	_ =	strace $0x8FFFFFFF  }
0x9e: {  	s19 =	sld [smem:$0x3FDB];
	_ =	sdelay $0x1  }
0x9f: {  	s6 =	simm.s32 $_scs_section_size  }
0xa0: {  	s7 =	simm.s32 $_size__tile_overlayer_lowered;
	s8 =	simm.s32 $_tile_overlayer_lowered  }
0xa1: {  	s22 =	simm.s32 $0x1BFF;
	s21 =	sshll.u32 s8, $0x1;
	s5 =	sadd.s32 s6, s19  }
0xa2: {  	s9 =	simm.s32 $0x0;
	s20 =	sshll.u32 s7, $0x1;
	s7 =	sadd.s32 s21, s5  }
0xa3: {  	[timem:s9], [sflag:s22] =	dma.local [hbm:s7], s20  }
0xa4: {  	_ =	swait.ge [sflag:s22], s20  }
0xa5: {  	s6 =	ssub.s32 $0x0, s20;
	[sflag:s22] =	ssyncset.done $0x0  }
0xa6: {  	[sflag:s22] =	ssyncadd.s32 s6;
	_ =	sdelay $0x1  }
0xa7: {  	s23 =	simm.s32 $0x1B8B  }
0xa8: {  	_ =	swait.ge [sflag:s23], $0x1  }
0xa9: {  	[sflag:s23] =	ssyncset.done $0x0  }
0xaa: {  	s25 =	simm.s32 $0x1B8E;
	s24 =	sld [smem:$0x3FFE];
	[sflag:s23] =	ssyncadd.s32 $0xFFFFFFFF  }
0xab: {  	s26 =	simm.s32 $execute0_lowered;
	[smem:$0x3FD2] =	sst s25  }
0xac: {  	s7 =	sshll.u32 s26, $0x1;
	_ =	strace $0x80000046;
	[dreg:$0x1] =	wrdreg $0xFFFFFFFF  }
0xad: {  	s28 =	simm.s32 $_size_execute0_lowered;
	s5 =	sadd.s32 s5, s7;
	[dreg:$0x0] =	wrdreg $0x0  }
0xae: {  	s7 =	sshll.u32 s28, $0x1;
	[dreg:$0x2] =	wrdreg s5  }
0xaf: {  	[dreg:$0x3] =	wrdreg s7  }
0xb0: {  	[dreg:$0x4] =	wrdreg $0xC0  }
0xb1: {  	_ =	task [dreg:s9], $0x5FFFF  }
0xb2: {  	[dreg:$0x1] =	wrdreg $0xFFFFFFFF  }
0xb3: {  	[dreg:$0x0] =	wrdreg $0x60  }
0xb4: {  	[dreg:$0x2] =	wrdreg s24  }
0xb5: {  	[dreg:$0x3] =	wrdreg s16  }
0xb6: {  	[dreg:$0x4] =	wrdreg s17  }
0xb7: {  	[dreg:$0x5] =	wrdreg s18  }
0xb8: {  	[dreg:$0x6] =	wrdreg $0x9  }
0xb9: {  	_ =	task.clear_ibuf [dreg:s9], $0x7FFFF;
	_ =	strace $0x90000046  }
0xba: {  	s29 =	simm.s32 $0x9;
	_ =	strace $0x80000048  }
0xbb: {  	_ =	swait.ge [sflag:s29], $0x1  }
0xbc: {  	[sflag:s29] =	ssyncadd.s32 $0xFFFFFFFF  }
0xbd: {  	_ =	strace $0x90000048  }
0xbe: {  	_ =	sfence  }
0xbf: {  	s30 =	sld [smem:$0x0];
	_ =	sdelay $0x2  }
0xc0: {  	s31 =	sshll.u32 s1, $0xD;
	s1 =	sshrl.u32 s1, $0x2  }
0xc1: {  	s3 =	sand.u32 $0x4000, s31;
	s1 =	sadd.s32 s1, s30  }
0xc2: {  	s0 =	sor.u32 s3, s0;
	s1 =	sshll.u32 s1, $0x11  }
0xc3: {  	s0 =	sor.u32 s1, s0  }
0xc4: {  	s0 =	sadd.s32 $0x8F2B, s0  }
0xc5: {  	[sflag:s0] =	ssyncadd.remote.s32 $0x1  }
0xc6: {  	_ =	sfence.sel $0xFFFF  }
0xc7: {  	[dreg:$0x0] =	wrdreg $0xFFFFFFFF;
	(pc) =	sbr.abs _section_cstart, $3  }
0xc8: {  	[dreg:$0x1] =	wrdreg $0xFFFFFFFF  }
0xc9: {  	_ =	task.clear_ibuf [dreg:s9], $0x2FFFF;
	_ =	strace $0x9FFFFFFF  }
0xca: {  	(tm) =	ssettm $0x7FFFFFFF  }
0xcb: {  	_ =	shalt  }
tec
execute0_lowered:
.L_overlay_start_1:
0x0: {  	(tag) =	ssettag $0x1  }
0x1: {  	s0 =	rddreg [dreg:$0x0]  }
0x2: {  	s1 =	rddreg [dreg:$0x1]  }
0x3: {  	s2 =	rddreg [dreg:$0x2]  }
0x4: {  	s4 =	rddreg [dreg:$0x3];
	s3 =	srdreg.scid  }
0x5: {  	s8 =	stileid.u32;
	s6 =	simm.s32 $0x0;
	v0 =	vimm.s32 $0x1C1B1A19;
	s14 =	simm.s32 $0x1  }
0x6: {  	v1 =	vimm.s32 $0x1F1F1E1D;
	s15 =	simm.s32 $0x7580;
	s16 =	simm.s32 $0x8A80;
	s17 =	simm.s32 $0x9F80  }
0x7: {  	vm0 =	vcmask $0x1F10;
	v2 =	vimm.s32 $0x14131211;
	s18 =	simm.s32 $0xA000;
	s19 =	simm.s32 $0xA280;
	s20 =	simm.s32 $0xA180  }
0x8: {  	v3 =	vimm.s32 $0x18171615;
	s21 =	simm.s32 $0xA080;
	s3 =	sand.u32 $0x1, s3;
	s5 =	sshll.u32 s8, $0x1;
	v0 =	vunpack.c.0.s8.s32 v0;
	v1 =	vunpack.c.0.s8.s32 v1  }
0x9: {  	v4 =	vimm.s32 $0xDB975310;
	s22 =	simm.s32 $0x0;
	[smem:$0x7FF] =	sst s6;
	v2 =	vunpack.c.0.s8.s32 v2;
	v3 =	vunpack.c.0.s8.s32 v3;
	s6 =	sor.u32 s3, s5  }
0xa: {  	s7 =	sadd.s32 $0x600, s0;
	_ =	strace $0x80000047;
	s5 =	smul.u32 $0x13880, s6;
	v5 =	vsel vm0, v1, v0;
	v0 =	vunpack.c.l.s4.s8 v4  }
.Ltmp0:
0xb: {  	p0 =	seq.s32 s8, $0x0;
	s8 =	simm.s32 $0x140;
	v2 =	vsel vm0, v3, v2;
	v1 =	vimm.s32 $0x1513110F;
	v3 =	vimm.s32 $0x1D1B1917;
	(pc) =	sbr.rel .LBB2_1-.Ltmp0, $4  }
0xc: {  	s3 =	ssub.s32 $0x2, s3;
	s8 =	simm.s32 @!p0 $0x138;
	s31 =	smul.u32 $0x2710, s6;
	v4 =	vunpack.c.0.s8.s32 v1;
	v6 =	vunpack.c.0.s8.s32 v3;
	v7 =	vunpack.c.0.s8.s32 v0  }
0xd: {  	s30 =	sshrl.u32 s3, $0x1;
	s11 =	sshll.u32 s6, $0x3;
	v1 =	vlaneseq.u32;
	v2 =	vcombine.low v2, v5;
	s5 =	sshrl.u32 s5, $0x3;
	v0 =	vimm.s32 $0x0  }
0xe: {  	s0 =	ssub.s32 s3, s30;
	s3 =	sadd.s32 s7, s31;
	v3 =	vor.u32 $0x2700, v1;
	s5 =	sadd.s32 s7, s5;
	v5 =	vsel vm0, v6, v4;
	v6 =	vand.u32 $0xF, v7  }
0xf: {  	s12 =	smax.u32 s0, $0x1;
	[dreg:$0x5] =	wrdreg s3;
	v4 =	vimm.f32 $-Inf;
	s10 =	sadd.s32 $0x4E2, s5;
	v5 =	vcombine.low v6, v5;
	v6 =	vimm.s32 $0x1F  }
.LBB2_32:
0x10: {  	s22 =	sadd.s32 $0x1, s22  }
0x11: {  	p0 =	sne.s32 s22, s12  }
.Ltmp1:
0x12: {  	_ = 	snop;
	(pc) =	sbr.rel @!p0 .LBB2_33-.Ltmp1, $1  }
0x13: {  	_ =	sdelay $0x3  }
.LBB2_1:
.Ltmp2:
0x14: {  	(pc) =	sbr.rel .LBB2_2-.Ltmp2, $4  }
0x15: {  	s0 =	simm.s32 $0x0;
	s3 =	rddreg [dreg:$0x5];
	s31 =	simm.s32 $0x2710  }
0x16: {  	[tilespmem:s0], [sflag:$0x1] =	stream.linear.gather [hbm4b:s3+s0], $0x2710, $0x38;
	[tilespmem:$0xA380] =	vst v63  }
0x17: {  	s24 =	simm.s32 $0x0;
	s25 =	simm.s32 $0x0;
	s3 =	simm.s32 $0x70  }
0x18: {  	[tilespmem:s31], [sflag:$0x1] =	stream.linear.gather [hbm4b:s10+s0], $0x2710, $0x38;
	[tilespmem:$0xA380] =	vst v63  }
.LBB2_31:
0x19: {  	_ = 	snop  }
0x1a: {  	[tilespmem:$0x9F80] =	vst v10  }
0x1b: {  	[tilespmem:$0x9F90] =	vst v8  }
0x1c: {  	[tilespmem:$0xA000] =	vst v9  }
0x1d: {  	[tilespmem:$0xA010] =	vst v7  }
0x1e: {  	v7 =	vld.idx.msk [tilespmem:v5+s17+$0x0], $0xffff;
	_ =	sdelay $0x1  }
0x1f: {  	s0 =	sand.u32 $0x7, s25  }
0x20: {  	s5 =	smul.u32 $0x11, s0;
	_ =	sdelay $0x1  }
0x21: {  	[tilespmem:s5+$0xA280] =	vst v7  }
0x22: {  	v7 =	vld.idx.msk [tilespmem:v5+s18+$0x0], $0xffff;
	_ =	sdelay $0x2  }
0x23: {  	s9 =	sadd.s32 $0x10, s5  }
0x24: {  	v8 =	vmov s9  }
0x25: {  	[tilespmem:s5+$0xA180] =	vst v7;
	v7 =	vbroadcast v8, $0x0  }
0x26: {  	v8 =	vld.idx.msk [tilespmem:v6+s17+$0x0], $0xffff;
	_ =	sdelay $0x4  }
0x27: {  	[tilespmem:v7+s19+$0x0] =	vst.idx.msk $0x1, v8  }
0x28: {  	s31 =	sshll.u32 s25, $0x2;
	v8 =	vld.idx.msk [tilespmem:v6+s18+$0x0], $0xffff  }
0x29: {  	s9 =	sand.u32 $0xFFFFFFE0, s31  }
0x2a: {  	s9 =	sor.u32 s6, s9  }
0x2b: {  	p0 =	sne.s32 s0, $0x7;
	s13 =	sshll.u32 s9, $0x3  }
0x2c: {  	s9 =	smul.u32 @!p0 $0x88, s9;
	s0 =	sor.u32 s0, s13  }
0x2d: {  	[tilespmem:v7+s20+$0x0] =	vst.idx.msk $0x1, v8;
	v8 =	vmov s0  }
0x2e: {  	s0 =	sshrl.u32 @!p0 s9, $0x3;
	[tilespmem:s5+$0xA080] =	vst v8  }
0x2f: {  	s13 =	simm.s32 @!p0 $0xA080;
	s9 =	simm.s32 @!p0 $0x0;
	s5 =	sadd.s32 @!p0 s1, s0;
	[tilespmem:v7+s21+$0x0] =	vst.idx.msk $0x1, v8  }
0x30: {  	[hbm4b:s5+s9] =	stream.linear.scatter @!p0 [tilespmem:s13], [sflag:$0x3], $0x88, $0x38;
	[tilespmem:$0xA380] =	vst v63  }
0x31: {  	s5 =	simm.s32 @!p0 $0x3  }
0x32: {  	_ =	swait.ge @!p0 [sflag:s5], $0x88  }
0x33: {  	[sflag:s5] =	ssyncset.done @!p0 $0x0  }
0x34: {  	s23 =	simm.s32 @!p0 $0xA180;
	s13 =	sadd.s32 @!p0 s2, s0;
	[sflag:s5] =	ssyncadd.s32 @!p0 $0xFFFFFF78  }
0x35: {  	[hbm4b:s13+s9] =	stream.linear.scatter @!p0 [tilespmem:s23], [sflag:$0x3], $0x88, $0x38;
	[tilespmem:$0xA380] =	vst v63  }
0x36: {  	s25 =	sadd.s32 $0x1, s25;
	_ =	swait.ge @!p0 [sflag:s5], $0x88  }
0x37: {  	p1 =	sne.s32 s25, s8;
	[sflag:s5] =	ssyncset.done @!p0 $0x0  }
0x38: {  	s0 =	sadd.s32 @!p0 s4, s0;
	[sflag:s5] =	ssyncadd.s32 @!p0 $0xFFFFFF78;
	s5 =	simm.s32 @!p0 $0xA280  }
0x39: {  	[hbm4b:s0+s9] =	stream.linear.scatter @!p0 [tilespmem:s5], [sflag:$0x2], $0x88, $0x38;
	[tilespmem:$0xA380] =	vst v63  }
.Ltmp3:
0x3a: {  	_ = 	snop;
	(pc) =	sbr.rel @!p1 .LBB2_32-.Ltmp3, $4  }
0x3b: {  	s0 =	simm.s32 @!p0 $0x2  }
0x3c: {  	_ =	swait.ge @!p0 [sflag:s0], $0x88  }
0x3d: {  	[sflag:s0] =	ssyncset.done @!p0 $0x0  }
0x3e: {  	s3 =	sadd.s32 $0x2710, s3;
	s24 =	sadd.s32 $0x2710, s24;
	[sflag:s0] =	ssyncadd.s32 @!p0 $0xFFFFFF78  }
.LBB2_2:
0x3f: {  	s0 =	sadd.s32 $0x2, s25  }
0x40: {  	s13 =	smulhi.u32 $0xAAAAAAAB, s25;
	p0 =	sge.u32 s0, s8  }
0x41: {  	s5 =	smulhi.u32 @!p0 $0xAAAAAAAB, s0  }
0x42: {  	s13 =	sshrl.u32 s13, $0x1  }
0x43: {  	s28 =	smul.u32 $0xFFFE2B40, s13;
	s5 =	sshrl.u32 @!p0 s5, $0x1  }
0x44: {  	s23 =	sshll.u32 @!p0 s0, $0x5;
	s5 =	smul.u32 @!p0 $0x3, s5  }
0x45: {  	_ =	swait.ge [sflag:s14], $0x2710;
	s23 =	sand.u32 @!p0 $0x7FFFFF00, s23;
	s9 =	smul.u32 $0x7530, s13  }
0x46: {  	s23 =	sor.u32 @!p0 s11, s23;
	s5 =	ssub.s32 @!p0 s0, s5;
	s0 =	sand.u32 @!p0 $0x7, s0  }
0x47: {  	[sflag:s14] =	ssyncset.done $0x0;
	s5 =	smul.u32 @!p0 $0x9C40, s5;
	s0 =	sor.u32 @!p0 s0, s23  }
0x48: {  	[sflag:s14] =	ssyncadd.s32 $0xFFFFD8F0;
	s0 =	smul.u32 @!p0 $0x4E2, s0  }
0x49: {  	s26 =	simm.s32 @!p0 $0x0;
	s13 =	smul.u32 $0x3, s13;
	s30 =	ssub.s32 s24, s9  }
0x4a: {  	s9 =	sshra.s32 s28, $0x2;
	s5 =	sshrl.u32 @!p0 s5, $0x2;
	s0 =	sadd.s32 @!p0 s7, s0  }
0x4b: {  	v7 =	vmov s9;
	[tilespmem:s5], [sflag:$0x1] =	stream.linear.gather @!p0 [hbm4b:s0+s26], $0x2710, $0x38;
	[tilespmem:$0xA380] =	vst v63  }
0x4c: {  	s5 =	ssub.s32 s25, s13  }
0x4d: {  	s26 =	smul.u32 $0x2710, s5  }
0x4e: {  	s13 =	sadd.s32 $0x0, s30  }
0x4f: {  	s0 =	sand.u32 $0xFF80, s13;
	s28 =	sand.u32 $0x70, s26  }
0x50: {  	v13 =	vld.idx.msk [tilespmem:v7+s3+$0xFFFFFFB0 ss:$0x1], $0xffff;
	s0 =	sor.u32 s0, s28  }
0x51: {  	v20 =	vld [tilespmem:s0+$0x0]  }
0x52: {  	v11 =	vld.idx.msk [tilespmem:v7+s3+$0xFFFFFFC0 ss:$0x1], $0xffff  }
0x53: {  	v26 =	vimm.s32 $0x0;
	v17 =	vld.idx.msk [tilespmem:v7+s3+$0xFFFFFFA0 ss:$0x1], $0xffff  }
0x54: {  	v8 =	vimm.f32 $-Inf;
	v21 =	vadd.s32 v1, v26;
	s9 =	simm.s32 $0x20;
	s23 =	simm.s32 $0x0  }
0x55: {  	v16 =	vor.u32 s9, v1;
	v10 =	vor.u32 s23, v1;
	vm1 =	vge.f32 v13, v8  }
0x56: {  	v14 =	vmpcnt.ones.xlane vm1;
	v9 =	vmin.f32 v8, v20;
	vm0 =	vge.f32 v20, v8  }
0x57: {  	v22 =	vmax.f32 v8, v9;
	v12 =	vmpcnt.ones.xlane vm0;
	vm0 =	vge.f32 v11, v8;
	v9 =	vld.idx.msk [tilespmem:v7+s3+$0xFFFFFFF0 ss:$0x1], $0xffff  }
0x58: {  	s5 =	simm.s32 $0x10;
	vm2 =	vge.f32 v17, v8;
	v27 =	vmpcnt.ones.xlane vm0;
	vm0 =	vgt.s32 v14, $0x0;
	v14 =	vld.idx.msk [tilespmem:v7+s3+$0xFFFFFFD0 ss:$0x1], $0xffff  }
0x59: {  	s13 =	simm.s32 $0x30;
	v18 =	vor.u32 s5, v1;
	v19 =	vmpcnt.ones.xlane vm2;
	v23 =	vmax.f32 v8, v20  }
0x5a: {  	s23 =	simm.s32 $0x40;
	v15 =	vor.u32 s13, v1;
	v24 =	vmax.f32 v23, v17;
	vm1 =	vgt.s32 v12, $0x0  }
0x5b: {  	s31 =	simm.s32 $0xF0;
	v12 =	vld.idx.msk [tilespmem:v7+s3+$0xFFFFFFE0 ss:$0x1], $0xffff;
	v28 =	vsel vm1, $0x10, v0;
	vm1 =	vgt.s32 v19, $0x0;
	v19 =	vor.u32 s23, v1  }
0x5c: {  	s29 =	simm.s32 $0x70;
	s0 =	smov.u32 s3;
	s23 =	smov.u32 s3;
	v25 =	vsel vm1, $0x10, v0;
	vm1 =	vgt.s32 v27, $0x0;
	v26 =	vadd.s32 v26, v28  }
.LBB2_3:
0x5d: {  	p0 =	sne.s32 s31, $0x26F0;
	vm2 =	vge.f32 v14, v8;
	vm3 =	vge.f32 v9, v8;
	v27 =	vadd.s32 v1, v26;
	s5 =	sadd.s32 $0xFFFFFFE0, s29;
	s0 =	sadd.s32 $0x80, s0  }
0x5e: {  	v28 =	vsel vm0, $0x10, v0;
	v29 =	vsel vm1, $0x10, v0;
	v25 =	vadd.s32 v25, v26;
	s13 =	smov.u32 s31;
	s31 =	sadd.s32 $0x80, s31  }
0x5f: {  	s9 =	sadd.s32 $0xFFFFFF90, s13;
	v28 =	vadd.s32 v28, v25;
	v25 =	vadd.s32 v1, v25;
	v30 =	vor.u32 s5, v1;
	v26 =	vld.idx.msk [tilespmem:v7+s23+$0x0 ss:$0x1], $0xffff;
	s23 =	smov.u32 s0  }
0x60: {  	vm0 =	vge.f32 v12, v8;
	v31 =	vmpcnt.ones.xlane vm2;
	s5 =	sadd.s32 s30, s9;
	v29 =	vadd.s32 v29, v28;
	[tilespmem:v21+s15+$0x0] =	vst.idx.msk $0xffff, v20  }
0x61: {  	v32 =	vmpcnt.ones.xlane vm3;
	s5 =	sand.u32 $0xFF80, s5;
	v20 =	vmpcnt.ones.xlane vm0;
	[tilespmem:v21+s16+$0x0] =	vst.idx.msk $0xffff, v10;
	v10 =	vadd.s32 v1, v28  }
0x62: {  	vm0 =	vgt.s32 v31, $0x0;
	s5 =	sor.u32 s5, s28;
	v21 =	vmin.f32 v23, v17;
	v23 =	vmin.f32 v24, v13;
	[tilespmem:v27+s15+$0x0] =	vst.idx.msk $0xffff, v17  }
0x63: {  	vm1 =	vgt.s32 v20, $0x0;
	v17 =	vmax.f32 v22, v21;
	[tilespmem:v27+s16+$0x0] =	vst.idx.msk $0xffff, v18;
	v18 =	vadd.s32 v1, v29  }
0x64: {  	v20 =	vsel vm0, $0x10, v0;
	v21 =	vsel vm1, $0x10, v0;
	v17 =	vmax.f32 v17, v23;
	[tilespmem:v25+s15+$0x0] =	vst.idx.msk $0xffff, v13  }
0x65: {  	v20 =	vadd.s32 v20, v29;
	v13 =	vmax.f32 v24, v13;
	[tilespmem:v25+s16+$0x0] =	vst.idx.msk $0xffff, v16  }
0x66: {  	vm0 =	vgt.s32 v32, $0x0;
	v22 =	vadd.s32 v1, v20;
	v16 =	vmax.f32 v13, v11;
	[tilespmem:v10+s15+$0x0] =	vst.idx.msk $0xffff, v11  }
0x67: {  	v23 =	vsel vm0, $0x10, v0;
	v11 =	vmin.f32 v13, v11;
	v13 =	vadd.s32 v21, v20;
	[tilespmem:v10+s16+$0x0] =	vst.idx.msk $0xffff, v15  }
0x68: {  	v11 =	vmax.f32 v17, v11;
	v15 =	vadd.s32 v1, v13;
	[tilespmem:v18+s15+$0x0] =	vst.idx.msk $0xffff, v14  }
0x69: {  	vm0 =	vge.f32 v26, v8;
	v10 =	vor.u32 s9, v1;
	v8 =	vadd.s32 v23, v13;
	[tilespmem:v18+s16+$0x0] =	vst.idx.msk $0xffff, v19  }
0x6a: {  	v13 =	vmax.f32 v16, v14;
	v14 =	vmin.f32 v16, v14;
	v16 =	vadd.s32 v1, v8  }
0x6b: {  	v17 =	vmpcnt.ones.xlane vm0;
	v11 =	vmax.f32 v11, v14;
	v14 =	vmax.f32 v13, v12;
	[tilespmem:v22+s15+$0x0] =	vst.idx.msk $0xffff, v12  }
0x6c: {  	s9 =	sadd.s32 $0xFFFFFFF0, s29;
	v18 =	vmax.f32 v14, v9;
	v14 =	vmin.f32 v14, v9;
	[tilespmem:v22+s16+$0x0] =	vst.idx.msk $0xffff, v30  }
0x6d: {  	vm0 =	vgt.s32 v17, $0x0;
	v12 =	vmin.f32 v13, v12;
	v13 =	vmin.f32 v18, v26;
	[tilespmem:v15+s15+$0x0] =	vst.idx.msk $0xffff, v9  }
0x6e: {  	v11 =	vmax.f32 v11, v12;
	v12 =	vmax.f32 v18, v26;
	v9 =	vsel vm0, $0x10, v0  }
0x6f: {  	v11 =	vmax.f32 v11, v14;
	v8 =	vadd.s32 v9, v8;
	v9 =	vor.u32 s9, v1  }
0x70: {  	v19 =	vmax.f32 v11, v13;
	vm0 =	vlt.s32 v8, $0x1400;
	[tilespmem:v15+s16+$0x0] =	vst.idx.msk $0xffff, v9  }
0x71: {  	v27 =	vnsel vm0, $0x1400, v8;
	v8 =	vor.u32 s29, v1;
	s29 =	smov.u32 s13;
	[tilespmem:v16+s15+$0x0] =	vst.idx.msk $0xffff, v26;
	(xrf0) =	vmin.scan.msk.f32 $0xffff, v19  }
0x72: {  	[tilespmem:v16+s16+$0x0] =	vst.idx.msk $0xffff, v8  }
0x73: {  	v20 =	vld [tilespmem:s5+$0x0]  }
0x74: {  	v21 =	vadd.s32 v1, v27;
	s5 =	sadd.s32 $0xFFFFFFA0, s29;
	v13 =	vld.idx.msk [tilespmem:v7+s0+$0xFFFFFFB0 ss:$0x1], $0xffff  }
0x75: {  	v18 =	vor.u32 s5, v1;
	v17 =	vld.idx.msk [tilespmem:v7+s0+$0xFFFFFFA0 ss:$0x1], $0xffff  }
0x76: {  	v11 =	vld.idx.msk [tilespmem:v7+s0+$0xFFFFFFC0 ss:$0x1], $0xffff  }
0x77: {  	s5 =	sadd.s32 $0xFFFFFFB0, s29;
	v9 =	vld.idx.msk [tilespmem:v7+s0+$0xFFFFFFF0 ss:$0x1], $0xffff;
	v8, _, _ =	vpop (xrf0)  }
0x78: {  	v16 =	vor.u32 s5, v1;
	v14 =	vld.idx.msk [tilespmem:v7+s0+$0xFFFFFFD0 ss:$0x1], $0xffff;
	v15 =	vmin.f32 v12, v20;
	v8 =	vbroadcast v8, $0xF  }
0x79: {  	s5 =	sadd.s32 $0xFFFFFFC0, s29;
	v23 =	vmax.f32 v12, v20;
	v22 =	vmax.f32 v19, v15  }
0x7a: {  	v15 =	vor.u32 s5, v1;
	vm0 =	vge.f32 v20, v8;
	vm1 =	vge.f32 v13, v8  }
.Ltmp4:
0x7b: {  	vm2 =	vge.f32 v17, v8;
	v19 =	vmpcnt.ones.xlane vm0;
	v25 =	vmpcnt.ones.xlane vm1;
	(pc) =	sbr.rel @p0 .LBB2_3-.Ltmp4, $4  }
0x7c: {  	v24 =	vmax.f32 v23, v17;
	vm0 =	vge.f32 v11, v8;
	v26 =	vmpcnt.ones.xlane vm2;
	v12 =	vld.idx.msk [tilespmem:v7+s0+$0xFFFFFFE0 ss:$0x1], $0xffff  }
0x7d: {  	s5 =	sadd.s32 $0xFFFFFFD0, s29;
	v28 =	vmpcnt.ones.xlane vm0;
	vm1 =	vgt.s32 v19, $0x0;
	vm0 =	vgt.s32 v25, $0x0  }
0x7e: {  	v19 =	vor.u32 s5, v1;
	v29 =	vsel vm1, $0x10, v0;
	vm1 =	vgt.s32 v26, $0x0  }
0x7f: {  	v25 =	vsel vm1, $0x10, v0;
	vm1 =	vgt.s32 v28, $0x0;
	v26 =	vadd.s32 v27, v29  }
0x80: {  	v27 =	vadd.s32 v1, v26;
	v25 =	vadd.s32 v25, v26  }
0x81: {  	vm2 =	vge.f32 v14, v8;
	v34 =	vsel vm0, $0x10, v0;
	vm8 =	vge.f32 v9, v8  }
0x82: {  	v29 =	vsel vm1, $0x10, v0;
	v40 =	vmin.f32 v23, v17;
	v42 =	vmin.f32 v24, v13  }
0x83: {  	v44 =	vmax.f32 v24, v13;
	v28 =	vadd.s32 v1, v25;
	v25 =	vadd.s32 v34, v25  }
0x84: {  	vm9 =	vge.f32 v12, v8;
	v35 =	vmpcnt.ones.xlane vm2;
	v39 =	vmpcnt.ones.xlane vm8  }
0x85: {  	v7 =	vld.idx.msk [tilespmem:v7+s23+$0x0 ss:$0x1], $0xffff;
	v47 =	vmax.f32 v44, v11;
	v48 =	vmin.f32 v44, v11;
	v36 =	vadd.s32 v1, v25  }
0x86: {  	[tilespmem:v21+s15+$0x0] =	vst.idx.msk $0xffff, v20;
	v37 =	vadd.s32 v29, v25;
	v38 =	vmpcnt.ones.xlane vm9;
	v52 =	vmax.f32 v47, v14  }
0x87: {  	[tilespmem:v21+s16+$0x0] =	vst.idx.msk $0xffff, v10;
	v53 =	vmin.f32 v47, v14;
	vm10 =	vgt.s32 v35, $0x0;
	v41 =	vadd.s32 v1, v37  }
0x88: {  	vm11 =	vgt.s32 v39, $0x0;
	v55 =	vmax.f32 v52, v12;
	vm1 =	vgt.s32 v38, $0x0;
	[tilespmem:v27+s15+$0x0] =	vst.idx.msk $0xffff, v17  }
0x89: {  	v43 =	vsel vm10, $0x10, v0;
	v56 =	vmax.f32 v55, v9;
	v17 =	vmax.f32 v22, v40;
	[tilespmem:v27+s16+$0x0] =	vst.idx.msk $0xffff, v18  }
0x8a: {  	v45 =	vsel vm1, $0x10, v0;
	v46 =	vadd.s32 v43, v37;
	v17 =	vmax.f32 v17, v42;
	[tilespmem:v28+s15+$0x0] =	vst.idx.msk $0xffff, v13  }
0x8b: {  	v49 =	vsel vm11, $0x10, v0;
	v22 =	vadd.s32 v1, v46;
	v50 =	vadd.s32 v45, v46;
	[tilespmem:v28+s16+$0x0] =	vst.idx.msk $0xffff, v16  }
0x8c: {  	v51 =	vadd.s32 v1, v50;
	v10 =	vadd.s32 v49, v50;
	[tilespmem:v36+s15+$0x0] =	vst.idx.msk $0xffff, v11  }
0x8d: {  	v13 =	vmin.f32 v52, v12;
	v11 =	vmax.f32 v17, v48;
	[tilespmem:v36+s16+$0x0] =	vst.idx.msk $0xffff, v15  }
0x8e: {  	v54 =	vadd.s32 v1, v10;
	v11 =	vmax.f32 v11, v53;
	[tilespmem:v41+s15+$0x0] =	vst.idx.msk $0xffff, v14  }
0x8f: {  	s0 =	sadd.s32 $0xFFFFFFE0, s29;
	v14 =	vmin.f32 v55, v9;
	v11 =	vmax.f32 v11, v13;
	[tilespmem:v41+s16+$0x0] =	vst.idx.msk $0xffff, v19  }
0x90: {  	v57 =	vor.u32 s0, v1;
	v58 =	vmin.f32 v56, v7;
	v11 =	vmax.f32 v11, v14;
	[tilespmem:v22+s15+$0x0] =	vst.idx.msk $0xffff, v12  }
0x91: {  	s23 =	sadd.s32 $0xFFFFFFF0, s29;
	v11 =	vmax.f32 v11, v58;
	[tilespmem:v22+s16+$0x0] =	vst.idx.msk $0xffff, v57  }
0x92: {  	v59 =	vor.u32 s23, v1;
	(xrf0) =	vmin.scan.msk.f32 $0xffff, v11;
	[tilespmem:v51+s15+$0x0] =	vst.idx.msk $0xffff, v9  }
0x93: {  	[tilespmem:v51+s16+$0x0] =	vst.idx.msk $0xffff, v59  }
0x94: {  	v60 =	vor.u32 s29, v1;
	s26 =	sand.u32 $0x7F80, s26;
	[tilespmem:v54+s15+$0x0] =	vst.idx.msk $0xffff, v7  }
0x95: {  	s0 =	sor.u32 s28, s26;
	[tilespmem:v54+s16+$0x0] =	vst.idx.msk $0xffff, v60  }
0x96: {  	v9 =	vld [tilespmem:s0+$0x2700];
	_ =	sdelay $0x1  }
0x97: {  	vm12 =	vge.f32 v7, v8;
	v8, _, _ =	vpop (xrf0)  }
0x98: {  	v61 =	vmpcnt.ones.xlane vm12;
	v8 =	vbroadcast v8, $0xF;
	_ =	sdelay $0x1  }
0x99: {  	vm0 =	vgt.s32 v61, $0x0;
	vm13 =	vge.f32 v9, v8  }
0x9a: {  	v8 =	vsel vm0, $0x10, v0;
	v62 =	vmpcnt.ones.xlane vm13  }
0x9b: {  	v8 =	vadd.s32 v8, v10  }
0x9c: {  	vm14 =	vlt.s32 v8, $0x1400;
	vm1 =	vgt.s32 v62, $0x0  }
0x9d: {  	v8 =	vnsel vm14, $0x1400, v8;
	v63 =	vsel vm1, $0x10, v0  }
0x9e: {  	v10 =	vadd.s32 v8, v63  }
0x9f: {  	vm15 =	vlt.s32 v10, $0x1400  }
0xa0: {  	v10 =	vnsel vm15, $0x1400, v10  }
0xa1: {  	v10 =	vxor.u32 $0x80000000, v10  }
0xa2: {  	(xrf0) =	vmax.scan.msk.u32 $0xffff, v10;
	_ =	sdelay $0x5  }
0xa3: {  	v10, _, _ =	vpop (xrf0)  }
0xa4: {  	(v2sf) =	vpush v10, $0xF;
	_ =	sdelay $0xe  }
0xa5: {  	s28 =	spop (v2sf)  }
0xa6: {  	s5 =	sxor.u32 $0x80000000, s28  }
0xa7: {  	p1 =	sgt.s32 s28, $0xFFFFFFFF;
	s0 =	sand.u32 $0xF, s28;
	p0 =	slt.s32 s5, $0x1  }
0xa8: {  	s9 =	sshra.s32 s5, $0x1F;
	p4 =	sne.s32 s0, $0x0;
	p0 =	por p1, p0  }
0xa9: {  	s29 =	sshrl.u32 s9, $0x1C;
	p0 =	por !p4, !p0  }
0xaa: {  	s0 =	sadd.s32 s29, s5;
	s5 =	simm.s32 $0x1;
	p0 =	por !p0, !p0  }
0xab: {  	s0 =	sshra.s32 s0, $0x4;
	s5 =	simm.s32 @!p0 $0x0  }
0xac: {  	s0 =	ssub.s32 s0, s5  }
0xad: {  	s5 =	sadd.s32 $0x3, s0  }
0xae: {  	s30 =	sand.u32 $0x3, s5  }
0xaf: {  	p5 =	slt.s32 s0, $0xFFFFFFFE;
	p6 =	sne.s32 s30, $0x0  }
0xb0: {  	v7 =	vmax.f32 v56, v7;
	v8 =	vadd.s32 v1, v8;
	s31 =	sshrl.u32 s5, $0x1E;
	p0 =	por !p5, !p6  }
0xb1: {  	v7 =	vmin.f32 v7, v9;
	s9 =	simm.s32 $0x1;
	s5 =	sadd.s32 s31, s5;
	p0 =	por !p0, !p0  }
0xb2: {  	v7 =	vmax.f32 v11, v7;
	s5 =	sshra.s32 s5, $0x2;
	s9 =	simm.s32 @!p0 $0x0  }
0xb3: {  	(xrf0) =	vmin.scan.msk.f32 $0xffff, v7;
	s5 =	ssub.s32 s5, s9  }
0xb4: {  	p0 =	slt.s32 s5, $0x1  }
.Ltmp5:
0xb5: {  	[tilespmem:v8+s15+$0x0] =	vst.idx.msk $0xffff, v9;
	s0 =	sshll.u32 s0, $0x6;
	(pc) =	sbr.rel @p0 .LBB2_5-.Ltmp5, $4  }
0xb6: {  	[tilespmem:v8+s16+$0x0] =	vst.idx.msk $0xffff, v3;
	s0 =	sshra.s32 s0, $0x2  }
0xb7: {  	[tilespmem:s0+$0x7580] =	vst v4  }
0xb8: {  	[tilespmem:s0+$0x7590] =	vst v4  }
0xb9: {  	v7, _, _ =	vpop (xrf0);
	[tilespmem:s0+$0x75A0] =	vst v4  }
0xba: {  	s0 =	simm.s32 $0x75A0  }
0xbb: {  	v8 =	vld [tilespmem:s0+$0xFFFFFFE0];
	_ =	sdelay $0x1  }
0xbc: {  	v11 =	vld [tilespmem:s0+$0xFFFFFFF0]  }
0xbd: {  	v7 =	vbroadcast v7, $0xF  }
0xbe: {  	v12 =	vld [tilespmem:s0+$0x0]  }
0xbf: {  	vm2 =	vge.f32 v8, v7  }
0xc0: {  	v13 =	vld [tilespmem:s0+$0x10];
	v9 =	vsel vm2, $0x1, v0  }
0xc1: {  	vm3 =	vge.f32 v11, v7;
	(xrf0) =	vadd.scan.msk.s32 $0xffff, v9  }
0xc2: {  	v9 =	vsel vm3, $0x1, v0  }
0xc3: {  	vm1 =	vge.f32 v12, v7;
	(xrf0) =	vadd.scan.msk.s32 $0xffff, v9  }
0xc4: {  	v9 =	vsel vm1, $0x1, v0  }
0xc5: {  	vm0 =	vge.f32 v13, v7;
	(xrf0) =	vadd.scan.msk.s32 $0xffff, v9  }
0xc6: {  	v9 =	vsel vm0, $0x1, v0  }
0xc7: {  	v10 =	vimm.s32 $0xFFFFFFFF;
	v14 =	vmpcnt.ones.xlane vm2;
	v15, _, _ =	vpop (xrf0);
	(xrf0) =	vadd.scan.msk.s32 $0xffff, v9  }
0xc8: {  	v61 =	vmpcnt.ones.xlane vm3;
	v9 =	vadd.s32 v10, v15  }
0xc9: {  	v10 =	vadd.s32 v10, v14;
	v62, _, _ =	vpop (xrf0);
	vm4 =	vlt.s32 v9, $0x13F0  }
0xca: {  	s23 =	simm.s32 $0x8AA0;
	v14 =	vadd.s32 v62, v10;
	v10 =	vadd.s32 v61, v10;
	v16 =	vnsel vm4, $0x13F0, v9  }
0xcb: {  	v63 =	vld [tilespmem:s23+$0xFFFFFFE0];
	v17 =	vmpcnt.ones.xlane vm1;
	v18, _, _ =	vpop (xrf0);
	vm13 =	vlt.s32 v14, $0x13F0  }
0xcc: {  	v18 =	vadd.s32 v18, v10;
	v14 =	vnsel vm13, $0x13F0, v14  }
0xcd: {  	v19 =	vld [tilespmem:s23+$0xFFFFFFF0];
	v17 =	vadd.s32 v17, v10;
	vm14 =	vlt.s32 v18, $0x13F0;
	v10, _, _ =	vpop (xrf0)  }
0xce: {  	v20 =	vld [tilespmem:s23+$0x0];
	v18 =	vnsel vm14, $0x13F0, v18;
	v10 =	vadd.s32 v10, v17  }
0xcf: {  	v9 =	vld [tilespmem:s23+$0x10];
	[tilespmem:v16+s15+$0x0] =	vst.idx.msk vm2, v8;
	vm15 =	vlt.s32 v10, $0x13F0  }
0xd0: {  	p0 =	sne.s32 s5, $0x1;
	[tilespmem:v16+s16+$0x0] =	vst.idx.msk vm2, v63;
	v10 =	vnsel vm15, $0x13F0, v10  }
.Ltmp6:
0xd1: {  	[tilespmem:v14+s15+$0x0] =	vst.idx.msk vm3, v11;
	(pc) =	sbr.rel @!p0 .LBB2_8-.Ltmp6, $4  }
0xd2: {  	[tilespmem:v14+s16+$0x0] =	vst.idx.msk vm3, v19  }
0xd3: {  	v8 =	vmpcnt.ones.xlane vm0;
	[tilespmem:v18+s15+$0x0] =	vst.idx.msk vm1, v12  }
0xd4: {  	[tilespmem:v18+s16+$0x0] =	vst.idx.msk vm1, v20  }
0xd5: {  	s13 =	sadd.s32 $0xFFFFFFFF, s5;
	v8 =	vadd.s32 v8, v17;
	[tilespmem:v10+s15+$0x0] =	vst.idx.msk vm0, v13  }
.LBB2_7:
0xd6: {  	p0 =	sne.s32 s13, $0x1;
	[tilespmem:v10+s16+$0x0] =	vst.idx.msk vm0, v9;
	s23 =	sadd.s32 $0x40, s23;
	s0 =	sadd.s32 $0x40, s0  }
0xd7: {  	s13 =	sadd.s32 $0xFFFFFFFF, s13;
	v10 =	vld [tilespmem:s0+$0xFFFFFFE0];
	_ =	sdelay $0x1  }
0xd8: {  	v11 =	vld [tilespmem:s0+$0xFFFFFFF0];
	_ =	sdelay $0x1  }
0xd9: {  	v12 =	vld [tilespmem:s0+$0x0]  }
0xda: {  	vm1 =	vge.f32 v10, v7  }
0xdb: {  	v13 =	vld [tilespmem:s0+$0x10];
	v9 =	vsel vm1, $0x1, v0;
	v14 =	vmpcnt.ones.xlane vm1  }
0xdc: {  	vm2 =	vge.f32 v11, v7;
	(xrf0) =	vadd.scan.msk.s32 $0xffff, v9  }
0xdd: {  	v9 =	vsel vm2, $0x1, v0;
	v15 =	vmpcnt.ones.xlane vm2  }
0xde: {  	vm3 =	vge.f32 v12, v7;
	(xrf0) =	vadd.scan.msk.s32 $0xffff, v9  }
0xdf: {  	v9 =	vsel vm3, $0x1, v0;
	v16 =	vmpcnt.ones.xlane vm3  }
0xe0: {  	vm0 =	vge.f32 v13, v7;
	(xrf0) =	vadd.scan.msk.s32 $0xffff, v9  }
0xe1: {  	v9 =	vsel vm0, $0x1, v0  }
0xe2: {  	v17, _, _ =	vpop (xrf0);
	(xrf0) =	vadd.scan.msk.s32 $0xffff, v9  }
0xe3: {  	v9 =	vadd.s32 v8, v17  }
0xe4: {  	v17 =	vmpcnt.ones.xlane vm0;
	v8 =	vadd.s32 v8, v14;
	vm4 =	vlt.s32 v9, $0x13F0;
	v14, _, _ =	vpop (xrf0)  }
0xe5: {  	v18 =	vnsel vm4, $0x13F0, v9;
	v14 =	vadd.s32 v14, v8;
	v8 =	vadd.s32 v15, v8  }
0xe6: {  	v15 =	vld [tilespmem:s23+$0xFFFFFFE0];
	vm4 =	vlt.s32 v14, $0x13F0;
	v16 =	vadd.s32 v16, v8;
	v19, _, _ =	vpop (xrf0)  }
0xe7: {  	v9 =	vld [tilespmem:s23+$0x10];
	v14 =	vnsel vm4, $0x13F0, v14;
	v19 =	vadd.s32 v19, v8;
	v8 =	vadd.s32 v17, v16  }
0xe8: {  	v17 =	vld [tilespmem:s23+$0xFFFFFFF0];
	vm4 =	vlt.s32 v19, $0x13F0;
	v20, _, _ =	vpop (xrf0)  }
0xe9: {  	v21 =	vld [tilespmem:s23+$0x0];
	v19 =	vnsel vm4, $0x13F0, v19;
	v16 =	vadd.s32 v20, v16  }
0xea: {  	[tilespmem:v18+s15+$0x0] =	vst.idx.msk vm1, v10;
	vm4 =	vlt.s32 v16, $0x13F0  }
0xeb: {  	[tilespmem:v18+s16+$0x0] =	vst.idx.msk vm1, v15;
	v10 =	vnsel vm4, $0x13F0, v16  }
.Ltmp7:
0xec: {  	[tilespmem:v14+s15+$0x0] =	vst.idx.msk vm2, v11;
	(pc) =	sbr.rel @p0 .LBB2_7-.Ltmp7, $4  }
0xed: {  	[tilespmem:v14+s16+$0x0] =	vst.idx.msk vm2, v17  }
0xee: {  	[tilespmem:v19+s15+$0x0] =	vst.idx.msk vm3, v12  }
0xef: {  	[tilespmem:v19+s16+$0x0] =	vst.idx.msk vm3, v21  }
0xf0: {  	[tilespmem:v10+s15+$0x0] =	vst.idx.msk vm0, v13  }
.LBB2_8:
0xf1: {  	_ = 	snop  }
.Ltmp8:
0xf2: {  	_ = 	snop;
	(pc) =	sbr.rel .LBB2_9-.Ltmp8, $2  }
0xf3: {  	_ =	sdelay $0x2  }
0xf4: {  	[tilespmem:v10+s16+$0x0] =	vst.idx.msk vm0, v9;
	v7 =	vxor.u32 $0x80000000, v8  }
.LBB2_5:
0xf5: {  	v7 =	vimm.s32 $0x7FFFFFFF  }
.LBB2_9:
0xf6: {  	(xrf0) =	vmax.scan.msk.u32 $0xffff, v7;
	_ =	sdelay $0x5  }
0xf7: {  	v7, _, _ =	vpop (xrf0)  }
0xf8: {  	(v2sf) =	vpush v7, $0xF;
	_ =	sdelay $0xe  }
0xf9: {  	s0 =	spop (v2sf)  }
0xfa: {  	s0 =	sadd.s32 $0x80000001, s0  }
0xfb: {  	p0 =	slt.s32 s0, $0x13F0  }
0xfc: {  	p1 =	slt.s32 s0, $0xFFFFFFF2;
	s0 =	simm.s32 @!p0 $0x13F0  }
0xfd: {  	s5 =	sadd.s32 $0xF, s0  }
0xfe: {  	s9 =	sand.u32 $0xF, s5  }
0xff: {  	s31 =	sshra.s32 s5, $0x1F;
	p6 =	sne.s32 s9, $0x0  }
0x100: {  	s9 =	sshrl.u32 s31, $0x1C;
	p0 =	por !p1, !p6  }
0x101: {  	s5 =	sadd.s32 s9, s5;
	s9 =	simm.s32 $0x1;
	p0 =	por !p0, !p0  }
0x102: {  	s5 =	sshra.s32 s5, $0x4;
	s9 =	simm.s32 @!p0 $0x0  }
0x103: {  	s26 =	ssub.s32 s5, s9  }
0x104: {  	p0 =	slt.s32 s26, $0x1  }
.Ltmp9:
0x105: {  	_ = 	snop;
	(pc) =	sbr.rel @p0 .LBB2_10-.Ltmp9, $3  }
0x106: {  	_ =	sdelay $0x1  }
0x107: {  	v8 =	vimm.f32 $-Inf  }
0x108: {  	v7 =	vimm.s32 $0x0;
	[tilespmem:s0+$0x7580] =	vst v8  }
0x109: {  	p1 =	sne.s32 s26, $0x1  }
.Ltmp10:
0x10a: {  	_ = 	snop;
	(pc) =	sbr.rel @!p1 .LBB2_12-.Ltmp10, $4  }
0x10b: {  	_ = 	snop  }
0x10c: {  	s23 =	simm.s32 $0x7580  }
0x10d: {  	s0 =	simm.s32 $0x8A80;
	v11 =	vld [tilespmem:s23+$0x0]  }
0x10e: {  	p2 =	por $0x0, $0x0;
	v12 =	vld [tilespmem:s0+$0x0];
	s0 =	sadd.s32 $0xFFFFFFFF, s26  }
0x10f: {  	_ =	sdelay $0x3  }
0x110: {  	(xrf1) =	vsort.ascd.msk.f32 $0xffff, v11, v12;
	_ =	sdelay $0xd  }
0x111: {  	v9, v10, _ =	vpop (xrf1)  }
0x112: {  	vm0 =	vge.f32 v8, v9  }
0x113: {  	v9 =	vsel vm0, v8, v9;
	v10 =	vsel vm0, v7, v10  }
0x114: {  	(xrf1) =	vsort.ascd.msk.f32 $0xffff, v9, v10;
	_ =	sdelay $0x6  }
0x115: {  	p3 =	sne.s32 s0, $0x1  }
.Ltmp11:
0x116: {  	s5 =	simm.s32 $0x7590;
	(pc) =	sbr.rel @!p3 .LBB2_14-.Ltmp11, $3  }
0x117: {  	s13 =	simm.s32 $0x8A90;
	v11 =	vld [tilespmem:s5+$0x0]  }
0x118: {  	v12 =	vld [tilespmem:s13+$0x0];
	_ =	sdelay $0x1  }
0x119: {  	s28 =	sadd.s32 $0xFFFFFFFF, s0;
	p2 =	por $0x1, $0x1;
	v10 =	vimm.f32 $-Inf;
	v9 =	vimm.s32 $0x0  }
.LBB2_15:
0x11a: {  	p3 =	sne.s32 s28, $0x1  }
0x11b: {  	v13, v14, _ =	vpop (xrf1)  }
0x11c: {  	(xrf1) =	vsort.ascd.msk.f32 $0xffff, v11, v12;
	vm0 =	vge.f32 v10, v13  }
0x11d: {  	v11 =	vsel vm0, v10, v13;
	v10 =	vsel vm0, v13, v10;
	v12 =	vsel vm0, v14, v9  }
0x11e: {  	v9 =	vsel vm0, v9, v14;
	(xrf1) =	vsort.dscd.msk.f32 $0xffff, v10, v12  }
0x11f: {  	(xrf1) =	vsort.dscd.msk.f32 $0xffff, v11, v9;
	_ =	sdelay $0xa  }
0x120: {  	v11, v12, _ =	vpop (xrf1);
	_ =	sdelay $0x1  }
0x121: {  	v13, v14, _ =	vpop (xrf1)  }
0x122: {  	vm0 =	vge.f32 v13, v11;
	v10, v9, _ =	vpop (xrf1)  }
0x123: {  	v11 =	vsel vm0, v13, v11;
	v12 =	vsel vm0, v14, v12  }
0x124: {  	(xrf1) =	vsort.ascd.msk.f32 $0xffff, v11, v12;
	_ =	sdelay $0x7  }
.Ltmp12:
0x125: {  	s5 =	sadd.s32 $0x10, s5;
	(pc) =	sbr.rel @p3 .LBB2_15-.Ltmp12, $3  }
0x126: {  	s13 =	sadd.s32 $0x10, s13;
	v11 =	vld [tilespmem:s5+$0x0]  }
0x127: {  	v12 =	vld [tilespmem:s13+$0x0];
	_ =	sdelay $0x1  }
0x128: {  	s28 =	sadd.s32 $0xFFFFFFFF, s28  }
.LBB2_16:
0x129: {  	_ = 	snop  }
0x12a: {  	v13, v14, _ =	vpop @p2 (xrf1)  }
0x12b: {  	vm0 =	vge.f32 @p2 v10, v13  }
0x12c: {  	(xrf1) =	vsort.ascd.msk.f32 $0xffff, v11, v12;
	v11 =	vsel @p2 vm0, v13, v10;
	v12 =	vsel @p2 vm0, v14, v9  }
0x12d: {  	(xrf1) =	vsort.dscd.msk.f32 @p2 $0xffff, v11, v12;
	_ =	sdelay $0xc  }
0x12e: {  	v11, v12, _ =	vpop (xrf1)  }
0x12f: {  	v15, v16, _ =	vpop @p2 (xrf1)  }
0x130: {  	v10 =	vsel @p2 vm0, v10, v13;
	v13 =	vpsel p2, v15, v8  }
0x131: {  	v9 =	vsel @p2 vm0, v9, v14;
	v14 =	vpsel p2, v16, v7;
	vm0 =	vge.f32 v13, v11  }
0x132: {  	(xrf1) =	vsort.dscd.msk.f32 @p2 $0xffff, v10, v9;
	v9 =	vsel vm0, v13, v11;
	v10 =	vsel vm0, v14, v12  }
0x133: {  	(xrf1) =	vsort.ascd.msk.f32 $0xffff, v9, v10;
	_ =	sdelay $0xc  }
0x134: {  	v9, v10, _ =	vpop @p2 (xrf1)  }
0x135: {  	v8 =	vpsel p2, v9, v8;
	v9, v11, _ =	vpop (xrf1)  }
0x136: {  	v7 =	vpsel p2, v10, v7;
	vm0 =	vge.f32 v8, v9  }
0x137: {  	v10 =	vsel vm0, v9, v8;
	v12 =	vsel vm0, v11, v7  }
0x138: {  	(xrf1) =	vsort.dscd.msk.f32 $0xffff, v10, v12;
	_ =	sdelay $0x8  }
0x139: {  	v8 =	vsel vm0, v8, v9;
	v7 =	vsel vm0, v7, v11  }
0x13a: {  	(xrf1) =	vsort.dscd.msk.f32 $0xffff, v8, v7;
	_ =	sdelay $0x3  }
0x13b: {  	v8, v7, _ =	vpop (xrf1)  }
0x13c: {  	(xrf0) =	vmin.scan.msk.f32 $0xffff, v8;
	_ =	sdelay $0x3  }
0x13d: {  	v13 =	vld [tilespmem:s23+$0x0]  }
.Ltmp13:
0x13e: {  	_ = 	snop;
	(pc) =	sbr.rel @!p1 .LBB2_18-.Ltmp13, $3  }
0x13f: {  	v9, _, _ =	vpop (xrf0)  }
0x140: {  	v12 =	vbroadcast v9, $0xF;
	_ =	sdelay $0x1  }
0x141: {  	s5 =	simm.s32 $0x7590;
	v11 =	vimm.s32 $0x0;
	v10, v9, _ =	vpop (xrf1);
	vm0 =	vge.f32 v13, v12  }
.LBB2_17:
0x142: {  	v13 =	vld [tilespmem:s5+$0x0];
	p1 =	sne.s32 s0, $0x1;
	s0 =	sadd.s32 $0xFFFFFFFF, s0;
	v14 =	vmpcnt.ones.xlane vm0  }
.Ltmp14:
0x143: {  	(pc) =	sbr.rel @p1 .LBB2_17-.Ltmp14, $2  }
0x144: {  	v11 =	vadd.s32 v11, v14;
	_ =	sdelay $0x2  }
0x145: {  	s5 =	sadd.s32 $0x10, s5;
	vm0 =	vge.f32 v13, v12  }
.LBB2_18:
.Ltmp15:
0x146: {  	(pc) =	sbr.rel .LBB2_19-.Ltmp15, $3  }
0x147: {  	v12 =	vmpcnt.ones.xlane vm0;
	_ =	sdelay $0x1  }
0x148: {  	v11 =	vadd.s32 v11, v12  }
0x149: {  	v11 =	vxor.u32 $0x80000000, v11  }
.LBB2_10:
0x14a: {  	v11 =	vimm.s32 $0x80000000;
	v9 =	vimm.s32 $0x0;
	v10 =	vimm.f32 $-Inf  }
.LBB2_19:
0x14b: {  	_ = 	snop  }
0x14c: {  	v12 =	vor.u32 $0x10, v1  }
0x14d: {  	[tilespmem:$0x9F80] =	vst v10;
	v13 =	vadd.s32 $0x1, v1  }
0x14e: {  	[tilespmem:$0x9F90] =	vst v8  }
0x14f: {  	v14 =	vld.idx.msk [tilespmem:v1+s17+$0x0], $0xffff  }
0x150: {  	v15 =	vld.idx.msk [tilespmem:v2+s17+$0x0], $0xffff  }
0x151: {  	v12 =	vld.idx.msk [tilespmem:v12+s17+$0x0], $0xffff  }
0x152: {  	v13 =	vld.idx.msk [tilespmem:v13+s17+$0x0], $0xffff;
	_ =	sdelay $0x3  }
0x153: {  	vm1 =	vmmov $0x7fff;
	vm0 =	veq.f32 v12, v15  }
0x154: {  	vm2 =	veq.f32 v14, v13;
	vm0 =	vmand vm0, vm1  }
0x155: {  	vm0 =	vmor vm2, vm0  }
0x156: {  	v63 =	vmpcnt.ones.xlane vm0;
	_ =	sdelay $0x1  }
0x157: {  	(xrf0) =	vmax.scan.msk.u32 $0xffff, v11;
	v11 =	vxor.u32 $0x80000000, v63  }
0x158: {  	(xrf0) =	vmax.scan.msk.u32 $0xffff, v11;
	_ =	sdelay $0x4  }
0x159: {  	v11, _, _ =	vpop (xrf0)  }
0x15a: {  	(v2sf) =	vpush v11, $0xF;
	v11, _, _ =	vpop (xrf0)  }
0x15b: {  	(v2sf) =	vpush v11, $0xF;
	_ =	sdelay $0xd  }
0x15c: {  	s0 =	spop (v2sf)  }
0x15d: {  	p1 =	sne.s32 s0, $0x80000020;
	s0 =	spop (v2sf)  }
0x15e: {  	p2 =	slt.u32 @!p1 s0, $0x80000001  }
0x15f: {  	p2 =	por p1, !p2  }
.Ltmp16:
0x160: {  	_ = 	snop;
	(pc) =	sbr.rel @!p2 .LBB2_31-.Ltmp16, $1  }
0x161: {  	_ =	sdelay $0x3  }
.Ltmp17:
0x162: {  	(pc) =	sbr.rel .LBB2_21-.Ltmp17, $3  }
0x163: {  	_ =	sdelay $0x1  }
0x164: {  	v7 =	vpsel p1, $0x0, v0;
	s0 =	simm.s32 $0x0  }
0x165: {  	v8 =	vpsel p1, $0xFF800000, v4;
	v9 =	vpsel p1, $0x0, v0;
	v10 =	vpsel p1, $0xFF800000, v4;
	s0 =	simm.s32 @p1 $0x0  }
.LBB2_29:
0x166: {  	vm0 =	veq.f32 v13, v11;
	vm1 =	veq.s32 v14, v12  }
0x167: {  	vm0 =	vmand vm0, vm1  }
0x168: {  	v13 =	vsel vm0, $0xFF800000, v13  }
0x169: {  	[tilespmem:s5+$0x0] =	vst v13  }
.LBB2_30:
0x16a: {  	s5 =	sand.u32 $0xF, s0;
	p1 =	sgt.u32 s0, $0xF;
	s0 =	sadd.s32 $0x1, s0  }
0x16b: {  	p2 =	sne.s32 s0, $0x20  }
.Ltmp18:
0x16c: {  	v13 =	vmov s5;
	v14 =	vlaneseq.u32 @p1;
	v15 =	vlaneseq.u32 @!p1;
	(pc) =	sbr.rel @!p2 .LBB2_31-.Ltmp18, $4  }
0x16d: {  	vm0 =	veq.s32 @p1 v13, v14;
	vm1 =	veq.s32 @!p1 v13, v15  }
0x16e: {  	v13 =	vsel @p1 vm0, v11, v8;
	v11 =	vsel @!p1 vm1, v11, v10  }
0x16f: {  	v14 =	vsel @p1 vm0, v12, v7;
	v12 =	vsel @!p1 vm1, v12, v9;
	v10 =	vpsel p1, v10, v11  }
0x170: {  	v9 =	vpsel p1, v9, v12;
	v8 =	vpsel p1, v13, v8;
	v7 =	vpsel p1, v14, v7  }
.LBB2_21:
.Ltmp19:
0x171: {  	(pc) =	sbr.rel @p0 .LBB2_22-.Ltmp19, $2  }
0x172: {  	_ =	sdelay $0x2  }
0x173: {  	v12 =	vimm.f32 $-Inf  }
0x174: {  	s9 =	simm.s32 $0x7580  }
0x175: {  	s5 =	simm.s32 $0x8A80;
	p1 =	sne.s32 s26, $0x1;
	v13 =	vld [tilespmem:s9+$0x0]  }
.Ltmp20:
0x176: {  	v14 =	vld [tilespmem:s5+$0x0];
	(pc) =	sbr.rel @!p1 .LBB2_25-.Ltmp20, $2  }
0x177: {  	_ =	sdelay $0x2  }
0x178: {  	v11 =	vimm.s32 $0x7FFFFFFF;
	s13 =	sadd.s32 $0xFFFFFFFF, s26;
	s23 =	simm.s32 $0x7590  }
.LBB2_24:
0x179: {  	v15 =	vld [tilespmem:s23+$0x0];
	vm0 =	veq.f32 v13, v12;
	vm1 =	vlt.s32 v14, v11;
	s5 =	sadd.s32 $0x10, s5;
	v16 =	vmov v14;
	p1 =	sne.s32 s13, $0x1  }
.Ltmp21:
0x17a: {  	s13 =	sadd.s32 $0xFFFFFFFF, s13;
	vm2 =	vgt.f32 v13, v12;
	v14 =	vld [tilespmem:s5+$0x0];
	vm0 =	vmand vm0, vm1;
	(pc) =	sbr.rel @p1 .LBB2_24-.Ltmp21, $3  }
0x17b: {  	vm0 =	vmor vm2, vm0  }
0x17c: {  	v12 =	vsel vm0, v13, v12;
	v11 =	vsel vm0, v16, v11;
	_ =	sdelay $0x1  }
0x17d: {  	s23 =	sadd.s32 $0x10, s23;
	v13 =	vmov v15  }
.LBB2_25:
.Ltmp22:
0x17e: {  	vm0 =	veq.f32 v13, v12;
	vm1 =	vlt.s32 v14, v11;
	(pc) =	sbr.rel .LBB2_26-.Ltmp22, $4  }
0x17f: {  	vm2 =	vgt.f32 v13, v12;
	vm0 =	vmand vm0, vm1  }
0x180: {  	vm0 =	vmor vm2, vm0  }
0x181: {  	v11 =	vsel vm0, v14, v11  }
0x182: {  	v12 =	vsel vm0, v13, v12;
	v13 =	vxor.u32 $0x80000000, v11  }
.LBB2_22:
0x183: {  	v13 =	vimm.s32 $0xFFFFFFFF  }
.LBB2_26:
0x184: {  	(xrf0) =	vmax.scan.msk.f32 $0xffff, v12;
	_ =	sdelay $0x5  }
0x185: {  	v11, _, _ =	vpop (xrf0)  }
0x186: {  	v11 =	vbroadcast v11, $0xF;
	_ =	sdelay $0x1  }
0x187: {  	vm0 =	veq.f32 v12, v11  }
0x188: {  	v12 =	vnsel vm0, $0xFFFFFFFF, v13  }
0x189: {  	(xrf0) =	vmin.scan.msk.u32 $0xffff, v12;
	_ =	sdelay $0x5  }
0x18a: {  	v12, _, _ =	vpop (xrf0)  }
0x18b: {  	(v2sf) =	vpush v12, $0xF;
	_ =	sdelay $0xc  }
.Ltmp23:
0x18c: {  	_ = 	snop;
	(pc) =	sbr.rel @p0 .LBB2_30-.Ltmp23, $4  }
0x18d: {  	_ = 	snop  }
0x18e: {  	s5 =	spop (v2sf)  }
0x18f: {  	s5 =	sxor.u32 $0x80000000, s5  }
0x190: {  	v12 =	vmov s5  }
0x191: {  	s5 =	simm.s32 $0x7580  }
0x192: {  	s13 =	simm.s32 $0x8A80;
	p1 =	sne.s32 s26, $0x1;
	v13 =	vld [tilespmem:s5+$0x0]  }
.Ltmp24:
0x193: {  	v14 =	vld [tilespmem:s13+$0x0];
	(pc) =	sbr.rel @!p1 .LBB2_29-.Ltmp24, $2  }
0x194: {  	_ =	sdelay $0x2  }
0x195: {  	s23 =	sadd.s32 $0xFFFFFFFF, s26  }
.LBB2_28:
0x196: {  	p1 =	sne.s32 s23, $0x1;
	_ =	sdelay $0x3  }
0x197: {  	vm0 =	veq.f32 v13, v11;
	vm1 =	veq.s32 v14, v12  }
.Ltmp25:
0x198: {  	vm0 =	vmand vm0, vm1;
	(pc) =	sbr.rel @p1 .LBB2_28-.Ltmp25, $4  }
0x199: {  	v13 =	vsel vm0, $0xFF800000, v13  }
0x19a: {  	[tilespmem:s5+$0x0] =	vst v13;
	s5 =	sadd.s32 $0x10, s5  }
0x19b: {  	s13 =	sadd.s32 $0x10, s13;
	v13 =	vld [tilespmem:s5+$0x0]  }
0x19c: {  	s23 =	sadd.s32 $0xFFFFFFFF, s23;
	v14 =	vld [tilespmem:s13+$0x0]  }
.Ltmp26:
0x19d: {  	_ = 	snop;
	(pc) =	sbr.rel .LBB2_29-.Ltmp26, $1  }
0x19e: {  	_ =	sdelay $0x3  }
.LBB2_12:
.Ltmp27:
0x19f: {  	(pc) =	sbr.rel .LBB2_16-.Ltmp27, $2  }
0x1a0: {  	_ =	sdelay $0x2  }
0x1a1: {  	v10 =	vimm.f32 $-Inf;
	v9 =	vimm.s32 $0x0  }
.LBB2_14:
.Ltmp28:
0x1a2: {  	(pc) =	sbr.rel .LBB2_16-.Ltmp28, $2  }
0x1a3: {  	_ =	sdelay $0x2  }
0x1a4: {  	v10 =	vimm.f32 $-Inf;
	v9 =	vimm.s32 $0x0  }
.LBB2_33:
0x1a5: {  	_ =	sfence.sel $0x180000  }
0x1a6: {  	[bflag:$0x0] =	sbarrier.arrive $0xFFFF  }
0x1a7: {  	_ =	strace $0x90000047  }
0x1a8: {  	s0 =	stileid.u32;
	[bflag:$0x2] =	sbarrier.arrive $0xFFFF  }
0x1a9: {  	p0 =	sne.s32 s0, $0x0;
	s0 =	rddreg [dreg:$0x4]  }
0x1aa: {  	s0 =	sadd.s32 @!p0 $0x100000, s0  }
0x1ab: {  	[sflag:s0] =	ssyncadd.tile.s32 @!p0 $0x1;
	_ =	shalt  }
.Lfunc_end2:
_tile_overlayer_lowered:
.L_overlay_start_2:
0x1ac: {  	(tag) =	ssettag $0x2  }
0x1ad: {  	s0 =	rddreg [dreg:$0x0];
	s2 =	stileid.u32  }
0x1ae: {  	s1 =	rddreg [dreg:$0x1];
	p0 =	sne.s32 s2, $0x0  }
0x1af: {  	s3 =	rddreg [dreg:$0x2];
	[bflag:$0x3] =	sbarrier.arrive $0xFFFF;
	s2 =	simm.s32 @!p0 $0x1C02  }
0x1b0: {  	[timem:s3], [sflag:s2] =	dma.local @!p0 [hbm:s0], s1  }
0x1b1: {  	s0 =	simm.s32 @!p0 $0x2  }
0x1b2: {  	_ =	swait.ge @!p0 [sflag:s0], s1  }
0x1b3: {  	s1 =	ssub.s32 @!p0 $0x0, s1;
	[sflag:s0] =	ssyncset.done @!p0 $0x0  }
0x1b4: {  	[sflag:s0] =	ssyncadd.s32 @!p0 s1  }
0x1b5: {  	[bflag:$0x3] =	sbarrier.arrive $0xFFFF  }
0x1b6: {  	_ =	shalt  }

</sc_bundles>
